<compile_context>
chip_gen: v7x
topology: tpu7x:2x2x1
jax: 0.10.2.dev20260603
libtpu: 0.0.44.dev20260713+nightly
codegen_flags: <defaults>
</compile_context>

<pallas_src>
import functools

import jax
import jax.numpy as jnp
from jax import lax
from jax.experimental import pallas as pl
from jax.experimental.pallas import tpu as pltpu
from jax.experimental.pallas import tpu_sc as plsc

_L = 16


@functools.cache
def _build(batch: int, n_fields: int, total_fields: int, col0: int,
           vocab: int):
    info = plsc.get_sparse_core_info()
    nc, ns = info.num_cores, info.num_subcores
    nw = nc * ns
    assert batch % (nw * _L) == 0
    b_w = batch // nw
    per_w = b_w * n_fields

    mesh = plsc.VectorSubcoreMesh(
        core_axis_name="c", subcore_axis_name="s", num_cores=nc,
        num_subcores=ns)

    @functools.partial(
        pl.kernel,
        out_type=jax.ShapeDtypeStruct((n_fields * batch,), jnp.float32),
        mesh=mesh,
        scratch_types=[
            pltpu.VMEM((per_w,), jnp.float32),
            pltpu.VMEM((per_w,), jnp.int32),
            pltpu.VMEM((per_w,), jnp.float32),
            pltpu.SemaphoreType.DMA,
        ],
    )
    def gather_kernel(*refs):
        tables = refs[:n_fields]
        xc_hbm, out_hbm, x_v, idx_v, g_v, sem = refs[n_fields:]
        wid = lax.axis_index("s") * nc + lax.axis_index("c")
        b0 = wid * b_w

        for i in range(n_fields):
            pltpu.sync_copy(
                xc_hbm.at[pl.ds((col0 + i) * batch + b0, b_w)],
                x_v.at[pl.ds(i * b_w, b_w)])

        def body(j, _):
            k = pl.ds(j * _L, _L)
            idx_v[k] = x_v[k].astype(jnp.int32)
            return 0

        lax.fori_loop(0, per_w // _L, body, 0, unroll=4)

        copies = []
        for i in range(n_fields):
            sl = pl.ds(i * b_w, b_w)
            copies.append(
                pltpu.async_copy(tables[i].at[idx_v.at[sl]], g_v.at[sl],
                                 sem))
        for c in copies:
            c.wait()
        for i in range(n_fields):
            sl = pl.ds(i * b_w, b_w)
            pltpu.sync_copy(g_v.at[sl],
                            out_hbm.at[pl.ds(i * batch + b0, b_w)])

    return gather_kernel


def kernel(x, emb_tables):
    b, f = x.shape
    vocab = emb_tables.shape[1]
    cols = [emb_tables[i, :, 0] for i in range(f)]
    xc = x.T.reshape(-1)
    f0 = f // 2
    k0 = _build(b, f0, f, 0, vocab)
    k1 = _build(b, f - f0, f, f0, vocab)
    out0 = k0(*cols[:f0], xc)
    out1 = k1(*cols[f0:], xc)
    out_cm = jnp.concatenate([out0, out1])
    return out_cm.reshape(f, b).T

# --- scband reference (transcript-rebuilt; emitter-appended) ---
"""Pipeline reference for scband-mixed-vector-8727373546137 (READ-ONLY COPY).

The authoritative reference and input builder live on the scoring server;
editing this copy changes nothing except your own understanding.
"""

import jax, jax.numpy as jnp
import numpy as np

DIMS = [1000000] * 26
BATCH = 16384


def setup_inputs(seed: int = 0) -> dict:
    key = jax.random.key(seed)
    k1, k2 = jax.random.split(key)
    # x holds integer-valued indices stored as float32 (module casts to long per column)
    x = jax.random.randint(k1, (BATCH, len(DIMS)), 0, 1000000).astype(jnp.float32)
    # one nn.Embedding(d, 1) per positive dim; nn.Embedding init is N(0,1).
    # All dims equal here, so stack tables into a single [n_fields, vocab, 1] array.
    emb_tables = jax.random.normal(k2, (len(DIMS), 1000000, 1), dtype=jnp.float32)
    return {"x": x, "emb_tables": emb_tables}


def reference(x, emb_tables):
    # Faithful translation: y starts as a copy of x; each column i with dim[i] > 0
    # is overwritten by the 1-dim embedding lookup emb_i(x[:, i].long()).
    y = x
    for i, d in enumerate(DIMS):
        if d <= 0:
            continue
        idx = x[:, i].astype(jnp.int32)
        col = jnp.take(emb_tables[i, :, 0], idx, axis=0)
        y = y.at[:, i].set(col)
    return y

if __name__ == "__main__":
    import jax
    _d = setup_inputs()
    print(jax.jit(kernel)(*tuple(_d.values())))

</pallas_src>

<mosaic_0001>
#map = affine_map<(d0, d1) -> (0)>
module attributes {stable_mosaic.version = 14 : i64} {
  func.func @gather_kernel(%arg0: i32, %arg1: i32, %arg2: memref<1000000xf32, #tpu.memory_space<hbm>>, %arg3: memref<1000000xf32, #tpu.memory_space<hbm>>, %arg4: memref<1000000xf32, #tpu.memory_space<hbm>>, %arg5: memref<1000000xf32, #tpu.memory_space<hbm>>, %arg6: memref<1000000xf32, #tpu.memory_space<hbm>>, %arg7: memref<1000000xf32, #tpu.memory_space<hbm>>, %arg8: memref<1000000xf32, #tpu.memory_space<hbm>>, %arg9: memref<1000000xf32, #tpu.memory_space<hbm>>, %arg10: memref<1000000xf32, #tpu.memory_space<hbm>>, %arg11: memref<1000000xf32, #tpu.memory_space<hbm>>, %arg12: memref<1000000xf32, #tpu.memory_space<hbm>>, %arg13: memref<1000000xf32, #tpu.memory_space<hbm>>, %arg14: memref<1000000xf32, #tpu.memory_space<hbm>>, %arg15: memref<425984xf32, #tpu.memory_space<hbm>>, %arg16: memref<212992xf32, #tpu.memory_space<hbm>>, %arg17: memref<6656xf32, #tpu.memory_space<vmem>>, %arg18: memref<6656xi32, #tpu.memory_space<vmem>>, %arg19: memref<6656xf32, #tpu.memory_space<vmem>>, %arg20: memref<!tpu.dma_semaphore, #tpu.memory_space<semaphore_mem>>) attributes {dimension_semantics = [#tpu.dimension_semantics<core_parallel>, #tpu.dimension_semantics<subcore_parallel>], iteration_bounds = array<i64: 2, 16>, scalar_prefetch = 0 : i64, scratch_operands = 4 : i64, tpu.core_type = #tpu.core_type<sc_vector_subcore>, window_params = [{transform_indices = #map}, {transform_indices = #map}, {transform_indices = #map}, {transform_indices = #map}, {transform_indices = #map}, {transform_indices = #map}, {transform_indices = #map}, {transform_indices = #map}, {transform_indices = #map}, {transform_indices = #map}, {transform_indices = #map}, {transform_indices = #map}, {transform_indices = #map}, {transform_indices = #map}, {transform_indices = #map}]} {
    %mul3A = arith.constant 2 : i32
    %mul3A_0 = arith.muli %arg1, %mul3A : i32
    %add3A = arith.addi %mul3A_0, %arg0 : i32
    %mul3A_1 = arith.constant 512 : i32
    %mul3A_2 = arith.muli %add3A, %mul3A_1 : i32
    %add3A_3 = arith.constant 0 : i32
    %add3A_4 = arith.addi %add3A_3, %mul3A_2 : i32
    "tpu.region"() ({
      %run_scoped3A = tpu.sem_alloc : memref<!tpu.dma_semaphore, #tpu.memory_space<semaphore_mem>>
      %dma_start3A_215 = arith.constant 0 : i32
      %dma_start3A_216 = tpu.memref_slice %arg17[%dma_start3A_215] : memref<6656xf32, #tpu.memory_space<vmem>> -> memref<512xf32, #tpu.memory_space<vmem>>
      %dma_start3A_217 = tpu.memref_slice %arg15[%add3A_4] : memref<425984xf32, #tpu.memory_space<hbm>> -> memref<512xf32, #tpu.memory_space<hbm>>
      %dma_start3A_218 = arith.constant 0 : i32
      %dma_start3A_219 = tpu.memref_slice %arg17[%dma_start3A_218] : memref<6656xf32, #tpu.memory_space<vmem>> -> memref<512xf32, #tpu.memory_space<vmem>>
      %dma_start3A_220 = tpu.memref_slice %arg15[%add3A_4] : memref<425984xf32, #tpu.memory_space<hbm>> -> memref<512xf32, #tpu.memory_space<hbm>>
      tpu.enqueue_dma source(%dma_start3A_220 : memref<512xf32, #tpu.memory_space<hbm>>) target(%dma_start3A_219 : memref<512xf32, #tpu.memory_space<vmem>>) target_semaphore(%run_scoped3A : memref<!tpu.dma_semaphore, #tpu.memory_space<semaphore_mem>>)
      %dma_wait3A_221 = arith.constant 0 : i32
      %dma_wait3A_222 = tpu.memref_slice %arg17[%dma_wait3A_221] : memref<6656xf32, #tpu.memory_space<vmem>> -> memref<512xf32, #tpu.memory_space<vmem>>
      %dma_wait3A_223 = tpu.memref_slice %arg15[%add3A_4] : memref<425984xf32, #tpu.memory_space<hbm>> -> memref<512xf32, #tpu.memory_space<hbm>>
      %dma_wait3A_224 = arith.constant 0 : i32
      %dma_wait3A_225 = tpu.memref_slice %arg17[%dma_wait3A_224] : memref<6656xf32, #tpu.memory_space<vmem>> -> memref<512xf32, #tpu.memory_space<vmem>>
      %dma_wait3A_226 = tpu.memref_slice %arg15[%add3A_4] : memref<425984xf32, #tpu.memory_space<hbm>> -> memref<512xf32, #tpu.memory_space<hbm>>
      tpu.wait_dma2 semaphore(%run_scoped3A : memref<!tpu.dma_semaphore, #tpu.memory_space<semaphore_mem>>) src(%dma_wait3A_226 : memref<512xf32, #tpu.memory_space<hbm>>) dst(%dma_wait3A_225 : memref<512xf32, #tpu.memory_space<vmem>>)
      tpu.yield
    }) : () -> ()
    %add3A_5 = arith.constant 16384 : i32
    %add3A_6 = arith.addi %add3A_5, %mul3A_2 : i32
    "tpu.region"() ({
      %run_scoped3A = tpu.sem_alloc : memref<!tpu.dma_semaphore, #tpu.memory_space<semaphore_mem>>
      %dma_start3A_215 = arith.constant 512 : i32
      %dma_start3A_216 = tpu.memref_slice %arg17[%dma_start3A_215] : memref<6656xf32, #tpu.memory_space<vmem>> -> memref<512xf32, #tpu.memory_space<vmem>>
      %dma_start3A_217 = tpu.memref_slice %arg15[%add3A_6] : memref<425984xf32, #tpu.memory_space<hbm>> -> memref<512xf32, #tpu.memory_space<hbm>>
      %dma_start3A_218 = arith.constant 512 : i32
      %dma_start3A_219 = tpu.memref_slice %arg17[%dma_start3A_218] : memref<6656xf32, #tpu.memory_space<vmem>> -> memref<512xf32, #tpu.memory_space<vmem>>
      %dma_start3A_220 = tpu.memref_slice %arg15[%add3A_6] : memref<425984xf32, #tpu.memory_space<hbm>> -> memref<512xf32, #tpu.memory_space<hbm>>
      tpu.enqueue_dma source(%dma_start3A_220 : memref<512xf32, #tpu.memory_space<hbm>>) target(%dma_start3A_219 : memref<512xf32, #tpu.memory_space<vmem>>) target_semaphore(%run_scoped3A : memref<!tpu.dma_semaphore, #tpu.memory_space<semaphore_mem>>)
      %dma_wait3A_221 = arith.constant 512 : i32
      %dma_wait3A_222 = tpu.memref_slice %arg17[%dma_wait3A_221] : memref<6656xf32, #tpu.memory_space<vmem>> -> memref<512xf32, #tpu.memory_space<vmem>>
      %dma_wait3A_223 = tpu.memref_slice %arg15[%add3A_6] : memref<425984xf32, #tpu.memory_space<hbm>> -> memref<512xf32, #tpu.memory_space<hbm>>
      %dma_wait3A_224 = arith.constant 512 : i32
      %dma_wait3A_225 = tpu.memref_slice %arg17[%dma_wait3A_224] : memref<6656xf32, #tpu.memory_space<vmem>> -> memref<512xf32, #tpu.memory_space<vmem>>
      %dma_wait3A_226 = tpu.memref_slice %arg15[%add3A_6] : memref<425984xf32, #tpu.memory_space<hbm>> -> memref<512xf32, #tpu.memory_space<hbm>>
      tpu.wait_dma2 semaphore(%run_scoped3A : memref<!tpu.dma_semaphore, #tpu.memory_space<semaphore_mem>>) src(%dma_wait3A_226 : memref<512xf32, #tpu.memory_space<hbm>>) dst(%dma_wait3A_225 : memref<512xf32, #tpu.memory_space<vmem>>)
      tpu.yield
    }) : () -> ()
    %add3A_7 = arith.constant 32768 : i32
    %add3A_8 = arith.addi %add3A_7, %mul3A_2 : i32
    "tpu.region"() ({
      %run_scoped3A = tpu.sem_alloc : memref<!tpu.dma_semaphore, #tpu.memory_space<semaphore_mem>>
      %dma_start3A_215 = arith.constant 1024 : i32
      %dma_start3A_216 = tpu.memref_slice %arg17[%dma_start3A_215] : memref<6656xf32, #tpu.memory_space<vmem>> -> memref<512xf32, #tpu.memory_space<vmem>>
      %dma_start3A_217 = tpu.memref_slice %arg15[%add3A_8] : memref<425984xf32, #tpu.memory_space<hbm>> -> memref<512xf32, #tpu.memory_space<hbm>>
      %dma_start3A_218 = arith.constant 1024 : i32
      %dma_start3A_219 = tpu.memref_slice %arg17[%dma_start3A_218] : memref<6656xf32, #tpu.memory_space<vmem>> -> memref<512xf32, #tpu.memory_space<vmem>>
      %dma_start3A_220 = tpu.memref_slice %arg15[%add3A_8] : memref<425984xf32, #tpu.memory_space<hbm>> -> memref<512xf32, #tpu.memory_space<hbm>>
      tpu.enqueue_dma source(%dma_start3A_220 : memref<512xf32, #tpu.memory_space<hbm>>) target(%dma_start3A_219 : memref<512xf32, #tpu.memory_space<vmem>>) target_semaphore(%run_scoped3A : memref<!tpu.dma_semaphore, #tpu.memory_space<semaphore_mem>>)
      %dma_wait3A_221 = arith.constant 1024 : i32
      %dma_wait3A_222 = tpu.memref_slice %arg17[%dma_wait3A_221] : memref<6656xf32, #tpu.memory_space<vmem>> -> memref<512xf32, #tpu.memory_space<vmem>>
      %dma_wait3A_223 = tpu.memref_slice %arg15[%add3A_8] : memref<425984xf32, #tpu.memory_space<hbm>> -> memref<512xf32, #tpu.memory_space<hbm>>
      %dma_wait3A_224 = arith.constant 1024 : i32
      %dma_wait3A_225 = tpu.memref_slice %arg17[%dma_wait3A_224] : memref<6656xf32, #tpu.memory_space<vmem>> -> memref<512xf32, #tpu.memory_space<vmem>>
      %dma_wait3A_226 = tpu.memref_slice %arg15[%add3A_8] : memref<425984xf32, #tpu.memory_space<hbm>> -> memref<512xf32, #tpu.memory_space<hbm>>
      tpu.wait_dma2 semaphore(%run_scoped3A : memref<!tpu.dma_semaphore, #tpu.memory_space<semaphore_mem>>) src(%dma_wait3A_226 : memref<512xf32, #tpu.memory_space<hbm>>) dst(%dma_wait3A_225 : memref<512xf32, #tpu.memory_space<vmem>>)
      tpu.yield
    }) : () -> ()
    %add3A_9 = arith.constant 49152 : i32
    %add3A_10 = arith.addi %add3A_9, %mul3A_2 : i32
    "tpu.region"() ({
      %run_scoped3A = tpu.sem_alloc : memref<!tpu.dma_semaphore, #tpu.memory_space<semaphore_mem>>
      %dma_start3A_215 = arith.constant 1536 : i32
      %dma_start3A_216 = tpu.memref_slice %arg17[%dma_start3A_215] : memref<6656xf32, #tpu.memory_space<vmem>> -> memref<512xf32, #tpu.memory_space<vmem>>
      %dma_start3A_217 = tpu.memref_slice %arg15[%add3A_10] : memref<425984xf32, #tpu.memory_space<hbm>> -> memref<512xf32, #tpu.memory_space<hbm>>
      %dma_start3A_218 = arith.constant 1536 : i32
      %dma_start3A_219 = tpu.memref_slice %arg17[%dma_start3A_218] : memref<6656xf32, #tpu.memory_space<vmem>> -> memref<512xf32, #tpu.memory_space<vmem>>
      %dma_start3A_220 = tpu.memref_slice %arg15[%add3A_10] : memref<425984xf32, #tpu.memory_space<hbm>> -> memref<512xf32, #tpu.memory_space<hbm>>
      tpu.enqueue_dma source(%dma_start3A_220 : memref<512xf32, #tpu.memory_space<hbm>>) target(%dma_start3A_219 : memref<512xf32, #tpu.memory_space<vmem>>) target_semaphore(%run_scoped3A : memref<!tpu.dma_semaphore, #tpu.memory_space<semaphore_mem>>)
      %dma_wait3A_221 = arith.constant 1536 : i32
      %dma_wait3A_222 = tpu.memref_slice %arg17[%dma_wait3A_221] : memref<6656xf32, #tpu.memory_space<vmem>> -> memref<512xf32, #tpu.memory_space<vmem>>
      %dma_wait3A_223 = tpu.memref_slice %arg15[%add3A_10] : memref<425984xf32, #tpu.memory_space<hbm>> -> memref<512xf32, #tpu.memory_space<hbm>>
      %dma_wait3A_224 = arith.constant 1536 : i32
      %dma_wait3A_225 = tpu.memref_slice %arg17[%dma_wait3A_224] : memref<6656xf32, #tpu.memory_space<vmem>> -> memref<512xf32, #tpu.memory_space<vmem>>
      %dma_wait3A_226 = tpu.memref_slice %arg15[%add3A_10] : memref<425984xf32, #tpu.memory_space<hbm>> -> memref<512xf32, #tpu.memory_space<hbm>>
      tpu.wait_dma2 semaphore(%run_scoped3A : memref<!tpu.dma_semaphore, #tpu.memory_space<semaphore_mem>>) src(%dma_wait3A_226 : memref<512xf32, #tpu.memory_space<hbm>>) dst(%dma_wait3A_225 : memref<512xf32, #tpu.memory_space<vmem>>)
      tpu.yield
    }) : () -> ()
    %add3A_11 = arith.constant 65536 : i32
    %add3A_12 = arith.addi %add3A_11, %mul3A_2 : i32
    "tpu.region"() ({
      %run_scoped3A = tpu.sem_alloc : memref<!tpu.dma_semaphore, #tpu.memory_space<semaphore_mem>>
      %dma_start3A_215 = arith.constant 2048 : i32
      %dma_start3A_216 = tpu.memref_slice %arg17[%dma_start3A_215] : memref<6656xf32, #tpu.memory_space<vmem>> -> memref<512xf32, #tpu.memory_space<vmem>>
      %dma_start3A_217 = tpu.memref_slice %arg15[%add3A_12] : memref<425984xf32, #tpu.memory_space<hbm>> -> memref<512xf32, #tpu.memory_space<hbm>>
      %dma_start3A_218 = arith.constant 2048 : i32
      %dma_start3A_219 = tpu.memref_slice %arg17[%dma_start3A_218] : memref<6656xf32, #tpu.memory_space<vmem>> -> memref<512xf32, #tpu.memory_space<vmem>>
      %dma_start3A_220 = tpu.memref_slice %arg15[%add3A_12] : memref<425984xf32, #tpu.memory_space<hbm>> -> memref<512xf32, #tpu.memory_space<hbm>>
      tpu.enqueue_dma source(%dma_start3A_220 : memref<512xf32, #tpu.memory_space<hbm>>) target(%dma_start3A_219 : memref<512xf32, #tpu.memory_space<vmem>>) target_semaphore(%run_scoped3A : memref<!tpu.dma_semaphore, #tpu.memory_space<semaphore_mem>>)
      %dma_wait3A_221 = arith.constant 2048 : i32
      %dma_wait3A_222 = tpu.memref_slice %arg17[%dma_wait3A_221] : memref<6656xf32, #tpu.memory_space<vmem>> -> memref<512xf32, #tpu.memory_space<vmem>>
      %dma_wait3A_223 = tpu.memref_slice %arg15[%add3A_12] : memref<425984xf32, #tpu.memory_space<hbm>> -> memref<512xf32, #tpu.memory_space<hbm>>
      %dma_wait3A_224 = arith.constant 2048 : i32
      %dma_wait3A_225 = tpu.memref_slice %arg17[%dma_wait3A_224] : memref<6656xf32, #tpu.memory_space<vmem>> -> memref<512xf32, #tpu.memory_space<vmem>>
      %dma_wait3A_226 = tpu.memref_slice %arg15[%add3A_12] : memref<425984xf32, #tpu.memory_space<hbm>> -> memref<512xf32, #tpu.memory_space<hbm>>
      tpu.wait_dma2 semaphore(%run_scoped3A : memref<!tpu.dma_semaphore, #tpu.memory_space<semaphore_mem>>) src(%dma_wait3A_226 : memref<512xf32, #tpu.memory_space<hbm>>) dst(%dma_wait3A_225 : memref<512xf32, #tpu.memory_space<vmem>>)
      tpu.yield
    }) : () -> ()
    %add3A_13 = arith.constant 81920 : i32
    %add3A_14 = arith.addi %add3A_13, %mul3A_2 : i32
    "tpu.region"() ({
      %run_scoped3A = tpu.sem_alloc : memref<!tpu.dma_semaphore, #tpu.memory_space<semaphore_mem>>
      %dma_start3A_215 = arith.constant 2560 : i32
      %dma_start3A_216 = tpu.memref_slice %arg17[%dma_start3A_215] : memref<6656xf32, #tpu.memory_space<vmem>> -> memref<512xf32, #tpu.memory_space<vmem>>
      %dma_start3A_217 = tpu.memref_slice %arg15[%add3A_14] : memref<425984xf32, #tpu.memory_space<hbm>> -> memref<512xf32, #tpu.memory_space<hbm>>
      %dma_start3A_218 = arith.constant 2560 : i32
      %dma_start3A_219 = tpu.memref_slice %arg17[%dma_start3A_218] : memref<6656xf32, #tpu.memory_space<vmem>> -> memref<512xf32, #tpu.memory_space<vmem>>
      %dma_start3A_220 = tpu.memref_slice %arg15[%add3A_14] : memref<425984xf32, #tpu.memory_space<hbm>> -> memref<512xf32, #tpu.memory_space<hbm>>
      tpu.enqueue_dma source(%dma_start3A_220 : memref<512xf32, #tpu.memory_space<hbm>>) target(%dma_start3A_219 : memref<512xf32, #tpu.memory_space<vmem>>) target_semaphore(%run_scoped3A : memref<!tpu.dma_semaphore, #tpu.memory_space<semaphore_mem>>)
      %dma_wait3A_221 = arith.constant 2560 : i32
      %dma_wait3A_222 = tpu.memref_slice %arg17[%dma_wait3A_221] : memref<6656xf32, #tpu.memory_space<vmem>> -> memref<512xf32, #tpu.memory_space<vmem>>
      %dma_wait3A_223 = tpu.memref_slice %arg15[%add3A_14] : memref<425984xf32, #tpu.memory_space<hbm>> -> memref<512xf32, #tpu.memory_space<hbm>>
      %dma_wait3A_224 = arith.constant 2560 : i32
      %dma_wait3A_225 = tpu.memref_slice %arg17[%dma_wait3A_224] : memref<6656xf32, #tpu.memory_space<vmem>> -> memref<512xf32, #tpu.memory_space<vmem>>
      %dma_wait3A_226 = tpu.memref_slice %arg15[%add3A_14] : memref<425984xf32, #tpu.memory_space<hbm>> -> memref<512xf32, #tpu.memory_space<hbm>>
      tpu.wait_dma2 semaphore(%run_scoped3A : memref<!tpu.dma_semaphore, #tpu.memory_space<semaphore_mem>>) src(%dma_wait3A_226 : memref<512xf32, #tpu.memory_space<hbm>>) dst(%dma_wait3A_225 : memref<512xf32, #tpu.memory_space<vmem>>)
      tpu.yield
    }) : () -> ()
    %add3A_15 = arith.constant 98304 : i32
    %add3A_16 = arith.addi %add3A_15, %mul3A_2 : i32
    "tpu.region"() ({
      %run_scoped3A = tpu.sem_alloc : memref<!tpu.dma_semaphore, #tpu.memory_space<semaphore_mem>>
      %dma_start3A_215 = arith.constant 3072 : i32
      %dma_start3A_216 = tpu.memref_slice %arg17[%dma_start3A_215] : memref<6656xf32, #tpu.memory_space<vmem>> -> memref<512xf32, #tpu.memory_space<vmem>>
      %dma_start3A_217 = tpu.memref_slice %arg15[%add3A_16] : memref<425984xf32, #tpu.memory_space<hbm>> -> memref<512xf32, #tpu.memory_space<hbm>>
      %dma_start3A_218 = arith.constant 3072 : i32
      %dma_start3A_219 = tpu.memref_slice %arg17[%dma_start3A_218] : memref<6656xf32, #tpu.memory_space<vmem>> -> memref<512xf32, #tpu.memory_space<vmem>>
      %dma_start3A_220 = tpu.memref_slice %arg15[%add3A_16] : memref<425984xf32, #tpu.memory_space<hbm>> -> memref<512xf32, #tpu.memory_space<hbm>>
      tpu.enqueue_dma source(%dma_start3A_220 : memref<512xf32, #tpu.memory_space<hbm>>) target(%dma_start3A_219 : memref<512xf32, #tpu.memory_space<vmem>>) target_semaphore(%run_scoped3A : memref<!tpu.dma_semaphore, #tpu.memory_space<semaphore_mem>>)
      %dma_wait3A_221 = arith.constant 3072 : i32
      %dma_wait3A_222 = tpu.memref_slice %arg17[%dma_wait3A_221] : memref<6656xf32, #tpu.memory_space<vmem>> -> memref<512xf32, #tpu.memory_space<vmem>>
      %dma_wait3A_223 = tpu.memref_slice %arg15[%add3A_16] : memref<425984xf32, #tpu.memory_space<hbm>> -> memref<512xf32, #tpu.memory_space<hbm>>
      %dma_wait3A_224 = arith.constant 3072 : i32
      %dma_wait3A_225 = tpu.memref_slice %arg17[%dma_wait3A_224] : memref<6656xf32, #tpu.memory_space<vmem>> -> memref<512xf32, #tpu.memory_space<vmem>>
      %dma_wait3A_226 = tpu.memref_slice %arg15[%add3A_16] : memref<425984xf32, #tpu.memory_space<hbm>> -> memref<512xf32, #tpu.memory_space<hbm>>
      tpu.wait_dma2 semaphore(%run_scoped3A : memref<!tpu.dma_semaphore, #tpu.memory_space<semaphore_mem>>) src(%dma_wait3A_226 : memref<512xf32, #tpu.memory_space<hbm>>) dst(%dma_wait3A_225 : memref<512xf32, #tpu.memory_space<vmem>>)
      tpu.yield
    }) : () -> ()
    %add3A_17 = arith.constant 114688 : i32
    %add3A_18 = arith.addi %add3A_17, %mul3A_2 : i32
    "tpu.region"() ({
      %run_scoped3A = tpu.sem_alloc : memref<!tpu.dma_semaphore, #tpu.memory_space<semaphore_mem>>
      %dma_start3A_215 = arith.constant 3584 : i32
      %dma_start3A_216 = tpu.memref_slice %arg17[%dma_start3A_215] : memref<6656xf32, #tpu.memory_space<vmem>> -> memref<512xf32, #tpu.memory_space<vmem>>
      %dma_start3A_217 = tpu.memref_slice %arg15[%add3A_18] : memref<425984xf32, #tpu.memory_space<hbm>> -> memref<512xf32, #tpu.memory_space<hbm>>
      %dma_start3A_218 = arith.constant 3584 : i32
      %dma_start3A_219 = tpu.memref_slice %arg17[%dma_start3A_218] : memref<6656xf32, #tpu.memory_space<vmem>> -> memref<512xf32, #tpu.memory_space<vmem>>
      %dma_start3A_220 = tpu.memref_slice %arg15[%add3A_18] : memref<425984xf32, #tpu.memory_space<hbm>> -> memref<512xf32, #tpu.memory_space<hbm>>
      tpu.enqueue_dma source(%dma_start3A_220 : memref<512xf32, #tpu.memory_space<hbm>>) target(%dma_start3A_219 : memref<512xf32, #tpu.memory_space<vmem>>) target_semaphore(%run_scoped3A : memref<!tpu.dma_semaphore, #tpu.memory_space<semaphore_mem>>)
      %dma_wait3A_221 = arith.constant 3584 : i32
      %dma_wait3A_222 = tpu.memref_slice %arg17[%dma_wait3A_221] : memref<6656xf32, #tpu.memory_space<vmem>> -> memref<512xf32, #tpu.memory_space<vmem>>
      %dma_wait3A_223 = tpu.memref_slice %arg15[%add3A_18] : memref<425984xf32, #tpu.memory_space<hbm>> -> memref<512xf32, #tpu.memory_space<hbm>>
      %dma_wait3A_224 = arith.constant 3584 : i32
      %dma_wait3A_225 = tpu.memref_slice %arg17[%dma_wait3A_224] : memref<6656xf32, #tpu.memory_space<vmem>> -> memref<512xf32, #tpu.memory_space<vmem>>
      %dma_wait3A_226 = tpu.memref_slice %arg15[%add3A_18] : memref<425984xf32, #tpu.memory_space<hbm>> -> memref<512xf32, #tpu.memory_space<hbm>>
      tpu.wait_dma2 semaphore(%run_scoped3A : memref<!tpu.dma_semaphore, #tpu.memory_space<semaphore_mem>>) src(%dma_wait3A_226 : memref<512xf32, #tpu.memory_space<hbm>>) dst(%dma_wait3A_225 : memref<512xf32, #tpu.memory_space<vmem>>)
      tpu.yield
    }) : () -> ()
    %add3A_19 = arith.constant 131072 : i32
    %add3A_20 = arith.addi %add3A_19, %mul3A_2 : i32
    "tpu.region"() ({
      %run_scoped3A = tpu.sem_alloc : memref<!tpu.dma_semaphore, #tpu.memory_space<semaphore_mem>>
      %dma_start3A_215 = arith.constant 4096 : i32
      %dma_start3A_216 = tpu.memref_slice %arg17[%dma_start3A_215] : memref<6656xf32, #tpu.memory_space<vmem>> -> memref<512xf32, #tpu.memory_space<vmem>>
      %dma_start3A_217 = tpu.memref_slice %arg15[%add3A_20] : memref<425984xf32, #tpu.memory_space<hbm>> -> memref<512xf32, #tpu.memory_space<hbm>>
      %dma_start3A_218 = arith.constant 4096 : i32
      %dma_start3A_219 = tpu.memref_slice %arg17[%dma_start3A_218] : memref<6656xf32, #tpu.memory_space<vmem>> -> memref<512xf32, #tpu.memory_space<vmem>>
      %dma_start3A_220 = tpu.memref_slice %arg15[%add3A_20] : memref<425984xf32, #tpu.memory_space<hbm>> -> memref<512xf32, #tpu.memory_space<hbm>>
      tpu.enqueue_dma source(%dma_start3A_220 : memref<512xf32, #tpu.memory_space<hbm>>) target(%dma_start3A_219 : memref<512xf32, #tpu.memory_space<vmem>>) target_semaphore(%run_scoped3A : memref<!tpu.dma_semaphore, #tpu.memory_space<semaphore_mem>>)
      %dma_wait3A_221 = arith.constant 4096 : i32
      %dma_wait3A_222 = tpu.memref_slice %arg17[%dma_wait3A_221] : memref<6656xf32, #tpu.memory_space<vmem>> -> memref<512xf32, #tpu.memory_space<vmem>>
      %dma_wait3A_223 = tpu.memref_slice %arg15[%add3A_20] : memref<425984xf32, #tpu.memory_space<hbm>> -> memref<512xf32, #tpu.memory_space<hbm>>
      %dma_wait3A_224 = arith.constant 4096 : i32
      %dma_wait3A_225 = tpu.memref_slice %arg17[%dma_wait3A_224] : memref<6656xf32, #tpu.memory_space<vmem>> -> memref<512xf32, #tpu.memory_space<vmem>>
      %dma_wait3A_226 = tpu.memref_slice %arg15[%add3A_20] : memref<425984xf32, #tpu.memory_space<hbm>> -> memref<512xf32, #tpu.memory_space<hbm>>
      tpu.wait_dma2 semaphore(%run_scoped3A : memref<!tpu.dma_semaphore, #tpu.memory_space<semaphore_mem>>) src(%dma_wait3A_226 : memref<512xf32, #tpu.memory_space<hbm>>) dst(%dma_wait3A_225 : memref<512xf32, #tpu.memory_space<vmem>>)
      tpu.yield
    }) : () -> ()
    %add3A_21 = arith.constant 147456 : i32
    %add3A_22 = arith.addi %add3A_21, %mul3A_2 : i32
    "tpu.region"() ({
      %run_scoped3A = tpu.sem_alloc : memref<!tpu.dma_semaphore, #tpu.memory_space<semaphore_mem>>
      %dma_start3A_215 = arith.constant 4608 : i32
      %dma_start3A_216 = tpu.memref_slice %arg17[%dma_start3A_215] : memref<6656xf32, #tpu.memory_space<vmem>> -> memref<512xf32, #tpu.memory_space<vmem>>
      %dma_start3A_217 = tpu.memref_slice %arg15[%add3A_22] : memref<425984xf32, #tpu.memory_space<hbm>> -> memref<512xf32, #tpu.memory_space<hbm>>
      %dma_start3A_218 = arith.constant 4608 : i32
      %dma_start3A_219 = tpu.memref_slice %arg17[%dma_start3A_218] : memref<6656xf32, #tpu.memory_space<vmem>> -> memref<512xf32, #tpu.memory_space<vmem>>
      %dma_start3A_220 = tpu.memref_slice %arg15[%add3A_22] : memref<425984xf32, #tpu.memory_space<hbm>> -> memref<512xf32, #tpu.memory_space<hbm>>
      tpu.enqueue_dma source(%dma_start3A_220 : memref<512xf32, #tpu.memory_space<hbm>>) target(%dma_start3A_219 : memref<512xf32, #tpu.memory_space<vmem>>) target_semaphore(%run_scoped3A : memref<!tpu.dma_semaphore, #tpu.memory_space<semaphore_mem>>)
      %dma_wait3A_221 = arith.constant 4608 : i32
      %dma_wait3A_222 = tpu.memref_slice %arg17[%dma_wait3A_221] : memref<6656xf32, #tpu.memory_space<vmem>> -> memref<512xf32, #tpu.memory_space<vmem>>
      %dma_wait3A_223 = tpu.memref_slice %arg15[%add3A_22] : memref<425984xf32, #tpu.memory_space<hbm>> -> memref<512xf32, #tpu.memory_space<hbm>>
      %dma_wait3A_224 = arith.constant 4608 : i32
      %dma_wait3A_225 = tpu.memref_slice %arg17[%dma_wait3A_224] : memref<6656xf32, #tpu.memory_space<vmem>> -> memref<512xf32, #tpu.memory_space<vmem>>
      %dma_wait3A_226 = tpu.memref_slice %arg15[%add3A_22] : memref<425984xf32, #tpu.memory_space<hbm>> -> memref<512xf32, #tpu.memory_space<hbm>>
      tpu.wait_dma2 semaphore(%run_scoped3A : memref<!tpu.dma_semaphore, #tpu.memory_space<semaphore_mem>>) src(%dma_wait3A_226 : memref<512xf32, #tpu.memory_space<hbm>>) dst(%dma_wait3A_225 : memref<512xf32, #tpu.memory_space<vmem>>)
      tpu.yield
    }) : () -> ()
    %add3A_23 = arith.constant 163840 : i32
    %add3A_24 = arith.addi %add3A_23, %mul3A_2 : i32
    "tpu.region"() ({
      %run_scoped3A = tpu.sem_alloc : memref<!tpu.dma_semaphore, #tpu.memory_space<semaphore_mem>>
      %dma_start3A_215 = arith.constant 5120 : i32
      %dma_start3A_216 = tpu.memref_slice %arg17[%dma_start3A_215] : memref<6656xf32, #tpu.memory_space<vmem>> -> memref<512xf32, #tpu.memory_space<vmem>>
      %dma_start3A_217 = tpu.memref_slice %arg15[%add3A_24] : memref<425984xf32, #tpu.memory_space<hbm>> -> memref<512xf32, #tpu.memory_space<hbm>>
      %dma_start3A_218 = arith.constant 5120 : i32
      %dma_start3A_219 = tpu.memref_slice %arg17[%dma_start3A_218] : memref<6656xf32, #tpu.memory_space<vmem>> -> memref<512xf32, #tpu.memory_space<vmem>>
      %dma_start3A_220 = tpu.memref_slice %arg15[%add3A_24] : memref<425984xf32, #tpu.memory_space<hbm>> -> memref<512xf32, #tpu.memory_space<hbm>>
      tpu.enqueue_dma source(%dma_start3A_220 : memref<512xf32, #tpu.memory_space<hbm>>) target(%dma_start3A_219 : memref<512xf32, #tpu.memory_space<vmem>>) target_semaphore(%run_scoped3A : memref<!tpu.dma_semaphore, #tpu.memory_space<semaphore_mem>>)
      %dma_wait3A_221 = arith.constant 5120 : i32
      %dma_wait3A_222 = tpu.memref_slice %arg17[%dma_wait3A_221] : memref<6656xf32, #tpu.memory_space<vmem>> -> memref<512xf32, #tpu.memory_space<vmem>>
      %dma_wait3A_223 = tpu.memref_slice %arg15[%add3A_24] : memref<425984xf32, #tpu.memory_space<hbm>> -> memref<512xf32, #tpu.memory_space<hbm>>
      %dma_wait3A_224 = arith.constant 5120 : i32
      %dma_wait3A_225 = tpu.memref_slice %arg17[%dma_wait3A_224] : memref<6656xf32, #tpu.memory_space<vmem>> -> memref<512xf32, #tpu.memory_space<vmem>>
      %dma_wait3A_226 = tpu.memref_slice %arg15[%add3A_24] : memref<425984xf32, #tpu.memory_space<hbm>> -> memref<512xf32, #tpu.memory_space<hbm>>
      tpu.wait_dma2 semaphore(%run_scoped3A : memref<!tpu.dma_semaphore, #tpu.memory_space<semaphore_mem>>) src(%dma_wait3A_226 : memref<512xf32, #tpu.memory_space<hbm>>) dst(%dma_wait3A_225 : memref<512xf32, #tpu.memory_space<vmem>>)
      tpu.yield
    }) : () -> ()
    %add3A_25 = arith.constant 180224 : i32
    %add3A_26 = arith.addi %add3A_25, %mul3A_2 : i32
    "tpu.region"() ({
      %run_scoped3A = tpu.sem_alloc : memref<!tpu.dma_semaphore, #tpu.memory_space<semaphore_mem>>
      %dma_start3A_215 = arith.constant 5632 : i32
      %dma_start3A_216 = tpu.memref_slice %arg17[%dma_start3A_215] : memref<6656xf32, #tpu.memory_space<vmem>> -> memref<512xf32, #tpu.memory_space<vmem>>
      %dma_start3A_217 = tpu.memref_slice %arg15[%add3A_26] : memref<425984xf32, #tpu.memory_space<hbm>> -> memref<512xf32, #tpu.memory_space<hbm>>
      %dma_start3A_218 = arith.constant 5632 : i32
      %dma_start3A_219 = tpu.memref_slice %arg17[%dma_start3A_218] : memref<6656xf32, #tpu.memory_space<vmem>> -> memref<512xf32, #tpu.memory_space<vmem>>
      %dma_start3A_220 = tpu.memref_slice %arg15[%add3A_26] : memref<425984xf32, #tpu.memory_space<hbm>> -> memref<512xf32, #tpu.memory_space<hbm>>
      tpu.enqueue_dma source(%dma_start3A_220 : memref<512xf32, #tpu.memory_space<hbm>>) target(%dma_start3A_219 : memref<512xf32, #tpu.memory_space<vmem>>) target_semaphore(%run_scoped3A : memref<!tpu.dma_semaphore, #tpu.memory_space<semaphore_mem>>)
      %dma_wait3A_221 = arith.constant 5632 : i32
      %dma_wait3A_222 = tpu.memref_slice %arg17[%dma_wait3A_221] : memref<6656xf32, #tpu.memory_space<vmem>> -> memref<512xf32, #tpu.memory_space<vmem>>
      %dma_wait3A_223 = tpu.memref_slice %arg15[%add3A_26] : memref<425984xf32, #tpu.memory_space<hbm>> -> memref<512xf32, #tpu.memory_space<hbm>>
      %dma_wait3A_224 = arith.constant 5632 : i32
      %dma_wait3A_225 = tpu.memref_slice %arg17[%dma_wait3A_224] : memref<6656xf32, #tpu.memory_space<vmem>> -> memref<512xf32, #tpu.memory_space<vmem>>
      %dma_wait3A_226 = tpu.memref_slice %arg15[%add3A_26] : memref<425984xf32, #tpu.memory_space<hbm>> -> memref<512xf32, #tpu.memory_space<hbm>>
      tpu.wait_dma2 semaphore(%run_scoped3A : memref<!tpu.dma_semaphore, #tpu.memory_space<semaphore_mem>>) src(%dma_wait3A_226 : memref<512xf32, #tpu.memory_space<hbm>>) dst(%dma_wait3A_225 : memref<512xf32, #tpu.memory_space<vmem>>)
      tpu.yield
    }) : () -> ()
    %add3A_27 = arith.constant 196608 : i32
    %add3A_28 = arith.addi %add3A_27, %mul3A_2 : i32
    "tpu.region"() ({
      %run_scoped3A = tpu.sem_alloc : memref<!tpu.dma_semaphore, #tpu.memory_space<semaphore_mem>>
      %dma_start3A_215 = arith.constant 6144 : i32
      %dma_start3A_216 = tpu.memref_slice %arg17[%dma_start3A_215] : memref<6656xf32, #tpu.memory_space<vmem>> -> memref<512xf32, #tpu.memory_space<vmem>>
      %dma_start3A_217 = tpu.memref_slice %arg15[%add3A_28] : memref<425984xf32, #tpu.memory_space<hbm>> -> memref<512xf32, #tpu.memory_space<hbm>>
      %dma_start3A_218 = arith.constant 6144 : i32
      %dma_start3A_219 = tpu.memref_slice %arg17[%dma_start3A_218] : memref<6656xf32, #tpu.memory_space<vmem>> -> memref<512xf32, #tpu.memory_space<vmem>>
      %dma_start3A_220 = tpu.memref_slice %arg15[%add3A_28] : memref<425984xf32, #tpu.memory_space<hbm>> -> memref<512xf32, #tpu.memory_space<hbm>>
      tpu.enqueue_dma source(%dma_start3A_220 : memref<512xf32, #tpu.memory_space<hbm>>) target(%dma_start3A_219 : memref<512xf32, #tpu.memory_space<vmem>>) target_semaphore(%run_scoped3A : memref<!tpu.dma_semaphore, #tpu.memory_space<semaphore_mem>>)
      %dma_wait3A_221 = arith.constant 6144 : i32
      %dma_wait3A_222 = tpu.memref_slice %arg17[%dma_wait3A_221] : memref<6656xf32, #tpu.memory_space<vmem>> -> memref<512xf32, #tpu.memory_space<vmem>>
      %dma_wait3A_223 = tpu.memref_slice %arg15[%add3A_28] : memref<425984xf32, #tpu.memory_space<hbm>> -> memref<512xf32, #tpu.memory_space<hbm>>
      %dma_wait3A_224 = arith.constant 6144 : i32
      %dma_wait3A_225 = tpu.memref_slice %arg17[%dma_wait3A_224] : memref<6656xf32, #tpu.memory_space<vmem>> -> memref<512xf32, #tpu.memory_space<vmem>>
      %dma_wait3A_226 = tpu.memref_slice %arg15[%add3A_28] : memref<425984xf32, #tpu.memory_space<hbm>> -> memref<512xf32, #tpu.memory_space<hbm>>
      tpu.wait_dma2 semaphore(%run_scoped3A : memref<!tpu.dma_semaphore, #tpu.memory_space<semaphore_mem>>) src(%dma_wait3A_226 : memref<512xf32, #tpu.memory_space<hbm>>) dst(%dma_wait3A_225 : memref<512xf32, #tpu.memory_space<vmem>>)
      tpu.yield
    }) : () -> ()
    %scan3A = arith.constant 0 : i32
    %scan3A_29 = arith.constant 0 : i32
    %scan3A_30 = arith.constant 416 : i32
    %scan3A_31 = arith.addi %scan3A_29, %scan3A_30 : i32
    %scan3A_32 = arith.constant 4 : i32
    %scan3A_33 = scf.for %scan3A_215 = %scan3A_29 to %scan3A_31 step %scan3A_32 iter_args(%scan3A_216 = %scan3A) -> (i32)  : i32 {
      %mul3A_217 = arith.constant 16 : i32
      %mul3A_218 = arith.muli %scan3A_215, %mul3A_217 : i32
      %get3A = arith.index_cast %mul3A_218 : i32 to index
      %get3A_219 = tpu.vector_load %arg17[%get3A] {strides = array<i32>} : memref<6656xf32, #tpu.memory_space<vmem>>, vector<16xf32>,
      %get3A_220 = vector.shape_cast %get3A_219 : vector<16xf32> to vector<16xf32>
      %convert_element_type3A = arith.fptosi %get3A_220 : vector<16xf32> to vector<16xi32>
      %swap3A = arith.index_cast %mul3A_218 : i32 to index
      %swap3A_221 = tpu.vector_load %arg18[%swap3A] {strides = array<i32>} : memref<6656xi32, #tpu.memory_space<vmem>>, vector<16xi32>,
      %swap3A_222 = vector.shape_cast %swap3A_221 : vector<16xi32> to vector<16xi32>
      %swap3A_223 = vector.shape_cast %convert_element_type3A : vector<16xi32> to vector<16xi32>
      tpu.vector_store %arg18[%swap3A], %swap3A_223 {strides = array<i32>} : memref<6656xi32, #tpu.memory_space<vmem>>, vector<16xi32>,
      %scan3A_224 = arith.constant 0 : i32
      %scan3A_225 = arith.constant 1 : i32
      %scan3A_226 = arith.addi %scan3A_215, %scan3A_225 : i32
      %mul3A_227 = arith.constant 16 : i32
      %mul3A_228 = arith.muli %scan3A_226, %mul3A_227 : i32
      %get3A_229 = arith.index_cast %mul3A_228 : i32 to index
      %get3A_230 = tpu.vector_load %arg17[%get3A_229] {strides = array<i32>} : memref<6656xf32, #tpu.memory_space<vmem>>, vector<16xf32>,
      %get3A_231 = vector.shape_cast %get3A_230 : vector<16xf32> to vector<16xf32>
      %convert_element_type3A_232 = arith.fptosi %get3A_231 : vector<16xf32> to vector<16xi32>
      %swap3A_233 = arith.index_cast %mul3A_228 : i32 to index
      %swap3A_234 = tpu.vector_load %arg18[%swap3A_233] {strides = array<i32>} : memref<6656xi32, #tpu.memory_space<vmem>>, vector<16xi32>,
      %swap3A_235 = vector.shape_cast %swap3A_234 : vector<16xi32> to vector<16xi32>
      %swap3A_236 = vector.shape_cast %convert_element_type3A_232 : vector<16xi32> to vector<16xi32>
      tpu.vector_store %arg18[%swap3A_233], %swap3A_236 {strides = array<i32>} : memref<6656xi32, #tpu.memory_space<vmem>>, vector<16xi32>,
      %scan3A_237 = arith.constant 0 : i32
      %scan3A_238 = arith.constant 2 : i32
      %scan3A_239 = arith.addi %scan3A_215, %scan3A_238 : i32
      %mul3A_240 = arith.constant 16 : i32
      %mul3A_241 = arith.muli %scan3A_239, %mul3A_240 : i32
      %get3A_242 = arith.index_cast %mul3A_241 : i32 to index
      %get3A_243 = tpu.vector_load %arg17[%get3A_242] {strides = array<i32>} : memref<6656xf32, #tpu.memory_space<vmem>>, vector<16xf32>,
      %get3A_244 = vector.shape_cast %get3A_243 : vector<16xf32> to vector<16xf32>
      %convert_element_type3A_245 = arith.fptosi %get3A_244 : vector<16xf32> to vector<16xi32>
      %swap3A_246 = arith.index_cast %mul3A_241 : i32 to index
      %swap3A_247 = tpu.vector_load %arg18[%swap3A_246] {strides = array<i32>} : memref<6656xi32, #tpu.memory_space<vmem>>, vector<16xi32>,
      %swap3A_248 = vector.shape_cast %swap3A_247 : vector<16xi32> to vector<16xi32>
      %swap3A_249 = vector.shape_cast %convert_element_type3A_245 : vector<16xi32> to vector<16xi32>
      tpu.vector_store %arg18[%swap3A_246], %swap3A_249 {strides = array<i32>} : memref<6656xi32, #tpu.memory_space<vmem>>, vector<16xi32>,
      %scan3A_250 = arith.constant 0 : i32
      %scan3A_251 = arith.constant 3 : i32
      %scan3A_252 = arith.addi %scan3A_215, %scan3A_251 : i32
      %mul3A_253 = arith.constant 16 : i32
      %mul3A_254 = arith.muli %scan3A_252, %mul3A_253 : i32
      %get3A_255 = arith.index_cast %mul3A_254 : i32 to index
      %get3A_256 = tpu.vector_load %arg17[%get3A_255] {strides = array<i32>} : memref<6656xf32, #tpu.memory_space<vmem>>, vector<16xf32>,
      %get3A_257 = vector.shape_cast %get3A_256 : vector<16xf32> to vector<16xf32>
      %convert_element_type3A_258 = arith.fptosi %get3A_257 : vector<16xf32> to vector<16xi32>
      %swap3A_259 = arith.index_cast %mul3A_254 : i32 to index
      %swap3A_260 = tpu.vector_load %arg18[%swap3A_259] {strides = array<i32>} : memref<6656xi32, #tpu.memory_space<vmem>>, vector<16xi32>,
      %swap3A_261 = vector.shape_cast %swap3A_260 : vector<16xi32> to vector<16xi32>
      %swap3A_262 = vector.shape_cast %convert_element_type3A_258 : vector<16xi32> to vector<16xi32>
      tpu.vector_store %arg18[%swap3A_259], %swap3A_262 {strides = array<i32>} : memref<6656xi32, #tpu.memory_space<vmem>>, vector<16xi32>,
      %scan3A_263 = arith.constant 0 : i32
      scf.yield %scan3A_263 : i32
    }
    %scan3A_34 = arith.constant 416 : i32
    %dma_start3A = arith.constant 0 : i32
    %dma_start3A_35 = tpu.memref_slice %arg19[%dma_start3A] : memref<6656xf32, #tpu.memory_space<vmem>> -> memref<512xf32, #tpu.memory_space<vmem>>
    %dma_start3A_36 = arith.constant 0 : i32
    %dma_start3A_37 = tpu.memref_slice %arg18[%dma_start3A_36] : memref<6656xi32, #tpu.memory_space<vmem>> -> memref<512xi32, #tpu.memory_space<vmem>>
    %dma_start3A_38 = arith.constant 0 : i32
    %dma_start3A_39 = tpu.memref_slice %arg2[%dma_start3A_38] : memref<1000000xf32, #tpu.memory_space<hbm>> -> memref<1000000xf32, #tpu.memory_space<hbm>>
    tpu.enqueue_indirect_dma source(%dma_start3A_39 : memref<1000000xf32, #tpu.memory_space<hbm>>) target(%dma_start3A_35 : memref<512xf32, #tpu.memory_space<vmem>>) offsets(%dma_start3A_37 : memref<512xi32, #tpu.memory_space<vmem>>) semaphore(%arg20 : memref<!tpu.dma_semaphore, #tpu.memory_space<semaphore_mem>>)
    %dma_start3A_40 = arith.constant 512 : i32
    %dma_start3A_41 = tpu.memref_slice %arg19[%dma_start3A_40] : memref<6656xf32, #tpu.memory_space<vmem>> -> memref<512xf32, #tpu.memory_space<vmem>>
    %dma_start3A_42 = arith.constant 512 : i32
    %dma_start3A_43 = tpu.memref_slice %arg18[%dma_start3A_42] : memref<6656xi32, #tpu.memory_space<vmem>> -> memref<512xi32, #tpu.memory_space<vmem>>
    %dma_start3A_44 = arith.constant 0 : i32
    %dma_start3A_45 = tpu.memref_slice %arg3[%dma_start3A_44] : memref<1000000xf32, #tpu.memory_space<hbm>> -> memref<1000000xf32, #tpu.memory_space<hbm>>
    tpu.enqueue_indirect_dma source(%dma_start3A_45 : memref<1000000xf32, #tpu.memory_space<hbm>>) target(%dma_start3A_41 : memref<512xf32, #tpu.memory_space<vmem>>) offsets(%dma_start3A_43 : memref<512xi32, #tpu.memory_space<vmem>>) semaphore(%arg20 : memref<!tpu.dma_semaphore, #tpu.memory_space<semaphore_mem>>)
    %dma_start3A_46 = arith.constant 1024 : i32
    %dma_start3A_47 = tpu.memref_slice %arg19[%dma_start3A_46] : memref<6656xf32, #tpu.memory_space<vmem>> -> memref<512xf32, #tpu.memory_space<vmem>>
    %dma_start3A_48 = arith.constant 1024 : i32
    %dma_start3A_49 = tpu.memref_slice %arg18[%dma_start3A_48] : memref<6656xi32, #tpu.memory_space<vmem>> -> memref<512xi32, #tpu.memory_space<vmem>>
    %dma_start3A_50 = arith.constant 0 : i32
    %dma_start3A_51 = tpu.memref_slice %arg4[%dma_start3A_50] : memref<1000000xf32, #tpu.memory_space<hbm>> -> memref<1000000xf32, #tpu.memory_space<hbm>>
    tpu.enqueue_indirect_dma source(%dma_start3A_51 : memref<1000000xf32, #tpu.memory_space<hbm>>) target(%dma_start3A_47 : memref<512xf32, #tpu.memory_space<vmem>>) offsets(%dma_start3A_49 : memref<512xi32, #tpu.memory_space<vmem>>) semaphore(%arg20 : memref<!tpu.dma_semaphore, #tpu.memory_space<semaphore_mem>>)
    %dma_start3A_52 = arith.constant 1536 : i32
    %dma_start3A_53 = tpu.memref_slice %arg19[%dma_start3A_52] : memref<6656xf32, #tpu.memory_space<vmem>> -> memref<512xf32, #tpu.memory_space<vmem>>
    %dma_start3A_54 = arith.constant 1536 : i32
    %dma_start3A_55 = tpu.memref_slice %arg18[%dma_start3A_54] : memref<6656xi32, #tpu.memory_space<vmem>> -> memref<512xi32, #tpu.memory_space<vmem>>
    %dma_start3A_56 = arith.constant 0 : i32
    %dma_start3A_57 = tpu.memref_slice %arg5[%dma_start3A_56] : memref<1000000xf32, #tpu.memory_space<hbm>> -> memref<1000000xf32, #tpu.memory_space<hbm>>
    tpu.enqueue_indirect_dma source(%dma_start3A_57 : memref<1000000xf32, #tpu.memory_space<hbm>>) target(%dma_start3A_53 : memref<512xf32, #tpu.memory_space<vmem>>) offsets(%dma_start3A_55 : memref<512xi32, #tpu.memory_space<vmem>>) semaphore(%arg20 : memref<!tpu.dma_semaphore, #tpu.memory_space<semaphore_mem>>)
    %dma_start3A_58 = arith.constant 2048 : i32
    %dma_start3A_59 = tpu.memref_slice %arg19[%dma_start3A_58] : memref<6656xf32, #tpu.memory_space<vmem>> -> memref<512xf32, #tpu.memory_space<vmem>>
    %dma_start3A_60 = arith.constant 2048 : i32
    %dma_start3A_61 = tpu.memref_slice %arg18[%dma_start3A_60] : memref<6656xi32, #tpu.memory_space<vmem>> -> memref<512xi32, #tpu.memory_space<vmem>>
    %dma_start3A_62 = arith.constant 0 : i32
    %dma_start3A_63 = tpu.memref_slice %arg6[%dma_start3A_62] : memref<1000000xf32, #tpu.memory_space<hbm>> -> memref<1000000xf32, #tpu.memory_space<hbm>>
    tpu.enqueue_indirect_dma source(%dma_start3A_63 : memref<1000000xf32, #tpu.memory_space<hbm>>) target(%dma_start3A_59 : memref<512xf32, #tpu.memory_space<vmem>>) offsets(%dma_start3A_61 : memref<512xi32, #tpu.memory_space<vmem>>) semaphore(%arg20 : memref<!tpu.dma_semaphore, #tpu.memory_space<semaphore_mem>>)
    %dma_start3A_64 = arith.constant 2560 : i32
    %dma_start3A_65 = tpu.memref_slice %arg19[%dma_start3A_64] : memref<6656xf32, #tpu.memory_space<vmem>> -> memref<512xf32, #tpu.memory_space<vmem>>
    %dma_start3A_66 = arith.constant 2560 : i32
    %dma_start3A_67 = tpu.memref_slice %arg18[%dma_start3A_66] : memref<6656xi32, #tpu.memory_space<vmem>> -> memref<512xi32, #tpu.memory_space<vmem>>
    %dma_start3A_68 = arith.constant 0 : i32
    %dma_start3A_69 = tpu.memref_slice %arg7[%dma_start3A_68] : memref<1000000xf32, #tpu.memory_space<hbm>> -> memref<1000000xf32, #tpu.memory_space<hbm>>
    tpu.enqueue_indirect_dma source(%dma_start3A_69 : memref<1000000xf32, #tpu.memory_space<hbm>>) target(%dma_start3A_65 : memref<512xf32, #tpu.memory_space<vmem>>) offsets(%dma_start3A_67 : memref<512xi32, #tpu.memory_space<vmem>>) semaphore(%arg20 : memref<!tpu.dma_semaphore, #tpu.memory_space<semaphore_mem>>)
    %dma_start3A_70 = arith.constant 3072 : i32
    %dma_start3A_71 = tpu.memref_slice %arg19[%dma_start3A_70] : memref<6656xf32, #tpu.memory_space<vmem>> -> memref<512xf32, #tpu.memory_space<vmem>>
    %dma_start3A_72 = arith.constant 3072 : i32
    %dma_start3A_73 = tpu.memref_slice %arg18[%dma_start3A_72] : memref<6656xi32, #tpu.memory_space<vmem>> -> memref<512xi32, #tpu.memory_space<vmem>>
    %dma_start3A_74 = arith.constant 0 : i32
    %dma_start3A_75 = tpu.memref_slice %arg8[%dma_start3A_74] : memref<1000000xf32, #tpu.memory_space<hbm>> -> memref<1000000xf32, #tpu.memory_space<hbm>>
    tpu.enqueue_indirect_dma source(%dma_start3A_75 : memref<1000000xf32, #tpu.memory_space<hbm>>) target(%dma_start3A_71 : memref<512xf32, #tpu.memory_space<vmem>>) offsets(%dma_start3A_73 : memref<512xi32, #tpu.memory_space<vmem>>) semaphore(%arg20 : memref<!tpu.dma_semaphore, #tpu.memory_space<semaphore_mem>>)
    %dma_start3A_76 = arith.constant 3584 : i32
    %dma_start3A_77 = tpu.memref_slice %arg19[%dma_start3A_76] : memref<6656xf32, #tpu.memory_space<vmem>> -> memref<512xf32, #tpu.memory_space<vmem>>
    %dma_start3A_78 = arith.constant 3584 : i32
    %dma_start3A_79 = tpu.memref_slice %arg18[%dma_start3A_78] : memref<6656xi32, #tpu.memory_space<vmem>> -> memref<512xi32, #tpu.memory_space<vmem>>
    %dma_start3A_80 = arith.constant 0 : i32
    %dma_start3A_81 = tpu.memref_slice %arg9[%dma_start3A_80] : memref<1000000xf32, #tpu.memory_space<hbm>> -> memref<1000000xf32, #tpu.memory_space<hbm>>
    tpu.enqueue_indirect_dma source(%dma_start3A_81 : memref<1000000xf32, #tpu.memory_space<hbm>>) target(%dma_start3A_77 : memref<512xf32, #tpu.memory_space<vmem>>) offsets(%dma_start3A_79 : memref<512xi32, #tpu.memory_space<vmem>>) semaphore(%arg20 : memref<!tpu.dma_semaphore, #tpu.memory_space<semaphore_mem>>)
    %dma_start3A_82 = arith.constant 4096 : i32
    %dma_start3A_83 = tpu.memref_slice %arg19[%dma_start3A_82] : memref<6656xf32, #tpu.memory_space<vmem>> -> memref<512xf32, #tpu.memory_space<vmem>>
    %dma_start3A_84 = arith.constant 4096 : i32
    %dma_start3A_85 = tpu.memref_slice %arg18[%dma_start3A_84] : memref<6656xi32, #tpu.memory_space<vmem>> -> memref<512xi32, #tpu.memory_space<vmem>>
    %dma_start3A_86 = arith.constant 0 : i32
    %dma_start3A_87 = tpu.memref_slice %arg10[%dma_start3A_86] : memref<1000000xf32, #tpu.memory_space<hbm>> -> memref<1000000xf32, #tpu.memory_space<hbm>>
    tpu.enqueue_indirect_dma source(%dma_start3A_87 : memref<1000000xf32, #tpu.memory_space<hbm>>) target(%dma_start3A_83 : memref<512xf32, #tpu.memory_space<vmem>>) offsets(%dma_start3A_85 : memref<512xi32, #tpu.memory_space<vmem>>) semaphore(%arg20 : memref<!tpu.dma_semaphore, #tpu.memory_space<semaphore_mem>>)
    %dma_start3A_88 = arith.constant 4608 : i32
    %dma_start3A_89 = tpu.memref_slice %arg19[%dma_start3A_88] : memref<6656xf32, #tpu.memory_space<vmem>> -> memref<512xf32, #tpu.memory_space<vmem>>
    %dma_start3A_90 = arith.constant 4608 : i32
    %dma_start3A_91 = tpu.memref_slice %arg18[%dma_start3A_90] : memref<6656xi32, #tpu.memory_space<vmem>> -> memref<512xi32, #tpu.memory_space<vmem>>
    %dma_start3A_92 = arith.constant 0 : i32
    %dma_start3A_93 = tpu.memref_slice %arg11[%dma_start3A_92] : memref<1000000xf32, #tpu.memory_space<hbm>> -> memref<1000000xf32, #tpu.memory_space<hbm>>
    tpu.enqueue_indirect_dma source(%dma_start3A_93 : memref<1000000xf32, #tpu.memory_space<hbm>>) target(%dma_start3A_89 : memref<512xf32, #tpu.memory_space<vmem>>) offsets(%dma_start3A_91 : memref<512xi32, #tpu.memory_space<vmem>>) semaphore(%arg20 : memref<!tpu.dma_semaphore, #tpu.memory_space<semaphore_mem>>)
    %dma_start3A_94 = arith.constant 5120 : i32
    %dma_start3A_95 = tpu.memref_slice %arg19[%dma_start3A_94] : memref<6656xf32, #tpu.memory_space<vmem>> -> memref<512xf32, #tpu.memory_space<vmem>>
    %dma_start3A_96 = arith.constant 5120 : i32
    %dma_start3A_97 = tpu.memref_slice %arg18[%dma_start3A_96] : memref<6656xi32, #tpu.memory_space<vmem>> -> memref<512xi32, #tpu.memory_space<vmem>>
    %dma_start3A_98 = arith.constant 0 : i32
    %dma_start3A_99 = tpu.memref_slice %arg12[%dma_start3A_98] : memref<1000000xf32, #tpu.memory_space<hbm>> -> memref<1000000xf32, #tpu.memory_space<hbm>>
    tpu.enqueue_indirect_dma source(%dma_start3A_99 : memref<1000000xf32, #tpu.memory_space<hbm>>) target(%dma_start3A_95 : memref<512xf32, #tpu.memory_space<vmem>>) offsets(%dma_start3A_97 : memref<512xi32, #tpu.memory_space<vmem>>) semaphore(%arg20 : memref<!tpu.dma_semaphore, #tpu.memory_space<semaphore_mem>>)
    %dma_start3A_100 = arith.constant 5632 : i32
    %dma_start3A_101 = tpu.memref_slice %arg19[%dma_start3A_100] : memref<6656xf32, #tpu.memory_space<vmem>> -> memref<512xf32, #tpu.memory_space<vmem>>
    %dma_start3A_102 = arith.constant 5632 : i32
    %dma_start3A_103 = tpu.memref_slice %arg18[%dma_start3A_102] : memref<6656xi32, #tpu.memory_space<vmem>> -> memref<512xi32, #tpu.memory_space<vmem>>
    %dma_start3A_104 = arith.constant 0 : i32
    %dma_start3A_105 = tpu.memref_slice %arg13[%dma_start3A_104] : memref<1000000xf32, #tpu.memory_space<hbm>> -> memref<1000000xf32, #tpu.memory_space<hbm>>
    tpu.enqueue_indirect_dma source(%dma_start3A_105 : memref<1000000xf32, #tpu.memory_space<hbm>>) target(%dma_start3A_101 : memref<512xf32, #tpu.memory_space<vmem>>) offsets(%dma_start3A_103 : memref<512xi32, #tpu.memory_space<vmem>>) semaphore(%arg20 : memref<!tpu.dma_semaphore, #tpu.memory_space<semaphore_mem>>)
    %dma_start3A_106 = arith.constant 6144 : i32
    %dma_start3A_107 = tpu.memref_slice %arg19[%dma_start3A_106] : memref<6656xf32, #tpu.memory_space<vmem>> -> memref<512xf32, #tpu.memory_space<vmem>>
    %dma_start3A_108 = arith.constant 6144 : i32
    %dma_start3A_109 = tpu.memref_slice %arg18[%dma_start3A_108] : memref<6656xi32, #tpu.memory_space<vmem>> -> memref<512xi32, #tpu.memory_space<vmem>>
    %dma_start3A_110 = arith.constant 0 : i32
    %dma_start3A_111 = tpu.memref_slice %arg14[%dma_start3A_110] : memref<1000000xf32, #tpu.memory_space<hbm>> -> memref<1000000xf32, #tpu.memory_space<hbm>>
    tpu.enqueue_indirect_dma source(%dma_start3A_111 : memref<1000000xf32, #tpu.memory_space<hbm>>) target(%dma_start3A_107 : memref<512xf32, #tpu.memory_space<vmem>>) offsets(%dma_start3A_109 : memref<512xi32, #tpu.memory_space<vmem>>) semaphore(%arg20 : memref<!tpu.dma_semaphore, #tpu.memory_space<semaphore_mem>>)
    %dma_wait3A = arith.constant 0 : i32
    %dma_wait3A_112 = tpu.memref_slice %arg19[%dma_wait3A] : memref<6656xf32, #tpu.memory_space<vmem>> -> memref<512xf32, #tpu.memory_space<vmem>>
    %dma_wait3A_113 = arith.constant 0 : i32
    %dma_wait3A_114 = tpu.memref_slice %arg18[%dma_wait3A_113] : memref<6656xi32, #tpu.memory_space<vmem>> -> memref<512xi32, #tpu.memory_space<vmem>>
    %dma_wait3A_115 = arith.constant 0 : i32
    %dma_wait3A_116 = tpu.memref_slice %arg2[%dma_wait3A_115] : memref<1000000xf32, #tpu.memory_space<hbm>> -> memref<1000000xf32, #tpu.memory_space<hbm>>
    tpu.wait_indirect_dma semaphore(%arg20 : memref<!tpu.dma_semaphore, #tpu.memory_space<semaphore_mem>>) src(%dma_wait3A_116 : memref<1000000xf32, #tpu.memory_space<hbm>>) dst(%dma_wait3A_112 : memref<512xf32, #tpu.memory_space<vmem>>)
    %dma_wait3A_117 = arith.constant 512 : i32
    %dma_wait3A_118 = tpu.memref_slice %arg19[%dma_wait3A_117] : memref<6656xf32, #tpu.memory_space<vmem>> -> memref<512xf32, #tpu.memory_space<vmem>>
    %dma_wait3A_119 = arith.constant 512 : i32
    %dma_wait3A_120 = tpu.memref_slice %arg18[%dma_wait3A_119] : memref<6656xi32, #tpu.memory_space<vmem>> -> memref<512xi32, #tpu.memory_space<vmem>>
    %dma_wait3A_121 = arith.constant 0 : i32
    %dma_wait3A_122 = tpu.memref_slice %arg3[%dma_wait3A_121] : memref<1000000xf32, #tpu.memory_space<hbm>> -> memref<1000000xf32, #tpu.memory_space<hbm>>
    tpu.wait_indirect_dma semaphore(%arg20 : memref<!tpu.dma_semaphore, #tpu.memory_space<semaphore_mem>>) src(%dma_wait3A_122 : memref<1000000xf32, #tpu.memory_space<hbm>>) dst(%dma_wait3A_118 : memref<512xf32, #tpu.memory_space<vmem>>)
    %dma_wait3A_123 = arith.constant 1024 : i32
    %dma_wait3A_124 = tpu.memref_slice %arg19[%dma_wait3A_123] : memref<6656xf32, #tpu.memory_space<vmem>> -> memref<512xf32, #tpu.memory_space<vmem>>
    %dma_wait3A_125 = arith.constant 1024 : i32
    %dma_wait3A_126 = tpu.memref_slice %arg18[%dma_wait3A_125] : memref<6656xi32, #tpu.memory_space<vmem>> -> memref<512xi32, #tpu.memory_space<vmem>>
    %dma_wait3A_127 = arith.constant 0 : i32
    %dma_wait3A_128 = tpu.memref_slice %arg4[%dma_wait3A_127] : memref<1000000xf32, #tpu.memory_space<hbm>> -> memref<1000000xf32, #tpu.memory_space<hbm>>
    tpu.wait_indirect_dma semaphore(%arg20 : memref<!tpu.dma_semaphore, #tpu.memory_space<semaphore_mem>>) src(%dma_wait3A_128 : memref<1000000xf32, #tpu.memory_space<hbm>>) dst(%dma_wait3A_124 : memref<512xf32, #tpu.memory_space<vmem>>)
    %dma_wait3A_129 = arith.constant 1536 : i32
    %dma_wait3A_130 = tpu.memref_slice %arg19[%dma_wait3A_129] : memref<6656xf32, #tpu.memory_space<vmem>> -> memref<512xf32, #tpu.memory_space<vmem>>
    %dma_wait3A_131 = arith.constant 1536 : i32
    %dma_wait3A_132 = tpu.memref_slice %arg18[%dma_wait3A_131] : memref<6656xi32, #tpu.memory_space<vmem>> -> memref<512xi32, #tpu.memory_space<vmem>>
    %dma_wait3A_133 = arith.constant 0 : i32
    %dma_wait3A_134 = tpu.memref_slice %arg5[%dma_wait3A_133] : memref<1000000xf32, #tpu.memory_space<hbm>> -> memref<1000000xf32, #tpu.memory_space<hbm>>
    tpu.wait_indirect_dma semaphore(%arg20 : memref<!tpu.dma_semaphore, #tpu.memory_space<semaphore_mem>>) src(%dma_wait3A_134 : memref<1000000xf32, #tpu.memory_space<hbm>>) dst(%dma_wait3A_130 : memref<512xf32, #tpu.memory_space<vmem>>)
    %dma_wait3A_135 = arith.constant 2048 : i32
    %dma_wait3A_136 = tpu.memref_slice %arg19[%dma_wait3A_135] : memref<6656xf32, #tpu.memory_space<vmem>> -> memref<512xf32, #tpu.memory_space<vmem>>
    %dma_wait3A_137 = arith.constant 2048 : i32
    %dma_wait3A_138 = tpu.memref_slice %arg18[%dma_wait3A_137] : memref<6656xi32, #tpu.memory_space<vmem>> -> memref<512xi32, #tpu.memory_space<vmem>>
    %dma_wait3A_139 = arith.constant 0 : i32
    %dma_wait3A_140 = tpu.memref_slice %arg6[%dma_wait3A_139] : memref<1000000xf32, #tpu.memory_space<hbm>> -> memref<1000000xf32, #tpu.memory_space<hbm>>
    tpu.wait_indirect_dma semaphore(%arg20 : memref<!tpu.dma_semaphore, #tpu.memory_space<semaphore_mem>>) src(%dma_wait3A_140 : memref<1000000xf32, #tpu.memory_space<hbm>>) dst(%dma_wait3A_136 : memref<512xf32, #tpu.memory_space<vmem>>)
    %dma_wait3A_141 = arith.constant 2560 : i32
    %dma_wait3A_142 = tpu.memref_slice %arg19[%dma_wait3A_141] : memref<6656xf32, #tpu.memory_space<vmem>> -> memref<512xf32, #tpu.memory_space<vmem>>
    %dma_wait3A_143 = arith.constant 2560 : i32
    %dma_wait3A_144 = tpu.memref_slice %arg18[%dma_wait3A_143] : memref<6656xi32, #tpu.memory_space<vmem>> -> memref<512xi32, #tpu.memory_space<vmem>>
    %dma_wait3A_145 = arith.constant 0 : i32
    %dma_wait3A_146 = tpu.memref_slice %arg7[%dma_wait3A_145] : memref<1000000xf32, #tpu.memory_space<hbm>> -> memref<1000000xf32, #tpu.memory_space<hbm>>
    tpu.wait_indirect_dma semaphore(%arg20 : memref<!tpu.dma_semaphore, #tpu.memory_space<semaphore_mem>>) src(%dma_wait3A_146 : memref<1000000xf32, #tpu.memory_space<hbm>>) dst(%dma_wait3A_142 : memref<512xf32, #tpu.memory_space<vmem>>)
    %dma_wait3A_147 = arith.constant 3072 : i32
    %dma_wait3A_148 = tpu.memref_slice %arg19[%dma_wait3A_147] : memref<6656xf32, #tpu.memory_space<vmem>> -> memref<512xf32, #tpu.memory_space<vmem>>
    %dma_wait3A_149 = arith.constant 3072 : i32
    %dma_wait3A_150 = tpu.memref_slice %arg18[%dma_wait3A_149] : memref<6656xi32, #tpu.memory_space<vmem>> -> memref<512xi32, #tpu.memory_space<vmem>>
    %dma_wait3A_151 = arith.constant 0 : i32
    %dma_wait3A_152 = tpu.memref_slice %arg8[%dma_wait3A_151] : memref<1000000xf32, #tpu.memory_space<hbm>> -> memref<1000000xf32, #tpu.memory_space<hbm>>
    tpu.wait_indirect_dma semaphore(%arg20 : memref<!tpu.dma_semaphore, #tpu.memory_space<semaphore_mem>>) src(%dma_wait3A_152 : memref<1000000xf32, #tpu.memory_space<hbm>>) dst(%dma_wait3A_148 : memref<512xf32, #tpu.memory_space<vmem>>)
    %dma_wait3A_153 = arith.constant 3584 : i32
    %dma_wait3A_154 = tpu.memref_slice %arg19[%dma_wait3A_153] : memref<6656xf32, #tpu.memory_space<vmem>> -> memref<512xf32, #tpu.memory_space<vmem>>
    %dma_wait3A_155 = arith.constant 3584 : i32
    %dma_wait3A_156 = tpu.memref_slice %arg18[%dma_wait3A_155] : memref<6656xi32, #tpu.memory_space<vmem>> -> memref<512xi32, #tpu.memory_space<vmem>>
    %dma_wait3A_157 = arith.constant 0 : i32
    %dma_wait3A_158 = tpu.memref_slice %arg9[%dma_wait3A_157] : memref<1000000xf32, #tpu.memory_space<hbm>> -> memref<1000000xf32, #tpu.memory_space<hbm>>
    tpu.wait_indirect_dma semaphore(%arg20 : memref<!tpu.dma_semaphore, #tpu.memory_space<semaphore_mem>>) src(%dma_wait3A_158 : memref<1000000xf32, #tpu.memory_space<hbm>>) dst(%dma_wait3A_154 : memref<512xf32, #tpu.memory_space<vmem>>)
    %dma_wait3A_159 = arith.constant 4096 : i32
    %dma_wait3A_160 = tpu.memref_slice %arg19[%dma_wait3A_159] : memref<6656xf32, #tpu.memory_space<vmem>> -> memref<512xf32, #tpu.memory_space<vmem>>
    %dma_wait3A_161 = arith.constant 4096 : i32
    %dma_wait3A_162 = tpu.memref_slice %arg18[%dma_wait3A_161] : memref<6656xi32, #tpu.memory_space<vmem>> -> memref<512xi32, #tpu.memory_space<vmem>>
    %dma_wait3A_163 = arith.constant 0 : i32
    %dma_wait3A_164 = tpu.memref_slice %arg10[%dma_wait3A_163] : memref<1000000xf32, #tpu.memory_space<hbm>> -> memref<1000000xf32, #tpu.memory_space<hbm>>
    tpu.wait_indirect_dma semaphore(%arg20 : memref<!tpu.dma_semaphore, #tpu.memory_space<semaphore_mem>>) src(%dma_wait3A_164 : memref<1000000xf32, #tpu.memory_space<hbm>>) dst(%dma_wait3A_160 : memref<512xf32, #tpu.memory_space<vmem>>)
    %dma_wait3A_165 = arith.constant 4608 : i32
    %dma_wait3A_166 = tpu.memref_slice %arg19[%dma_wait3A_165] : memref<6656xf32, #tpu.memory_space<vmem>> -> memref<512xf32, #tpu.memory_space<vmem>>
    %dma_wait3A_167 = arith.constant 4608 : i32
    %dma_wait3A_168 = tpu.memref_slice %arg18[%dma_wait3A_167] : memref<6656xi32, #tpu.memory_space<vmem>> -> memref<512xi32, #tpu.memory_space<vmem>>
    %dma_wait3A_169 = arith.constant 0 : i32
    %dma_wait3A_170 = tpu.memref_slice %arg11[%dma_wait3A_169] : memref<1000000xf32, #tpu.memory_space<hbm>> -> memref<1000000xf32, #tpu.memory_space<hbm>>
    tpu.wait_indirect_dma semaphore(%arg20 : memref<!tpu.dma_semaphore, #tpu.memory_space<semaphore_mem>>) src(%dma_wait3A_170 : memref<1000000xf32, #tpu.memory_space<hbm>>) dst(%dma_wait3A_166 : memref<512xf32, #tpu.memory_space<vmem>>)
    %dma_wait3A_171 = arith.constant 5120 : i32
    %dma_wait3A_172 = tpu.memref_slice %arg19[%dma_wait3A_171] : memref<6656xf32, #tpu.memory_space<vmem>> -> memref<512xf32, #tpu.memory_space<vmem>>
    %dma_wait3A_173 = arith.constant 5120 : i32
    %dma_wait3A_174 = tpu.memref_slice %arg18[%dma_wait3A_173] : memref<6656xi32, #tpu.memory_space<vmem>> -> memref<512xi32, #tpu.memory_space<vmem>>
    %dma_wait3A_175 = arith.constant 0 : i32
    %dma_wait3A_176 = tpu.memref_slice %arg12[%dma_wait3A_175] : memref<1000000xf32, #tpu.memory_space<hbm>> -> memref<1000000xf32, #tpu.memory_space<hbm>>
    tpu.wait_indirect_dma semaphore(%arg20 : memref<!tpu.dma_semaphore, #tpu.memory_space<semaphore_mem>>) src(%dma_wait3A_176 : memref<1000000xf32, #tpu.memory_space<hbm>>) dst(%dma_wait3A_172 : memref<512xf32, #tpu.memory_space<vmem>>)
    %dma_wait3A_177 = arith.constant 5632 : i32
    %dma_wait3A_178 = tpu.memref_slice %arg19[%dma_wait3A_177] : memref<6656xf32, #tpu.memory_space<vmem>> -> memref<512xf32, #tpu.memory_space<vmem>>
    %dma_wait3A_179 = arith.constant 5632 : i32
    %dma_wait3A_180 = tpu.memref_slice %arg18[%dma_wait3A_179] : memref<6656xi32, #tpu.memory_space<vmem>> -> memref<512xi32, #tpu.memory_space<vmem>>
    %dma_wait3A_181 = arith.constant 0 : i32
    %dma_wait3A_182 = tpu.memref_slice %arg13[%dma_wait3A_181] : memref<1000000xf32, #tpu.memory_space<hbm>> -> memref<1000000xf32, #tpu.memory_space<hbm>>
    tpu.wait_indirect_dma semaphore(%arg20 : memref<!tpu.dma_semaphore, #tpu.memory_space<semaphore_mem>>) src(%dma_wait3A_182 : memref<1000000xf32, #tpu.memory_space<hbm>>) dst(%dma_wait3A_178 : memref<512xf32, #tpu.memory_space<vmem>>)
    %dma_wait3A_183 = arith.constant 6144 : i32
    %dma_wait3A_184 = tpu.memref_slice %arg19[%dma_wait3A_183] : memref<6656xf32, #tpu.memory_space<vmem>> -> memref<512xf32, #tpu.memory_space<vmem>>
    %dma_wait3A_185 = arith.constant 6144 : i32
    %dma_wait3A_186 = tpu.memref_slice %arg18[%dma_wait3A_185] : memref<6656xi32, #tpu.memory_space<vmem>> -> memref<512xi32, #tpu.memory_space<vmem>>
    %dma_wait3A_187 = arith.constant 0 : i32
    %dma_wait3A_188 = tpu.memref_slice %arg14[%dma_wait3A_187] : memref<1000000xf32, #tpu.memory_space<hbm>> -> memref<1000000xf32, #tpu.memory_space<hbm>>
    tpu.wait_indirect_dma semaphore(%arg20 : memref<!tpu.dma_semaphore, #tpu.memory_space<semaphore_mem>>) src(%dma_wait3A_188 : memref<1000000xf32, #tpu.memory_space<hbm>>) dst(%dma_wait3A_184 : memref<512xf32, #tpu.memory_space<vmem>>)
    %add3A_189 = arith.constant 0 : i32
    %add3A_190 = arith.addi %add3A_189, %mul3A_2 : i32
    "tpu.region"() ({
      %run_scoped3A = tpu.sem_alloc : memref<!tpu.dma_semaphore, #tpu.memory_space<semaphore_mem>>
      %dma_start3A_215 = arith.constant 0 : i32
      %dma_start3A_216 = tpu.memref_slice %arg19[%dma_start3A_215] : memref<6656xf32, #tpu.memory_space<vmem>> -> memref<512xf32, #tpu.memory_space<vmem>>
      %dma_start3A_217 = tpu.memref_slice %arg16[%add3A_190] : memref<212992xf32, #tpu.memory_space<hbm>> -> memref<512xf32, #tpu.memory_space<hbm>>
      %dma_start3A_218 = tpu.memref_slice %arg16[%add3A_190] : memref<212992xf32, #tpu.memory_space<hbm>> -> memref<512xf32, #tpu.memory_space<hbm>>
      %dma_start3A_219 = arith.constant 0 : i32
      %dma_start3A_220 = tpu.memref_slice %arg19[%dma_start3A_219] : memref<6656xf32, #tpu.memory_space<vmem>> -> memref<512xf32, #tpu.memory_space<vmem>>
      tpu.enqueue_dma source(%dma_start3A_220 : memref<512xf32, #tpu.memory_space<vmem>>) target(%dma_start3A_218 : memref<512xf32, #tpu.memory_space<hbm>>) target_semaphore(%run_scoped3A : memref<!tpu.dma_semaphore, #tpu.memory_space<semaphore_mem>>)
      %dma_wait3A_221 = arith.constant 0 : i32
      %dma_wait3A_222 = tpu.memref_slice %arg19[%dma_wait3A_221] : memref<6656xf32, #tpu.memory_space<vmem>> -> memref<512xf32, #tpu.memory_space<vmem>>
      %dma_wait3A_223 = tpu.memref_slice %arg16[%add3A_190] : memref<212992xf32, #tpu.memory_space<hbm>> -> memref<512xf32, #tpu.memory_space<hbm>>
      %dma_wait3A_224 = tpu.memref_slice %arg16[%add3A_190] : memref<212992xf32, #tpu.memory_space<hbm>> -> memref<512xf32, #tpu.memory_space<hbm>>
      %dma_wait3A_225 = arith.constant 0 : i32
      %dma_wait3A_226 = tpu.memref_slice %arg19[%dma_wait3A_225] : memref<6656xf32, #tpu.memory_space<vmem>> -> memref<512xf32, #tpu.memory_space<vmem>>
      tpu.wait_dma2 semaphore(%run_scoped3A : memref<!tpu.dma_semaphore, #tpu.memory_space<semaphore_mem>>) src(%dma_wait3A_226 : memref<512xf32, #tpu.memory_space<vmem>>) dst(%dma_wait3A_224 : memref<512xf32, #tpu.memory_space<hbm>>)
      tpu.yield
    }) : () -> ()
    %add3A_191 = arith.constant 16384 : i32
    %add3A_192 = arith.addi %add3A_191, %mul3A_2 : i32
    "tpu.region"() ({
      %run_scoped3A = tpu.sem_alloc : memref<!tpu.dma_semaphore, #tpu.memory_space<semaphore_mem>>
      %dma_start3A_215 = arith.constant 512 : i32
      %dma_start3A_216 = tpu.memref_slice %arg19[%dma_start3A_215] : memref<6656xf32, #tpu.memory_space<vmem>> -> memref<512xf32, #tpu.memory_space<vmem>>
      %dma_start3A_217 = tpu.memref_slice %arg16[%add3A_192] : memref<212992xf32, #tpu.memory_space<hbm>> -> memref<512xf32, #tpu.memory_space<hbm>>
      %dma_start3A_218 = tpu.memref_slice %arg16[%add3A_192] : memref<212992xf32, #tpu.memory_space<hbm>> -> memref<512xf32, #tpu.memory_space<hbm>>
      %dma_start3A_219 = arith.constant 512 : i32
      %dma_start3A_220 = tpu.memref_slice %arg19[%dma_start3A_219] : memref<6656xf32, #tpu.memory_space<vmem>> -> memref<512xf32, #tpu.memory_space<vmem>>
      tpu.enqueue_dma source(%dma_start3A_220 : memref<512xf32, #tpu.memory_space<vmem>>) target(%dma_start3A_218 : memref<512xf32, #tpu.memory_space<hbm>>) target_semaphore(%run_scoped3A : memref<!tpu.dma_semaphore, #tpu.memory_space<semaphore_mem>>)
      %dma_wait3A_221 = arith.constant 512 : i32
      %dma_wait3A_222 = tpu.memref_slice %arg19[%dma_wait3A_221] : memref<6656xf32, #tpu.memory_space<vmem>> -> memref<512xf32, #tpu.memory_space<vmem>>
      %dma_wait3A_223 = tpu.memref_slice %arg16[%add3A_192] : memref<212992xf32, #tpu.memory_space<hbm>> -> memref<512xf32, #tpu.memory_space<hbm>>
      %dma_wait3A_224 = tpu.memref_slice %arg16[%add3A_192] : memref<212992xf32, #tpu.memory_space<hbm>> -> memref<512xf32, #tpu.memory_space<hbm>>
      %dma_wait3A_225 = arith.constant 512 : i32
      %dma_wait3A_226 = tpu.memref_slice %arg19[%dma_wait3A_225] : memref<6656xf32, #tpu.memory_space<vmem>> -> memref<512xf32, #tpu.memory_space<vmem>>
      tpu.wait_dma2 semaphore(%run_scoped3A : memref<!tpu.dma_semaphore, #tpu.memory_space<semaphore_mem>>) src(%dma_wait3A_226 : memref<512xf32, #tpu.memory_space<vmem>>) dst(%dma_wait3A_224 : memref<512xf32, #tpu.memory_space<hbm>>)
      tpu.yield
    }) : () -> ()
    %add3A_193 = arith.constant 32768 : i32
    %add3A_194 = arith.addi %add3A_193, %mul3A_2 : i32
    "tpu.region"() ({
      %run_scoped3A = tpu.sem_alloc : memref<!tpu.dma_semaphore, #tpu.memory_space<semaphore_mem>>
      %dma_start3A_215 = arith.constant 1024 : i32
      %dma_start3A_216 = tpu.memref_slice %arg19[%dma_start3A_215] : memref<6656xf32, #tpu.memory_space<vmem>> -> memref<512xf32, #tpu.memory_space<vmem>>
      %dma_start3A_217 = tpu.memref_slice %arg16[%add3A_194] : memref<212992xf32, #tpu.memory_space<hbm>> -> memref<512xf32, #tpu.memory_space<hbm>>
      %dma_start3A_218 = tpu.memref_slice %arg16[%add3A_194] : memref<212992xf32, #tpu.memory_space<hbm>> -> memref<512xf32, #tpu.memory_space<hbm>>
      %dma_start3A_219 = arith.constant 1024 : i32
      %dma_start3A_220 = tpu.memref_slice %arg19[%dma_start3A_219] : memref<6656xf32, #tpu.memory_space<vmem>> -> memref<512xf32, #tpu.memory_space<vmem>>
      tpu.enqueue_dma source(%dma_start3A_220 : memref<512xf32, #tpu.memory_space<vmem>>) target(%dma_start3A_218 : memref<512xf32, #tpu.memory_space<hbm>>) target_semaphore(%run_scoped3A : memref<!tpu.dma_semaphore, #tpu.memory_space<semaphore_mem>>)
      %dma_wait3A_221 = arith.constant 1024 : i32
      %dma_wait3A_222 = tpu.memref_slice %arg19[%dma_wait3A_221] : memref<6656xf32, #tpu.memory_space<vmem>> -> memref<512xf32, #tpu.memory_space<vmem>>
      %dma_wait3A_223 = tpu.memref_slice %arg16[%add3A_194] : memref<212992xf32, #tpu.memory_space<hbm>> -> memref<512xf32, #tpu.memory_space<hbm>>
      %dma_wait3A_224 = tpu.memref_slice %arg16[%add3A_194] : memref<212992xf32, #tpu.memory_space<hbm>> -> memref<512xf32, #tpu.memory_space<hbm>>
      %dma_wait3A_225 = arith.constant 1024 : i32
      %dma_wait3A_226 = tpu.memref_slice %arg19[%dma_wait3A_225] : memref<6656xf32, #tpu.memory_space<vmem>> -> memref<512xf32, #tpu.memory_space<vmem>>
      tpu.wait_dma2 semaphore(%run_scoped3A : memref<!tpu.dma_semaphore, #tpu.memory_space<semaphore_mem>>) src(%dma_wait3A_226 : memref<512xf32, #tpu.memory_space<vmem>>) dst(%dma_wait3A_224 : memref<512xf32, #tpu.memory_space<hbm>>)
      tpu.yield
    }) : () -> ()
    %add3A_195 = arith.constant 49152 : i32
    %add3A_196 = arith.addi %add3A_195, %mul3A_2 : i32
    "tpu.region"() ({
      %run_scoped3A = tpu.sem_alloc : memref<!tpu.dma_semaphore, #tpu.memory_space<semaphore_mem>>
      %dma_start3A_215 = arith.constant 1536 : i32
      %dma_start3A_216 = tpu.memref_slice %arg19[%dma_start3A_215] : memref<6656xf32, #tpu.memory_space<vmem>> -> memref<512xf32, #tpu.memory_space<vmem>>
      %dma_start3A_217 = tpu.memref_slice %arg16[%add3A_196] : memref<212992xf32, #tpu.memory_space<hbm>> -> memref<512xf32, #tpu.memory_space<hbm>>
      %dma_start3A_218 = tpu.memref_slice %arg16[%add3A_196] : memref<212992xf32, #tpu.memory_space<hbm>> -> memref<512xf32, #tpu.memory_space<hbm>>
      %dma_start3A_219 = arith.constant 1536 : i32
      %dma_start3A_220 = tpu.memref_slice %arg19[%dma_start3A_219] : memref<6656xf32, #tpu.memory_space<vmem>> -> memref<512xf32, #tpu.memory_space<vmem>>
      tpu.enqueue_dma source(%dma_start3A_220 : memref<512xf32, #tpu.memory_space<vmem>>) target(%dma_start3A_218 : memref<512xf32, #tpu.memory_space<hbm>>) target_semaphore(%run_scoped3A : memref<!tpu.dma_semaphore, #tpu.memory_space<semaphore_mem>>)
      %dma_wait3A_221 = arith.constant 1536 : i32
      %dma_wait3A_222 = tpu.memref_slice %arg19[%dma_wait3A_221] : memref<6656xf32, #tpu.memory_space<vmem>> -> memref<512xf32, #tpu.memory_space<vmem>>
      %dma_wait3A_223 = tpu.memref_slice %arg16[%add3A_196] : memref<212992xf32, #tpu.memory_space<hbm>> -> memref<512xf32, #tpu.memory_space<hbm>>
      %dma_wait3A_224 = tpu.memref_slice %arg16[%add3A_196] : memref<212992xf32, #tpu.memory_space<hbm>> -> memref<512xf32, #tpu.memory_space<hbm>>
      %dma_wait3A_225 = arith.constant 1536 : i32
      %dma_wait3A_226 = tpu.memref_slice %arg19[%dma_wait3A_225] : memref<6656xf32, #tpu.memory_space<vmem>> -> memref<512xf32, #tpu.memory_space<vmem>>
      tpu.wait_dma2 semaphore(%run_scoped3A : memref<!tpu.dma_semaphore, #tpu.memory_space<semaphore_mem>>) src(%dma_wait3A_226 : memref<512xf32, #tpu.memory_space<vmem>>) dst(%dma_wait3A_224 : memref<512xf32, #tpu.memory_space<hbm>>)
      tpu.yield
    }) : () -> ()
    %add3A_197 = arith.constant 65536 : i32
    %add3A_198 = arith.addi %add3A_197, %mul3A_2 : i32
    "tpu.region"() ({
      %run_scoped3A = tpu.sem_alloc : memref<!tpu.dma_semaphore, #tpu.memory_space<semaphore_mem>>
      %dma_start3A_215 = arith.constant 2048 : i32
      %dma_start3A_216 = tpu.memref_slice %arg19[%dma_start3A_215] : memref<6656xf32, #tpu.memory_space<vmem>> -> memref<512xf32, #tpu.memory_space<vmem>>
      %dma_start3A_217 = tpu.memref_slice %arg16[%add3A_198] : memref<212992xf32, #tpu.memory_space<hbm>> -> memref<512xf32, #tpu.memory_space<hbm>>
      %dma_start3A_218 = tpu.memref_slice %arg16[%add3A_198] : memref<212992xf32, #tpu.memory_space<hbm>> -> memref<512xf32, #tpu.memory_space<hbm>>
      %dma_start3A_219 = arith.constant 2048 : i32
      %dma_start3A_220 = tpu.memref_slice %arg19[%dma_start3A_219] : memref<6656xf32, #tpu.memory_space<vmem>> -> memref<512xf32, #tpu.memory_space<vmem>>
      tpu.enqueue_dma source(%dma_start3A_220 : memref<512xf32, #tpu.memory_space<vmem>>) target(%dma_start3A_218 : memref<512xf32, #tpu.memory_space<hbm>>) target_semaphore(%run_scoped3A : memref<!tpu.dma_semaphore, #tpu.memory_space<semaphore_mem>>)
      %dma_wait3A_221 = arith.constant 2048 : i32
      %dma_wait3A_222 = tpu.memref_slice %arg19[%dma_wait3A_221] : memref<6656xf32, #tpu.memory_space<vmem>> -> memref<512xf32, #tpu.memory_space<vmem>>
      %dma_wait3A_223 = tpu.memref_slice %arg16[%add3A_198] : memref<212992xf32, #tpu.memory_space<hbm>> -> memref<512xf32, #tpu.memory_space<hbm>>
      %dma_wait3A_224 = tpu.memref_slice %arg16[%add3A_198] : memref<212992xf32, #tpu.memory_space<hbm>> -> memref<512xf32, #tpu.memory_space<hbm>>
      %dma_wait3A_225 = arith.constant 2048 : i32
      %dma_wait3A_226 = tpu.memref_slice %arg19[%dma_wait3A_225] : memref<6656xf32, #tpu.memory_space<vmem>> -> memref<512xf32, #tpu.memory_space<vmem>>
      tpu.wait_dma2 semaphore(%run_scoped3A : memref<!tpu.dma_semaphore, #tpu.memory_space<semaphore_mem>>) src(%dma_wait3A_226 : memref<512xf32, #tpu.memory_space<vmem>>) dst(%dma_wait3A_224 : memref<512xf32, #tpu.memory_space<hbm>>)
      tpu.yield
    }) : () -> ()
    %add3A_199 = arith.constant 81920 : i32
    %add3A_200 = arith.addi %add3A_199, %mul3A_2 : i32
    "tpu.region"() ({
      %run_scoped3A = tpu.sem_alloc : memref<!tpu.dma_semaphore, #tpu.memory_space<semaphore_mem>>
      %dma_start3A_215 = arith.constant 2560 : i32
      %dma_start3A_216 = tpu.memref_slice %arg19[%dma_start3A_215] : memref<6656xf32, #tpu.memory_space<vmem>> -> memref<512xf32, #tpu.memory_space<vmem>>
      %dma_start3A_217 = tpu.memref_slice %arg16[%add3A_200] : memref<212992xf32, #tpu.memory_space<hbm>> -> memref<512xf32, #tpu.memory_space<hbm>>
      %dma_start3A_218 = tpu.memref_slice %arg16[%add3A_200] : memref<212992xf32, #tpu.memory_space<hbm>> -> memref<512xf32, #tpu.memory_space<hbm>>
      %dma_start3A_219 = arith.constant 2560 : i32
      %dma_start3A_220 = tpu.memref_slice %arg19[%dma_start3A_219] : memref<6656xf32, #tpu.memory_space<vmem>> -> memref<512xf32, #tpu.memory_space<vmem>>
      tpu.enqueue_dma source(%dma_start3A_220 : memref<512xf32, #tpu.memory_space<vmem>>) target(%dma_start3A_218 : memref<512xf32, #tpu.memory_space<hbm>>) target_semaphore(%run_scoped3A : memref<!tpu.dma_semaphore, #tpu.memory_space<semaphore_mem>>)
      %dma_wait3A_221 = arith.constant 2560 : i32
      %dma_wait3A_222 = tpu.memref_slice %arg19[%dma_wait3A_221] : memref<6656xf32, #tpu.memory_space<vmem>> -> memref<512xf32, #tpu.memory_space<vmem>>
      %dma_wait3A_223 = tpu.memref_slice %arg16[%add3A_200] : memref<212992xf32, #tpu.memory_space<hbm>> -> memref<512xf32, #tpu.memory_space<hbm>>
      %dma_wait3A_224 = tpu.memref_slice %arg16[%add3A_200] : memref<212992xf32, #tpu.memory_space<hbm>> -> memref<512xf32, #tpu.memory_space<hbm>>
      %dma_wait3A_225 = arith.constant 2560 : i32
      %dma_wait3A_226 = tpu.memref_slice %arg19[%dma_wait3A_225] : memref<6656xf32, #tpu.memory_space<vmem>> -> memref<512xf32, #tpu.memory_space<vmem>>
      tpu.wait_dma2 semaphore(%run_scoped3A : memref<!tpu.dma_semaphore, #tpu.memory_space<semaphore_mem>>) src(%dma_wait3A_226 : memref<512xf32, #tpu.memory_space<vmem>>) dst(%dma_wait3A_224 : memref<512xf32, #tpu.memory_space<hbm>>)
      tpu.yield
    }) : () -> ()
    %add3A_201 = arith.constant 98304 : i32
    %add3A_202 = arith.addi %add3A_201, %mul3A_2 : i32
    "tpu.region"() ({
      %run_scoped3A = tpu.sem_alloc : memref<!tpu.dma_semaphore, #tpu.memory_space<semaphore_mem>>
      %dma_start3A_215 = arith.constant 3072 : i32
      %dma_start3A_216 = tpu.memref_slice %arg19[%dma_start3A_215] : memref<6656xf32, #tpu.memory_space<vmem>> -> memref<512xf32, #tpu.memory_space<vmem>>
      %dma_start3A_217 = tpu.memref_slice %arg16[%add3A_202] : memref<212992xf32, #tpu.memory_space<hbm>> -> memref<512xf32, #tpu.memory_space<hbm>>
      %dma_start3A_218 = tpu.memref_slice %arg16[%add3A_202] : memref<212992xf32, #tpu.memory_space<hbm>> -> memref<512xf32, #tpu.memory_space<hbm>>
      %dma_start3A_219 = arith.constant 3072 : i32
      %dma_start3A_220 = tpu.memref_slice %arg19[%dma_start3A_219] : memref<6656xf32, #tpu.memory_space<vmem>> -> memref<512xf32, #tpu.memory_space<vmem>>
      tpu.enqueue_dma source(%dma_start3A_220 : memref<512xf32, #tpu.memory_space<vmem>>) target(%dma_start3A_218 : memref<512xf32, #tpu.memory_space<hbm>>) target_semaphore(%run_scoped3A : memref<!tpu.dma_semaphore, #tpu.memory_space<semaphore_mem>>)
      %dma_wait3A_221 = arith.constant 3072 : i32
      %dma_wait3A_222 = tpu.memref_slice %arg19[%dma_wait3A_221] : memref<6656xf32, #tpu.memory_space<vmem>> -> memref<512xf32, #tpu.memory_space<vmem>>
      %dma_wait3A_223 = tpu.memref_slice %arg16[%add3A_202] : memref<212992xf32, #tpu.memory_space<hbm>> -> memref<512xf32, #tpu.memory_space<hbm>>
      %dma_wait3A_224 = tpu.memref_slice %arg16[%add3A_202] : memref<212992xf32, #tpu.memory_space<hbm>> -> memref<512xf32, #tpu.memory_space<hbm>>
      %dma_wait3A_225 = arith.constant 3072 : i32
      %dma_wait3A_226 = tpu.memref_slice %arg19[%dma_wait3A_225] : memref<6656xf32, #tpu.memory_space<vmem>> -> memref<512xf32, #tpu.memory_space<vmem>>
      tpu.wait_dma2 semaphore(%run_scoped3A : memref<!tpu.dma_semaphore, #tpu.memory_space<semaphore_mem>>) src(%dma_wait3A_226 : memref<512xf32, #tpu.memory_space<vmem>>) dst(%dma_wait3A_224 : memref<512xf32, #tpu.memory_space<hbm>>)
      tpu.yield
    }) : () -> ()
    %add3A_203 = arith.constant 114688 : i32
    %add3A_204 = arith.addi %add3A_203, %mul3A_2 : i32
    "tpu.region"() ({
      %run_scoped3A = tpu.sem_alloc : memref<!tpu.dma_semaphore, #tpu.memory_space<semaphore_mem>>
      %dma_start3A_215 = arith.constant 3584 : i32
      %dma_start3A_216 = tpu.memref_slice %arg19[%dma_start3A_215] : memref<6656xf32, #tpu.memory_space<vmem>> -> memref<512xf32, #tpu.memory_space<vmem>>
      %dma_start3A_217 = tpu.memref_slice %arg16[%add3A_204] : memref<212992xf32, #tpu.memory_space<hbm>> -> memref<512xf32, #tpu.memory_space<hbm>>
      %dma_start3A_218 = tpu.memref_slice %arg16[%add3A_204] : memref<212992xf32, #tpu.memory_space<hbm>> -> memref<512xf32, #tpu.memory_space<hbm>>
      %dma_start3A_219 = arith.constant 3584 : i32
      %dma_start3A_220 = tpu.memref_slice %arg19[%dma_start3A_219] : memref<6656xf32, #tpu.memory_space<vmem>> -> memref<512xf32, #tpu.memory_space<vmem>>
      tpu.enqueue_dma source(%dma_start3A_220 : memref<512xf32, #tpu.memory_space<vmem>>) target(%dma_start3A_218 : memref<512xf32, #tpu.memory_space<hbm>>) target_semaphore(%run_scoped3A : memref<!tpu.dma_semaphore, #tpu.memory_space<semaphore_mem>>)
      %dma_wait3A_221 = arith.constant 3584 : i32
      %dma_wait3A_222 = tpu.memref_slice %arg19[%dma_wait3A_221] : memref<6656xf32, #tpu.memory_space<vmem>> -> memref<512xf32, #tpu.memory_space<vmem>>
      %dma_wait3A_223 = tpu.memref_slice %arg16[%add3A_204] : memref<212992xf32, #tpu.memory_space<hbm>> -> memref<512xf32, #tpu.memory_space<hbm>>
      %dma_wait3A_224 = tpu.memref_slice %arg16[%add3A_204] : memref<212992xf32, #tpu.memory_space<hbm>> -> memref<512xf32, #tpu.memory_space<hbm>>
      %dma_wait3A_225 = arith.constant 3584 : i32
      %dma_wait3A_226 = tpu.memref_slice %arg19[%dma_wait3A_225] : memref<6656xf32, #tpu.memory_space<vmem>> -> memref<512xf32, #tpu.memory_space<vmem>>
      tpu.wait_dma2 semaphore(%run_scoped3A : memref<!tpu.dma_semaphore, #tpu.memory_space<semaphore_mem>>) src(%dma_wait3A_226 : memref<512xf32, #tpu.memory_space<vmem>>) dst(%dma_wait3A_224 : memref<512xf32, #tpu.memory_space<hbm>>)
      tpu.yield
    }) : () -> ()
    %add3A_205 = arith.constant 131072 : i32
    %add3A_206 = arith.addi %add3A_205, %mul3A_2 : i32
    "tpu.region"() ({
      %run_scoped3A = tpu.sem_alloc : memref<!tpu.dma_semaphore, #tpu.memory_space<semaphore_mem>>
      %dma_start3A_215 = arith.constant 4096 : i32
      %dma_start3A_216 = tpu.memref_slice %arg19[%dma_start3A_215] : memref<6656xf32, #tpu.memory_space<vmem>> -> memref<512xf32, #tpu.memory_space<vmem>>
      %dma_start3A_217 = tpu.memref_slice %arg16[%add3A_206] : memref<212992xf32, #tpu.memory_space<hbm>> -> memref<512xf32, #tpu.memory_space<hbm>>
      %dma_start3A_218 = tpu.memref_slice %arg16[%add3A_206] : memref<212992xf32, #tpu.memory_space<hbm>> -> memref<512xf32, #tpu.memory_space<hbm>>
      %dma_start3A_219 = arith.constant 4096 : i32
      %dma_start3A_220 = tpu.memref_slice %arg19[%dma_start3A_219] : memref<6656xf32, #tpu.memory_space<vmem>> -> memref<512xf32, #tpu.memory_space<vmem>>
      tpu.enqueue_dma source(%dma_start3A_220 : memref<512xf32, #tpu.memory_space<vmem>>) target(%dma_start3A_218 : memref<512xf32, #tpu.memory_space<hbm>>) target_semaphore(%run_scoped3A : memref<!tpu.dma_semaphore, #tpu.memory_space<semaphore_mem>>)
      %dma_wait3A_221 = arith.constant 4096 : i32
      %dma_wait3A_222 = tpu.memref_slice %arg19[%dma_wait3A_221] : memref<6656xf32, #tpu.memory_space<vmem>> -> memref<512xf32, #tpu.memory_space<vmem>>
      %dma_wait3A_223 = tpu.memref_slice %arg16[%add3A_206] : memref<212992xf32, #tpu.memory_space<hbm>> -> memref<512xf32, #tpu.memory_space<hbm>>
      %dma_wait3A_224 = tpu.memref_slice %arg16[%add3A_206] : memref<212992xf32, #tpu.memory_space<hbm>> -> memref<512xf32, #tpu.memory_space<hbm>>
      %dma_wait3A_225 = arith.constant 4096 : i32
      %dma_wait3A_226 = tpu.memref_slice %arg19[%dma_wait3A_225] : memref<6656xf32, #tpu.memory_space<vmem>> -> memref<512xf32, #tpu.memory_space<vmem>>
      tpu.wait_dma2 semaphore(%run_scoped3A : memref<!tpu.dma_semaphore, #tpu.memory_space<semaphore_mem>>) src(%dma_wait3A_226 : memref<512xf32, #tpu.memory_space<vmem>>) dst(%dma_wait3A_224 : memref<512xf32, #tpu.memory_space<hbm>>)
      tpu.yield
    }) : () -> ()
    %add3A_207 = arith.constant 147456 : i32
    %add3A_208 = arith.addi %add3A_207, %mul3A_2 : i32
    "tpu.region"() ({
      %run_scoped3A = tpu.sem_alloc : memref<!tpu.dma_semaphore, #tpu.memory_space<semaphore_mem>>
      %dma_start3A_215 = arith.constant 4608 : i32
      %dma_start3A_216 = tpu.memref_slice %arg19[%dma_start3A_215] : memref<6656xf32, #tpu.memory_space<vmem>> -> memref<512xf32, #tpu.memory_space<vmem>>
      %dma_start3A_217 = tpu.memref_slice %arg16[%add3A_208] : memref<212992xf32, #tpu.memory_space<hbm>> -> memref<512xf32, #tpu.memory_space<hbm>>
      %dma_start3A_218 = tpu.memref_slice %arg16[%add3A_208] : memref<212992xf32, #tpu.memory_space<hbm>> -> memref<512xf32, #tpu.memory_space<hbm>>
      %dma_start3A_219 = arith.constant 4608 : i32
      %dma_start3A_220 = tpu.memref_slice %arg19[%dma_start3A_219] : memref<6656xf32, #tpu.memory_space<vmem>> -> memref<512xf32, #tpu.memory_space<vmem>>
      tpu.enqueue_dma source(%dma_start3A_220 : memref<512xf32, #tpu.memory_space<vmem>>) target(%dma_start3A_218 : memref<512xf32, #tpu.memory_space<hbm>>) target_semaphore(%run_scoped3A : memref<!tpu.dma_semaphore, #tpu.memory_space<semaphore_mem>>)
      %dma_wait3A_221 = arith.constant 4608 : i32
      %dma_wait3A_222 = tpu.memref_slice %arg19[%dma_wait3A_221] : memref<6656xf32, #tpu.memory_space<vmem>> -> memref<512xf32, #tpu.memory_space<vmem>>
      %dma_wait3A_223 = tpu.memref_slice %arg16[%add3A_208] : memref<212992xf32, #tpu.memory_space<hbm>> -> memref<512xf32, #tpu.memory_space<hbm>>
      %dma_wait3A_224 = tpu.memref_slice %arg16[%add3A_208] : memref<212992xf32, #tpu.memory_space<hbm>> -> memref<512xf32, #tpu.memory_space<hbm>>
      %dma_wait3A_225 = arith.constant 4608 : i32
      %dma_wait3A_226 = tpu.memref_slice %arg19[%dma_wait3A_225] : memref<6656xf32, #tpu.memory_space<vmem>> -> memref<512xf32, #tpu.memory_space<vmem>>
      tpu.wait_dma2 semaphore(%run_scoped3A : memref<!tpu.dma_semaphore, #tpu.memory_space<semaphore_mem>>) src(%dma_wait3A_226 : memref<512xf32, #tpu.memory_space<vmem>>) dst(%dma_wait3A_224 : memref<512xf32, #tpu.memory_space<hbm>>)
      tpu.yield
    }) : () -> ()
    %add3A_209 = arith.constant 163840 : i32
    %add3A_210 = arith.addi %add3A_209, %mul3A_2 : i32
    "tpu.region"() ({
      %run_scoped3A = tpu.sem_alloc : memref<!tpu.dma_semaphore, #tpu.memory_space<semaphore_mem>>
      %dma_start3A_215 = arith.constant 5120 : i32
      %dma_start3A_216 = tpu.memref_slice %arg19[%dma_start3A_215] : memref<6656xf32, #tpu.memory_space<vmem>> -> memref<512xf32, #tpu.memory_space<vmem>>
      %dma_start3A_217 = tpu.memref_slice %arg16[%add3A_210] : memref<212992xf32, #tpu.memory_space<hbm>> -> memref<512xf32, #tpu.memory_space<hbm>>
      %dma_start3A_218 = tpu.memref_slice %arg16[%add3A_210] : memref<212992xf32, #tpu.memory_space<hbm>> -> memref<512xf32, #tpu.memory_space<hbm>>
      %dma_start3A_219 = arith.constant 5120 : i32
      %dma_start3A_220 = tpu.memref_slice %arg19[%dma_start3A_219] : memref<6656xf32, #tpu.memory_space<vmem>> -> memref<512xf32, #tpu.memory_space<vmem>>
      tpu.enqueue_dma source(%dma_start3A_220 : memref<512xf32, #tpu.memory_space<vmem>>) target(%dma_start3A_218 : memref<512xf32, #tpu.memory_space<hbm>>) target_semaphore(%run_scoped3A : memref<!tpu.dma_semaphore, #tpu.memory_space<semaphore_mem>>)
      %dma_wait3A_221 = arith.constant 5120 : i32
      %dma_wait3A_222 = tpu.memref_slice %arg19[%dma_wait3A_221] : memref<6656xf32, #tpu.memory_space<vmem>> -> memref<512xf32, #tpu.memory_space<vmem>>
      %dma_wait3A_223 = tpu.memref_slice %arg16[%add3A_210] : memref<212992xf32, #tpu.memory_space<hbm>> -> memref<512xf32, #tpu.memory_space<hbm>>
      %dma_wait3A_224 = tpu.memref_slice %arg16[%add3A_210] : memref<212992xf32, #tpu.memory_space<hbm>> -> memref<512xf32, #tpu.memory_space<hbm>>
      %dma_wait3A_225 = arith.constant 5120 : i32
      %dma_wait3A_226 = tpu.memref_slice %arg19[%dma_wait3A_225] : memref<6656xf32, #tpu.memory_space<vmem>> -> memref<512xf32, #tpu.memory_space<vmem>>
      tpu.wait_dma2 semaphore(%run_scoped3A : memref<!tpu.dma_semaphore, #tpu.memory_space<semaphore_mem>>) src(%dma_wait3A_226 : memref<512xf32, #tpu.memory_space<vmem>>) dst(%dma_wait3A_224 : memref<512xf32, #tpu.memory_space<hbm>>)
      tpu.yield
    }) : () -> ()
    %add3A_211 = arith.constant 180224 : i32
    %add3A_212 = arith.addi %add3A_211, %mul3A_2 : i32
    "tpu.region"() ({
      %run_scoped3A = tpu.sem_alloc : memref<!tpu.dma_semaphore, #tpu.memory_space<semaphore_mem>>
      %dma_start3A_215 = arith.constant 5632 : i32
      %dma_start3A_216 = tpu.memref_slice %arg19[%dma_start3A_215] : memref<6656xf32, #tpu.memory_space<vmem>> -> memref<512xf32, #tpu.memory_space<vmem>>
      %dma_start3A_217 = tpu.memref_slice %arg16[%add3A_212] : memref<212992xf32, #tpu.memory_space<hbm>> -> memref<512xf32, #tpu.memory_space<hbm>>
      %dma_start3A_218 = tpu.memref_slice %arg16[%add3A_212] : memref<212992xf32, #tpu.memory_space<hbm>> -> memref<512xf32, #tpu.memory_space<hbm>>
      %dma_start3A_219 = arith.constant 5632 : i32
      %dma_start3A_220 = tpu.memref_slice %arg19[%dma_start3A_219] : memref<6656xf32, #tpu.memory_space<vmem>> -> memref<512xf32, #tpu.memory_space<vmem>>
      tpu.enqueue_dma source(%dma_start3A_220 : memref<512xf32, #tpu.memory_space<vmem>>) target(%dma_start3A_218 : memref<512xf32, #tpu.memory_space<hbm>>) target_semaphore(%run_scoped3A : memref<!tpu.dma_semaphore, #tpu.memory_space<semaphore_mem>>)
      %dma_wait3A_221 = arith.constant 5632 : i32
      %dma_wait3A_222 = tpu.memref_slice %arg19[%dma_wait3A_221] : memref<6656xf32, #tpu.memory_space<vmem>> -> memref<512xf32, #tpu.memory_space<vmem>>
      %dma_wait3A_223 = tpu.memref_slice %arg16[%add3A_212] : memref<212992xf32, #tpu.memory_space<hbm>> -> memref<512xf32, #tpu.memory_space<hbm>>
      %dma_wait3A_224 = tpu.memref_slice %arg16[%add3A_212] : memref<212992xf32, #tpu.memory_space<hbm>> -> memref<512xf32, #tpu.memory_space<hbm>>
      %dma_wait3A_225 = arith.constant 5632 : i32
      %dma_wait3A_226 = tpu.memref_slice %arg19[%dma_wait3A_225] : memref<6656xf32, #tpu.memory_space<vmem>> -> memref<512xf32, #tpu.memory_space<vmem>>
      tpu.wait_dma2 semaphore(%run_scoped3A : memref<!tpu.dma_semaphore, #tpu.memory_space<semaphore_mem>>) src(%dma_wait3A_226 : memref<512xf32, #tpu.memory_space<vmem>>) dst(%dma_wait3A_224 : memref<512xf32, #tpu.memory_space<hbm>>)
      tpu.yield
    }) : () -> ()
    %add3A_213 = arith.constant 196608 : i32
    %add3A_214 = arith.addi %add3A_213, %mul3A_2 : i32
    "tpu.region"() ({
      %run_scoped3A = tpu.sem_alloc : memref<!tpu.dma_semaphore, #tpu.memory_space<semaphore_mem>>
      %dma_start3A_215 = arith.constant 6144 : i32
      %dma_start3A_216 = tpu.memref_slice %arg19[%dma_start3A_215] : memref<6656xf32, #tpu.memory_space<vmem>> -> memref<512xf32, #tpu.memory_space<vmem>>
      %dma_start3A_217 = tpu.memref_slice %arg16[%add3A_214] : memref<212992xf32, #tpu.memory_space<hbm>> -> memref<512xf32, #tpu.memory_space<hbm>>
      %dma_start3A_218 = tpu.memref_slice %arg16[%add3A_214] : memref<212992xf32, #tpu.memory_space<hbm>> -> memref<512xf32, #tpu.memory_space<hbm>>
      %dma_start3A_219 = arith.constant 6144 : i32
      %dma_start3A_220 = tpu.memref_slice %arg19[%dma_start3A_219] : memref<6656xf32, #tpu.memory_space<vmem>> -> memref<512xf32, #tpu.memory_space<vmem>>
      tpu.enqueue_dma source(%dma_start3A_220 : memref<512xf32, #tpu.memory_space<vmem>>) target(%dma_start3A_218 : memref<512xf32, #tpu.memory_space<hbm>>) target_semaphore(%run_scoped3A : memref<!tpu.dma_semaphore, #tpu.memory_space<semaphore_mem>>)
      %dma_wait3A_221 = arith.constant 6144 : i32
      %dma_wait3A_222 = tpu.memref_slice %arg19[%dma_wait3A_221] : memref<6656xf32, #tpu.memory_space<vmem>> -> memref<512xf32, #tpu.memory_space<vmem>>
      %dma_wait3A_223 = tpu.memref_slice %arg16[%add3A_214] : memref<212992xf32, #tpu.memory_space<hbm>> -> memref<512xf32, #tpu.memory_space<hbm>>
      %dma_wait3A_224 = tpu.memref_slice %arg16[%add3A_214] : memref<212992xf32, #tpu.memory_space<hbm>> -> memref<512xf32, #tpu.memory_space<hbm>>
      %dma_wait3A_225 = arith.constant 6144 : i32
      %dma_wait3A_226 = tpu.memref_slice %arg19[%dma_wait3A_225] : memref<6656xf32, #tpu.memory_space<vmem>> -> memref<512xf32, #tpu.memory_space<vmem>>
      tpu.wait_dma2 semaphore(%run_scoped3A : memref<!tpu.dma_semaphore, #tpu.memory_space<semaphore_mem>>) src(%dma_wait3A_226 : memref<512xf32, #tpu.memory_space<vmem>>) dst(%dma_wait3A_224 : memref<512xf32, #tpu.memory_space<hbm>>)
      tpu.yield
    }) : () -> ()
    return
  }
}

#map = affine_map<(d0, d1) -> (0)>
module attributes {stable_mosaic.version = 14 : i64} {
  func.func @gather_kernel(%arg0: i32, %arg1: i32, %arg2: memref<1000000xf32, #tpu.memory_space<hbm>>, %arg3: memref<1000000xf32, #tpu.memory_space<hbm>>, %arg4: memref<1000000xf32, #tpu.memory_space<hbm>>, %arg5: memref<1000000xf32, #tpu.memory_space<hbm>>, %arg6: memref<1000000xf32, #tpu.memory_space<hbm>>, %arg7: memref<1000000xf32, #tpu.memory_space<hbm>>, %arg8: memref<1000000xf32, #tpu.memory_space<hbm>>, %arg9: memref<1000000xf32, #tpu.memory_space<hbm>>, %arg10: memref<1000000xf32, #tpu.memory_space<hbm>>, %arg11: memref<1000000xf32, #tpu.memory_space<hbm>>, %arg12: memref<1000000xf32, #tpu.memory_space<hbm>>, %arg13: memref<1000000xf32, #tpu.memory_space<hbm>>, %arg14: memref<1000000xf32, #tpu.memory_space<hbm>>, %arg15: memref<425984xf32, #tpu.memory_space<hbm>>, %arg16: memref<212992xf32, #tpu.memory_space<hbm>>, %arg17: memref<6656xf32, #tpu.memory_space<vmem>>, %arg18: memref<6656xi32, #tpu.memory_space<vmem>>, %arg19: memref<6656xf32, #tpu.memory_space<vmem>>, %arg20: memref<!tpu.dma_semaphore, #tpu.memory_space<semaphore_mem>>) attributes {dimension_semantics = [#tpu.dimension_semantics<core_parallel>, #tpu.dimension_semantics<subcore_parallel>], iteration_bounds = array<i64: 2, 16>, scalar_prefetch = 0 : i64, scratch_operands = 4 : i64, tpu.core_type = #tpu.core_type<sc_vector_subcore>, window_params = [{transform_indices = #map}, {transform_indices = #map}, {transform_indices = #map}, {transform_indices = #map}, {transform_indices = #map}, {transform_indices = #map}, {transform_indices = #map}, {transform_indices = #map}, {transform_indices = #map}, {transform_indices = #map}, {transform_indices = #map}, {transform_indices = #map}, {transform_indices = #map}, {transform_indices = #map}, {transform_indices = #map}]} {
    %mul3A = arith.constant 2 : i32
    %mul3A_0 = arith.muli %arg1, %mul3A : i32
    %add3A = arith.addi %mul3A_0, %arg0 : i32
    %mul3A_1 = arith.constant 512 : i32
    %mul3A_2 = arith.muli %add3A, %mul3A_1 : i32
    %add3A_3 = arith.constant 212992 : i32
    %add3A_4 = arith.addi %add3A_3, %mul3A_2 : i32
    "tpu.region"() ({
      %run_scoped3A = tpu.sem_alloc : memref<!tpu.dma_semaphore, #tpu.memory_space<semaphore_mem>>
      %dma_start3A_215 = arith.constant 0 : i32
      %dma_start3A_216 = tpu.memref_slice %arg17[%dma_start3A_215] : memref<6656xf32, #tpu.memory_space<vmem>> -> memref<512xf32, #tpu.memory_space<vmem>>
      %dma_start3A_217 = tpu.memref_slice %arg15[%add3A_4] : memref<425984xf32, #tpu.memory_space<hbm>> -> memref<512xf32, #tpu.memory_space<hbm>>
      %dma_start3A_218 = arith.constant 0 : i32
      %dma_start3A_219 = tpu.memref_slice %arg17[%dma_start3A_218] : memref<6656xf32, #tpu.memory_space<vmem>> -> memref<512xf32, #tpu.memory_space<vmem>>
      %dma_start3A_220 = tpu.memref_slice %arg15[%add3A_4] : memref<425984xf32, #tpu.memory_space<hbm>> -> memref<512xf32, #tpu.memory_space<hbm>>
      tpu.enqueue_dma source(%dma_start3A_220 : memref<512xf32, #tpu.memory_space<hbm>>) target(%dma_start3A_219 : memref<512xf32, #tpu.memory_space<vmem>>) target_semaphore(%run_scoped3A : memref<!tpu.dma_semaphore, #tpu.memory_space<semaphore_mem>>)
      %dma_wait3A_221 = arith.constant 0 : i32
      %dma_wait3A_222 = tpu.memref_slice %arg17[%dma_wait3A_221] : memref<6656xf32, #tpu.memory_space<vmem>> -> memref<512xf32, #tpu.memory_space<vmem>>
      %dma_wait3A_223 = tpu.memref_slice %arg15[%add3A_4] : memref<425984xf32, #tpu.memory_space<hbm>> -> memref<512xf32, #tpu.memory_space<hbm>>
      %dma_wait3A_224 = arith.constant 0 : i32
      %dma_wait3A_225 = tpu.memref_slice %arg17[%dma_wait3A_224] : memref<6656xf32, #tpu.memory_space<vmem>> -> memref<512xf32, #tpu.memory_space<vmem>>
      %dma_wait3A_226 = tpu.memref_slice %arg15[%add3A_4] : memref<425984xf32, #tpu.memory_space<hbm>> -> memref<512xf32, #tpu.memory_space<hbm>>
      tpu.wait_dma2 semaphore(%run_scoped3A : memref<!tpu.dma_semaphore, #tpu.memory_space<semaphore_mem>>) src(%dma_wait3A_226 : memref<512xf32, #tpu.memory_space<hbm>>) dst(%dma_wait3A_225 : memref<512xf32, #tpu.memory_space<vmem>>)
      tpu.yield
    }) : () -> ()
    %add3A_5 = arith.constant 229376 : i32
    %add3A_6 = arith.addi %add3A_5, %mul3A_2 : i32
    "tpu.region"() ({
      %run_scoped3A = tpu.sem_alloc : memref<!tpu.dma_semaphore, #tpu.memory_space<semaphore_mem>>
      %dma_start3A_215 = arith.constant 512 : i32
      %dma_start3A_216 = tpu.memref_slice %arg17[%dma_start3A_215] : memref<6656xf32, #tpu.memory_space<vmem>> -> memref<512xf32, #tpu.memory_space<vmem>>
      %dma_start3A_217 = tpu.memref_slice %arg15[%add3A_6] : memref<425984xf32, #tpu.memory_space<hbm>> -> memref<512xf32, #tpu.memory_space<hbm>>
      %dma_start3A_218 = arith.constant 512 : i32
      %dma_start3A_219 = tpu.memref_slice %arg17[%dma_start3A_218] : memref<6656xf32, #tpu.memory_space<vmem>> -> memref<512xf32, #tpu.memory_space<vmem>>
      %dma_start3A_220 = tpu.memref_slice %arg15[%add3A_6] : memref<425984xf32, #tpu.memory_space<hbm>> -> memref<512xf32, #tpu.memory_space<hbm>>
      tpu.enqueue_dma source(%dma_start3A_220 : memref<512xf32, #tpu.memory_space<hbm>>) target(%dma_start3A_219 : memref<512xf32, #tpu.memory_space<vmem>>) target_semaphore(%run_scoped3A : memref<!tpu.dma_semaphore, #tpu.memory_space<semaphore_mem>>)
      %dma_wait3A_221 = arith.constant 512 : i32
      %dma_wait3A_222 = tpu.memref_slice %arg17[%dma_wait3A_221] : memref<6656xf32, #tpu.memory_space<vmem>> -> memref<512xf32, #tpu.memory_space<vmem>>
      %dma_wait3A_223 = tpu.memref_slice %arg15[%add3A_6] : memref<425984xf32, #tpu.memory_space<hbm>> -> memref<512xf32, #tpu.memory_space<hbm>>
      %dma_wait3A_224 = arith.constant 512 : i32
      %dma_wait3A_225 = tpu.memref_slice %arg17[%dma_wait3A_224] : memref<6656xf32, #tpu.memory_space<vmem>> -> memref<512xf32, #tpu.memory_space<vmem>>
      %dma_wait3A_226 = tpu.memref_slice %arg15[%add3A_6] : memref<425984xf32, #tpu.memory_space<hbm>> -> memref<512xf32, #tpu.memory_space<hbm>>
      tpu.wait_dma2 semaphore(%run_scoped3A : memref<!tpu.dma_semaphore, #tpu.memory_space<semaphore_mem>>) src(%dma_wait3A_226 : memref<512xf32, #tpu.memory_space<hbm>>) dst(%dma_wait3A_225 : memref<512xf32, #tpu.memory_space<vmem>>)
      tpu.yield
    }) : () -> ()
    %add3A_7 = arith.constant 245760 : i32
    %add3A_8 = arith.addi %add3A_7, %mul3A_2 : i32
    "tpu.region"() ({
      %run_scoped3A = tpu.sem_alloc : memref<!tpu.dma_semaphore, #tpu.memory_space<semaphore_mem>>
      %dma_start3A_215 = arith.constant 1024 : i32
      %dma_start3A_216 = tpu.memref_slice %arg17[%dma_start3A_215] : memref<6656xf32, #tpu.memory_space<vmem>> -> memref<512xf32, #tpu.memory_space<vmem>>
      %dma_start3A_217 = tpu.memref_slice %arg15[%add3A_8] : memref<425984xf32, #tpu.memory_space<hbm>> -> memref<512xf32, #tpu.memory_space<hbm>>
      %dma_start3A_218 = arith.constant 1024 : i32
      %dma_start3A_219 = tpu.memref_slice %arg17[%dma_start3A_218] : memref<6656xf32, #tpu.memory_space<vmem>> -> memref<512xf32, #tpu.memory_space<vmem>>
      %dma_start3A_220 = tpu.memref_slice %arg15[%add3A_8] : memref<425984xf32, #tpu.memory_space<hbm>> -> memref<512xf32, #tpu.memory_space<hbm>>
      tpu.enqueue_dma source(%dma_start3A_220 : memref<512xf32, #tpu.memory_space<hbm>>) target(%dma_start3A_219 : memref<512xf32, #tpu.memory_space<vmem>>) target_semaphore(%run_scoped3A : memref<!tpu.dma_semaphore, #tpu.memory_space<semaphore_mem>>)
      %dma_wait3A_221 = arith.constant 1024 : i32
      %dma_wait3A_222 = tpu.memref_slice %arg17[%dma_wait3A_221] : memref<6656xf32, #tpu.memory_space<vmem>> -> memref<512xf32, #tpu.memory_space<vmem>>
      %dma_wait3A_223 = tpu.memref_slice %arg15[%add3A_8] : memref<425984xf32, #tpu.memory_space<hbm>> -> memref<512xf32, #tpu.memory_space<hbm>>
      %dma_wait3A_224 = arith.constant 1024 : i32
      %dma_wait3A_225 = tpu.memref_slice %arg17[%dma_wait3A_224] : memref<6656xf32, #tpu.memory_space<vmem>> -> memref<512xf32, #tpu.memory_space<vmem>>
      %dma_wait3A_226 = tpu.memref_slice %arg15[%add3A_8] : memref<425984xf32, #tpu.memory_space<hbm>> -> memref<512xf32, #tpu.memory_space<hbm>>
      tpu.wait_dma2 semaphore(%run_scoped3A : memref<!tpu.dma_semaphore, #tpu.memory_space<semaphore_mem>>) src(%dma_wait3A_226 : memref<512xf32, #tpu.memory_space<hbm>>) dst(%dma_wait3A_225 : memref<512xf32, #tpu.memory_space<vmem>>)
      tpu.yield
    }) : () -> ()
    %add3A_9 = arith.constant 262144 : i32
    %add3A_10 = arith.addi %add3A_9, %mul3A_2 : i32
    "tpu.region"() ({
      %run_scoped3A = tpu.sem_alloc : memref<!tpu.dma_semaphore, #tpu.memory_space<semaphore_mem>>
      %dma_start3A_215 = arith.constant 1536 : i32
      %dma_start3A_216 = tpu.memref_slice %arg17[%dma_start3A_215] : memref<6656xf32, #tpu.memory_space<vmem>> -> memref<512xf32, #tpu.memory_space<vmem>>
      %dma_start3A_217 = tpu.memref_slice %arg15[%add3A_10] : memref<425984xf32, #tpu.memory_space<hbm>> -> memref<512xf32, #tpu.memory_space<hbm>>
      %dma_start3A_218 = arith.constant 1536 : i32
      %dma_start3A_219 = tpu.memref_slice %arg17[%dma_start3A_218] : memref<6656xf32, #tpu.memory_space<vmem>> -> memref<512xf32, #tpu.memory_space<vmem>>
      %dma_start3A_220 = tpu.memref_slice %arg15[%add3A_10] : memref<425984xf32, #tpu.memory_space<hbm>> -> memref<512xf32, #tpu.memory_space<hbm>>
      tpu.enqueue_dma source(%dma_start3A_220 : memref<512xf32, #tpu.memory_space<hbm>>) target(%dma_start3A_219 : memref<512xf32, #tpu.memory_space<vmem>>) target_semaphore(%run_scoped3A : memref<!tpu.dma_semaphore, #tpu.memory_space<semaphore_mem>>)
      %dma_wait3A_221 = arith.constant 1536 : i32
      %dma_wait3A_222 = tpu.memref_slice %arg17[%dma_wait3A_221] : memref<6656xf32, #tpu.memory_space<vmem>> -> memref<512xf32, #tpu.memory_space<vmem>>
      %dma_wait3A_223 = tpu.memref_slice %arg15[%add3A_10] : memref<425984xf32, #tpu.memory_space<hbm>> -> memref<512xf32, #tpu.memory_space<hbm>>
      %dma_wait3A_224 = arith.constant 1536 : i32
      %dma_wait3A_225 = tpu.memref_slice %arg17[%dma_wait3A_224] : memref<6656xf32, #tpu.memory_space<vmem>> -> memref<512xf32, #tpu.memory_space<vmem>>
      %dma_wait3A_226 = tpu.memref_slice %arg15[%add3A_10] : memref<425984xf32, #tpu.memory_space<hbm>> -> memref<512xf32, #tpu.memory_space<hbm>>
      tpu.wait_dma2 semaphore(%run_scoped3A : memref<!tpu.dma_semaphore, #tpu.memory_space<semaphore_mem>>) src(%dma_wait3A_226 : memref<512xf32, #tpu.memory_space<hbm>>) dst(%dma_wait3A_225 : memref<512xf32, #tpu.memory_space<vmem>>)
      tpu.yield
    }) : () -> ()
    %add3A_11 = arith.constant 278528 : i32
    %add3A_12 = arith.addi %add3A_11, %mul3A_2 : i32
    "tpu.region"() ({
      %run_scoped3A = tpu.sem_alloc : memref<!tpu.dma_semaphore, #tpu.memory_space<semaphore_mem>>
      %dma_start3A_215 = arith.constant 2048 : i32
      %dma_start3A_216 = tpu.memref_slice %arg17[%dma_start3A_215] : memref<6656xf32, #tpu.memory_space<vmem>> -> memref<512xf32, #tpu.memory_space<vmem>>
      %dma_start3A_217 = tpu.memref_slice %arg15[%add3A_12] : memref<425984xf32, #tpu.memory_space<hbm>> -> memref<512xf32, #tpu.memory_space<hbm>>
      %dma_start3A_218 = arith.constant 2048 : i32
      %dma_start3A_219 = tpu.memref_slice %arg17[%dma_start3A_218] : memref<6656xf32, #tpu.memory_space<vmem>> -> memref<512xf32, #tpu.memory_space<vmem>>
      %dma_start3A_220 = tpu.memref_slice %arg15[%add3A_12] : memref<425984xf32, #tpu.memory_space<hbm>> -> memref<512xf32, #tpu.memory_space<hbm>>
      tpu.enqueue_dma source(%dma_start3A_220 : memref<512xf32, #tpu.memory_space<hbm>>) target(%dma_start3A_219 : memref<512xf32, #tpu.memory_space<vmem>>) target_semaphore(%run_scoped3A : memref<!tpu.dma_semaphore, #tpu.memory_space<semaphore_mem>>)
      %dma_wait3A_221 = arith.constant 2048 : i32
      %dma_wait3A_222 = tpu.memref_slice %arg17[%dma_wait3A_221] : memref<6656xf32, #tpu.memory_space<vmem>> -> memref<512xf32, #tpu.memory_space<vmem>>
      %dma_wait3A_223 = tpu.memref_slice %arg15[%add3A_12] : memref<425984xf32, #tpu.memory_space<hbm>> -> memref<512xf32, #tpu.memory_space<hbm>>
      %dma_wait3A_224 = arith.constant 2048 : i32
      %dma_wait3A_225 = tpu.memref_slice %arg17[%dma_wait3A_224] : memref<6656xf32, #tpu.memory_space<vmem>> -> memref<512xf32, #tpu.memory_space<vmem>>
      %dma_wait3A_226 = tpu.memref_slice %arg15[%add3A_12] : memref<425984xf32, #tpu.memory_space<hbm>> -> memref<512xf32, #tpu.memory_space<hbm>>
      tpu.wait_dma2 semaphore(%run_scoped3A : memref<!tpu.dma_semaphore, #tpu.memory_space<semaphore_mem>>) src(%dma_wait3A_226 : memref<512xf32, #tpu.memory_space<hbm>>) dst(%dma_wait3A_225 : memref<512xf32, #tpu.memory_space<vmem>>)
      tpu.yield
    }) : () -> ()
    %add3A_13 = arith.constant 294912 : i32
    %add3A_14 = arith.addi %add3A_13, %mul3A_2 : i32
    "tpu.region"() ({
      %run_scoped3A = tpu.sem_alloc : memref<!tpu.dma_semaphore, #tpu.memory_space<semaphore_mem>>
      %dma_start3A_215 = arith.constant 2560 : i32
      %dma_start3A_216 = tpu.memref_slice %arg17[%dma_start3A_215] : memref<6656xf32, #tpu.memory_space<vmem>> -> memref<512xf32, #tpu.memory_space<vmem>>
      %dma_start3A_217 = tpu.memref_slice %arg15[%add3A_14] : memref<425984xf32, #tpu.memory_space<hbm>> -> memref<512xf32, #tpu.memory_space<hbm>>
      %dma_start3A_218 = arith.constant 2560 : i32
      %dma_start3A_219 = tpu.memref_slice %arg17[%dma_start3A_218] : memref<6656xf32, #tpu.memory_space<vmem>> -> memref<512xf32, #tpu.memory_space<vmem>>
      %dma_start3A_220 = tpu.memref_slice %arg15[%add3A_14] : memref<425984xf32, #tpu.memory_space<hbm>> -> memref<512xf32, #tpu.memory_space<hbm>>
      tpu.enqueue_dma source(%dma_start3A_220 : memref<512xf32, #tpu.memory_space<hbm>>) target(%dma_start3A_219 : memref<512xf32, #tpu.memory_space<vmem>>) target_semaphore(%run_scoped3A : memref<!tpu.dma_semaphore, #tpu.memory_space<semaphore_mem>>)
      %dma_wait3A_221 = arith.constant 2560 : i32
      %dma_wait3A_222 = tpu.memref_slice %arg17[%dma_wait3A_221] : memref<6656xf32, #tpu.memory_space<vmem>> -> memref<512xf32, #tpu.memory_space<vmem>>
      %dma_wait3A_223 = tpu.memref_slice %arg15[%add3A_14] : memref<425984xf32, #tpu.memory_space<hbm>> -> memref<512xf32, #tpu.memory_space<hbm>>
      %dma_wait3A_224 = arith.constant 2560 : i32
      %dma_wait3A_225 = tpu.memref_slice %arg17[%dma_wait3A_224] : memref<6656xf32, #tpu.memory_space<vmem>> -> memref<512xf32, #tpu.memory_space<vmem>>
      %dma_wait3A_226 = tpu.memref_slice %arg15[%add3A_14] : memref<425984xf32, #tpu.memory_space<hbm>> -> memref<512xf32, #tpu.memory_space<hbm>>
      tpu.wait_dma2 semaphore(%run_scoped3A : memref<!tpu.dma_semaphore, #tpu.memory_space<semaphore_mem>>) src(%dma_wait3A_226 : memref<512xf32, #tpu.memory_space<hbm>>) dst(%dma_wait3A_225 : memref<512xf32, #tpu.memory_space<vmem>>)
      tpu.yield
    }) : () -> ()
    %add3A_15 = arith.constant 311296 : i32
    %add3A_16 = arith.addi %add3A_15, %mul3A_2 : i32
    "tpu.region"() ({
      %run_scoped3A = tpu.sem_alloc : memref<!tpu.dma_semaphore, #tpu.memory_space<semaphore_mem>>
      %dma_start3A_215 = arith.constant 3072 : i32
      %dma_start3A_216 = tpu.memref_slice %arg17[%dma_start3A_215] : memref<6656xf32, #tpu.memory_space<vmem>> -> memref<512xf32, #tpu.memory_space<vmem>>
      %dma_start3A_217 = tpu.memref_slice %arg15[%add3A_16] : memref<425984xf32, #tpu.memory_space<hbm>> -> memref<512xf32, #tpu.memory_space<hbm>>
      %dma_start3A_218 = arith.constant 3072 : i32
      %dma_start3A_219 = tpu.memref_slice %arg17[%dma_start3A_218] : memref<6656xf32, #tpu.memory_space<vmem>> -> memref<512xf32, #tpu.memory_space<vmem>>
      %dma_start3A_220 = tpu.memref_slice %arg15[%add3A_16] : memref<425984xf32, #tpu.memory_space<hbm>> -> memref<512xf32, #tpu.memory_space<hbm>>
      tpu.enqueue_dma source(%dma_start3A_220 : memref<512xf32, #tpu.memory_space<hbm>>) target(%dma_start3A_219 : memref<512xf32, #tpu.memory_space<vmem>>) target_semaphore(%run_scoped3A : memref<!tpu.dma_semaphore, #tpu.memory_space<semaphore_mem>>)
      %dma_wait3A_221 = arith.constant 3072 : i32
      %dma_wait3A_222 = tpu.memref_slice %arg17[%dma_wait3A_221] : memref<6656xf32, #tpu.memory_space<vmem>> -> memref<512xf32, #tpu.memory_space<vmem>>
      %dma_wait3A_223 = tpu.memref_slice %arg15[%add3A_16] : memref<425984xf32, #tpu.memory_space<hbm>> -> memref<512xf32, #tpu.memory_space<hbm>>
      %dma_wait3A_224 = arith.constant 3072 : i32
      %dma_wait3A_225 = tpu.memref_slice %arg17[%dma_wait3A_224] : memref<6656xf32, #tpu.memory_space<vmem>> -> memref<512xf32, #tpu.memory_space<vmem>>
      %dma_wait3A_226 = tpu.memref_slice %arg15[%add3A_16] : memref<425984xf32, #tpu.memory_space<hbm>> -> memref<512xf32, #tpu.memory_space<hbm>>
      tpu.wait_dma2 semaphore(%run_scoped3A : memref<!tpu.dma_semaphore, #tpu.memory_space<semaphore_mem>>) src(%dma_wait3A_226 : memref<512xf32, #tpu.memory_space<hbm>>) dst(%dma_wait3A_225 : memref<512xf32, #tpu.memory_space<vmem>>)
      tpu.yield
    }) : () -> ()
    %add3A_17 = arith.constant 327680 : i32
    %add3A_18 = arith.addi %add3A_17, %mul3A_2 : i32
    "tpu.region"() ({
      %run_scoped3A = tpu.sem_alloc : memref<!tpu.dma_semaphore, #tpu.memory_space<semaphore_mem>>
      %dma_start3A_215 = arith.constant 3584 : i32
      %dma_start3A_216 = tpu.memref_slice %arg17[%dma_start3A_215] : memref<6656xf32, #tpu.memory_space<vmem>> -> memref<512xf32, #tpu.memory_space<vmem>>
      %dma_start3A_217 = tpu.memref_slice %arg15[%add3A_18] : memref<425984xf32, #tpu.memory_space<hbm>> -> memref<512xf32, #tpu.memory_space<hbm>>
      %dma_start3A_218 = arith.constant 3584 : i32
      %dma_start3A_219 = tpu.memref_slice %arg17[%dma_start3A_218] : memref<6656xf32, #tpu.memory_space<vmem>> -> memref<512xf32, #tpu.memory_space<vmem>>
      %dma_start3A_220 = tpu.memref_slice %arg15[%add3A_18] : memref<425984xf32, #tpu.memory_space<hbm>> -> memref<512xf32, #tpu.memory_space<hbm>>
      tpu.enqueue_dma source(%dma_start3A_220 : memref<512xf32, #tpu.memory_space<hbm>>) target(%dma_start3A_219 : memref<512xf32, #tpu.memory_space<vmem>>) target_semaphore(%run_scoped3A : memref<!tpu.dma_semaphore, #tpu.memory_space<semaphore_mem>>)
      %dma_wait3A_221 = arith.constant 3584 : i32
      %dma_wait3A_222 = tpu.memref_slice %arg17[%dma_wait3A_221] : memref<6656xf32, #tpu.memory_space<vmem>> -> memref<512xf32, #tpu.memory_space<vmem>>
      %dma_wait3A_223 = tpu.memref_slice %arg15[%add3A_18] : memref<425984xf32, #tpu.memory_space<hbm>> -> memref<512xf32, #tpu.memory_space<hbm>>
      %dma_wait3A_224 = arith.constant 3584 : i32
      %dma_wait3A_225 = tpu.memref_slice %arg17[%dma_wait3A_224] : memref<6656xf32, #tpu.memory_space<vmem>> -> memref<512xf32, #tpu.memory_space<vmem>>
      %dma_wait3A_226 = tpu.memref_slice %arg15[%add3A_18] : memref<425984xf32, #tpu.memory_space<hbm>> -> memref<512xf32, #tpu.memory_space<hbm>>
      tpu.wait_dma2 semaphore(%run_scoped3A : memref<!tpu.dma_semaphore, #tpu.memory_space<semaphore_mem>>) src(%dma_wait3A_226 : memref<512xf32, #tpu.memory_space<hbm>>) dst(%dma_wait3A_225 : memref<512xf32, #tpu.memory_space<vmem>>)
      tpu.yield
    }) : () -> ()
    %add3A_19 = arith.constant 344064 : i32
    %add3A_20 = arith.addi %add3A_19, %mul3A_2 : i32
    "tpu.region"() ({
      %run_scoped3A = tpu.sem_alloc : memref<!tpu.dma_semaphore, #tpu.memory_space<semaphore_mem>>
      %dma_start3A_215 = arith.constant 4096 : i32
      %dma_start3A_216 = tpu.memref_slice %arg17[%dma_start3A_215] : memref<6656xf32, #tpu.memory_space<vmem>> -> memref<512xf32, #tpu.memory_space<vmem>>
      %dma_start3A_217 = tpu.memref_slice %arg15[%add3A_20] : memref<425984xf32, #tpu.memory_space<hbm>> -> memref<512xf32, #tpu.memory_space<hbm>>
      %dma_start3A_218 = arith.constant 4096 : i32
      %dma_start3A_219 = tpu.memref_slice %arg17[%dma_start3A_218] : memref<6656xf32, #tpu.memory_space<vmem>> -> memref<512xf32, #tpu.memory_space<vmem>>
      %dma_start3A_220 = tpu.memref_slice %arg15[%add3A_20] : memref<425984xf32, #tpu.memory_space<hbm>> -> memref<512xf32, #tpu.memory_space<hbm>>
      tpu.enqueue_dma source(%dma_start3A_220 : memref<512xf32, #tpu.memory_space<hbm>>) target(%dma_start3A_219 : memref<512xf32, #tpu.memory_space<vmem>>) target_semaphore(%run_scoped3A : memref<!tpu.dma_semaphore, #tpu.memory_space<semaphore_mem>>)
      %dma_wait3A_221 = arith.constant 4096 : i32
      %dma_wait3A_222 = tpu.memref_slice %arg17[%dma_wait3A_221] : memref<6656xf32, #tpu.memory_space<vmem>> -> memref<512xf32, #tpu.memory_space<vmem>>
      %dma_wait3A_223 = tpu.memref_slice %arg15[%add3A_20] : memref<425984xf32, #tpu.memory_space<hbm>> -> memref<512xf32, #tpu.memory_space<hbm>>
      %dma_wait3A_224 = arith.constant 4096 : i32
      %dma_wait3A_225 = tpu.memref_slice %arg17[%dma_wait3A_224] : memref<6656xf32, #tpu.memory_space<vmem>> -> memref<512xf32, #tpu.memory_space<vmem>>
      %dma_wait3A_226 = tpu.memref_slice %arg15[%add3A_20] : memref<425984xf32, #tpu.memory_space<hbm>> -> memref<512xf32, #tpu.memory_space<hbm>>
      tpu.wait_dma2 semaphore(%run_scoped3A : memref<!tpu.dma_semaphore, #tpu.memory_space<semaphore_mem>>) src(%dma_wait3A_226 : memref<512xf32, #tpu.memory_space<hbm>>) dst(%dma_wait3A_225 : memref<512xf32, #tpu.memory_space<vmem>>)
      tpu.yield
    }) : () -> ()
    %add3A_21 = arith.constant 360448 : i32
    %add3A_22 = arith.addi %add3A_21, %mul3A_2 : i32
    "tpu.region"() ({
      %run_scoped3A = tpu.sem_alloc : memref<!tpu.dma_semaphore, #tpu.memory_space<semaphore_mem>>
      %dma_start3A_215 = arith.constant 4608 : i32
      %dma_start3A_216 = tpu.memref_slice %arg17[%dma_start3A_215] : memref<6656xf32, #tpu.memory_space<vmem>> -> memref<512xf32, #tpu.memory_space<vmem>>
      %dma_start3A_217 = tpu.memref_slice %arg15[%add3A_22] : memref<425984xf32, #tpu.memory_space<hbm>> -> memref<512xf32, #tpu.memory_space<hbm>>
      %dma_start3A_218 = arith.constant 4608 : i32
      %dma_start3A_219 = tpu.memref_slice %arg17[%dma_start3A_218] : memref<6656xf32, #tpu.memory_space<vmem>> -> memref<512xf32, #tpu.memory_space<vmem>>
      %dma_start3A_220 = tpu.memref_slice %arg15[%add3A_22] : memref<425984xf32, #tpu.memory_space<hbm>> -> memref<512xf32, #tpu.memory_space<hbm>>
      tpu.enqueue_dma source(%dma_start3A_220 : memref<512xf32, #tpu.memory_space<hbm>>) target(%dma_start3A_219 : memref<512xf32, #tpu.memory_space<vmem>>) target_semaphore(%run_scoped3A : memref<!tpu.dma_semaphore, #tpu.memory_space<semaphore_mem>>)
      %dma_wait3A_221 = arith.constant 4608 : i32
      %dma_wait3A_222 = tpu.memref_slice %arg17[%dma_wait3A_221] : memref<6656xf32, #tpu.memory_space<vmem>> -> memref<512xf32, #tpu.memory_space<vmem>>
      %dma_wait3A_223 = tpu.memref_slice %arg15[%add3A_22] : memref<425984xf32, #tpu.memory_space<hbm>> -> memref<512xf32, #tpu.memory_space<hbm>>
      %dma_wait3A_224 = arith.constant 4608 : i32
      %dma_wait3A_225 = tpu.memref_slice %arg17[%dma_wait3A_224] : memref<6656xf32, #tpu.memory_space<vmem>> -> memref<512xf32, #tpu.memory_space<vmem>>
      %dma_wait3A_226 = tpu.memref_slice %arg15[%add3A_22] : memref<425984xf32, #tpu.memory_space<hbm>> -> memref<512xf32, #tpu.memory_space<hbm>>
      tpu.wait_dma2 semaphore(%run_scoped3A : memref<!tpu.dma_semaphore, #tpu.memory_space<semaphore_mem>>) src(%dma_wait3A_226 : memref<512xf32, #tpu.memory_space<hbm>>) dst(%dma_wait3A_225 : memref<512xf32, #tpu.memory_space<vmem>>)
      tpu.yield
    }) : () -> ()
    %add3A_23 = arith.constant 376832 : i32
    %add3A_24 = arith.addi %add3A_23, %mul3A_2 : i32
    "tpu.region"() ({
      %run_scoped3A = tpu.sem_alloc : memref<!tpu.dma_semaphore, #tpu.memory_space<semaphore_mem>>
      %dma_start3A_215 = arith.constant 5120 : i32
      %dma_start3A_216 = tpu.memref_slice %arg17[%dma_start3A_215] : memref<6656xf32, #tpu.memory_space<vmem>> -> memref<512xf32, #tpu.memory_space<vmem>>
      %dma_start3A_217 = tpu.memref_slice %arg15[%add3A_24] : memref<425984xf32, #tpu.memory_space<hbm>> -> memref<512xf32, #tpu.memory_space<hbm>>
      %dma_start3A_218 = arith.constant 5120 : i32
      %dma_start3A_219 = tpu.memref_slice %arg17[%dma_start3A_218] : memref<6656xf32, #tpu.memory_space<vmem>> -> memref<512xf32, #tpu.memory_space<vmem>>
      %dma_start3A_220 = tpu.memref_slice %arg15[%add3A_24] : memref<425984xf32, #tpu.memory_space<hbm>> -> memref<512xf32, #tpu.memory_space<hbm>>
      tpu.enqueue_dma source(%dma_start3A_220 : memref<512xf32, #tpu.memory_space<hbm>>) target(%dma_start3A_219 : memref<512xf32, #tpu.memory_space<vmem>>) target_semaphore(%run_scoped3A : memref<!tpu.dma_semaphore, #tpu.memory_space<semaphore_mem>>)
      %dma_wait3A_221 = arith.constant 5120 : i32
      %dma_wait3A_222 = tpu.memref_slice %arg17[%dma_wait3A_221] : memref<6656xf32, #tpu.memory_space<vmem>> -> memref<512xf32, #tpu.memory_space<vmem>>
      %dma_wait3A_223 = tpu.memref_slice %arg15[%add3A_24] : memref<425984xf32, #tpu.memory_space<hbm>> -> memref<512xf32, #tpu.memory_space<hbm>>
      %dma_wait3A_224 = arith.constant 5120 : i32
      %dma_wait3A_225 = tpu.memref_slice %arg17[%dma_wait3A_224] : memref<6656xf32, #tpu.memory_space<vmem>> -> memref<512xf32, #tpu.memory_space<vmem>>
      %dma_wait3A_226 = tpu.memref_slice %arg15[%add3A_24] : memref<425984xf32, #tpu.memory_space<hbm>> -> memref<512xf32, #tpu.memory_space<hbm>>
      tpu.wait_dma2 semaphore(%run_scoped3A : memref<!tpu.dma_semaphore, #tpu.memory_space<semaphore_mem>>) src(%dma_wait3A_226 : memref<512xf32, #tpu.memory_space<hbm>>) dst(%dma_wait3A_225 : memref<512xf32, #tpu.memory_space<vmem>>)
      tpu.yield
    }) : () -> ()
    %add3A_25 = arith.constant 393216 : i32
    %add3A_26 = arith.addi %add3A_25, %mul3A_2 : i32
    "tpu.region"() ({
      %run_scoped3A = tpu.sem_alloc : memref<!tpu.dma_semaphore, #tpu.memory_space<semaphore_mem>>
      %dma_start3A_215 = arith.constant 5632 : i32
      %dma_start3A_216 = tpu.memref_slice %arg17[%dma_start3A_215] : memref<6656xf32, #tpu.memory_space<vmem>> -> memref<512xf32, #tpu.memory_space<vmem>>
      %dma_start3A_217 = tpu.memref_slice %arg15[%add3A_26] : memref<425984xf32, #tpu.memory_space<hbm>> -> memref<512xf32, #tpu.memory_space<hbm>>
      %dma_start3A_218 = arith.constant 5632 : i32
      %dma_start3A_219 = tpu.memref_slice %arg17[%dma_start3A_218] : memref<6656xf32, #tpu.memory_space<vmem>> -> memref<512xf32, #tpu.memory_space<vmem>>
      %dma_start3A_220 = tpu.memref_slice %arg15[%add3A_26] : memref<425984xf32, #tpu.memory_space<hbm>> -> memref<512xf32, #tpu.memory_space<hbm>>
      tpu.enqueue_dma source(%dma_start3A_220 : memref<512xf32, #tpu.memory_space<hbm>>) target(%dma_start3A_219 : memref<512xf32, #tpu.memory_space<vmem>>) target_semaphore(%run_scoped3A : memref<!tpu.dma_semaphore, #tpu.memory_space<semaphore_mem>>)
      %dma_wait3A_221 = arith.constant 5632 : i32
      %dma_wait3A_222 = tpu.memref_slice %arg17[%dma_wait3A_221] : memref<6656xf32, #tpu.memory_space<vmem>> -> memref<512xf32, #tpu.memory_space<vmem>>
      %dma_wait3A_223 = tpu.memref_slice %arg15[%add3A_26] : memref<425984xf32, #tpu.memory_space<hbm>> -> memref<512xf32, #tpu.memory_space<hbm>>
      %dma_wait3A_224 = arith.constant 5632 : i32
      %dma_wait3A_225 = tpu.memref_slice %arg17[%dma_wait3A_224] : memref<6656xf32, #tpu.memory_space<vmem>> -> memref<512xf32, #tpu.memory_space<vmem>>
      %dma_wait3A_226 = tpu.memref_slice %arg15[%add3A_26] : memref<425984xf32, #tpu.memory_space<hbm>> -> memref<512xf32, #tpu.memory_space<hbm>>
      tpu.wait_dma2 semaphore(%run_scoped3A : memref<!tpu.dma_semaphore, #tpu.memory_space<semaphore_mem>>) src(%dma_wait3A_226 : memref<512xf32, #tpu.memory_space<hbm>>) dst(%dma_wait3A_225 : memref<512xf32, #tpu.memory_space<vmem>>)
      tpu.yield
    }) : () -> ()
    %add3A_27 = arith.constant 409600 : i32
    %add3A_28 = arith.addi %add3A_27, %mul3A_2 : i32
    "tpu.region"() ({
      %run_scoped3A = tpu.sem_alloc : memref<!tpu.dma_semaphore, #tpu.memory_space<semaphore_mem>>
      %dma_start3A_215 = arith.constant 6144 : i32
      %dma_start3A_216 = tpu.memref_slice %arg17[%dma_start3A_215] : memref<6656xf32, #tpu.memory_space<vmem>> -> memref<512xf32, #tpu.memory_space<vmem>>
      %dma_start3A_217 = tpu.memref_slice %arg15[%add3A_28] : memref<425984xf32, #tpu.memory_space<hbm>> -> memref<512xf32, #tpu.memory_space<hbm>>
      %dma_start3A_218 = arith.constant 6144 : i32
      %dma_start3A_219 = tpu.memref_slice %arg17[%dma_start3A_218] : memref<6656xf32, #tpu.memory_space<vmem>> -> memref<512xf32, #tpu.memory_space<vmem>>
      %dma_start3A_220 = tpu.memref_slice %arg15[%add3A_28] : memref<425984xf32, #tpu.memory_space<hbm>> -> memref<512xf32, #tpu.memory_space<hbm>>
      tpu.enqueue_dma source(%dma_start3A_220 : memref<512xf32, #tpu.memory_space<hbm>>) target(%dma_start3A_219 : memref<512xf32, #tpu.memory_space<vmem>>) target_semaphore(%run_scoped3A : memref<!tpu.dma_semaphore, #tpu.memory_space<semaphore_mem>>)
      %dma_wait3A_221 = arith.constant 6144 : i32
      %dma_wait3A_222 = tpu.memref_slice %arg17[%dma_wait3A_221] : memref<6656xf32, #tpu.memory_space<vmem>> -> memref<512xf32, #tpu.memory_space<vmem>>
      %dma_wait3A_223 = tpu.memref_slice %arg15[%add3A_28] : memref<425984xf32, #tpu.memory_space<hbm>> -> memref<512xf32, #tpu.memory_space<hbm>>
      %dma_wait3A_224 = arith.constant 6144 : i32
      %dma_wait3A_225 = tpu.memref_slice %arg17[%dma_wait3A_224] : memref<6656xf32, #tpu.memory_space<vmem>> -> memref<512xf32, #tpu.memory_space<vmem>>
      %dma_wait3A_226 = tpu.memref_slice %arg15[%add3A_28] : memref<425984xf32, #tpu.memory_space<hbm>> -> memref<512xf32, #tpu.memory_space<hbm>>
      tpu.wait_dma2 semaphore(%run_scoped3A : memref<!tpu.dma_semaphore, #tpu.memory_space<semaphore_mem>>) src(%dma_wait3A_226 : memref<512xf32, #tpu.memory_space<hbm>>) dst(%dma_wait3A_225 : memref<512xf32, #tpu.memory_space<vmem>>)
      tpu.yield
    }) : () -> ()
    %scan3A = arith.constant 0 : i32
    %scan3A_29 = arith.constant 0 : i32
    %scan3A_30 = arith.constant 416 : i32
    %scan3A_31 = arith.addi %scan3A_29, %scan3A_30 : i32
    %scan3A_32 = arith.constant 4 : i32
    %scan3A_33 = scf.for %scan3A_215 = %scan3A_29 to %scan3A_31 step %scan3A_32 iter_args(%scan3A_216 = %scan3A) -> (i32)  : i32 {
      %mul3A_217 = arith.constant 16 : i32
      %mul3A_218 = arith.muli %scan3A_215, %mul3A_217 : i32
      %get3A = arith.index_cast %mul3A_218 : i32 to index
      %get3A_219 = tpu.vector_load %arg17[%get3A] {strides = array<i32>} : memref<6656xf32, #tpu.memory_space<vmem>>, vector<16xf32>,
      %get3A_220 = vector.shape_cast %get3A_219 : vector<16xf32> to vector<16xf32>
      %convert_element_type3A = arith.fptosi %get3A_220 : vector<16xf32> to vector<16xi32>
      %swap3A = arith.index_cast %mul3A_218 : i32 to index
      %swap3A_221 = tpu.vector_load %arg18[%swap3A] {strides = array<i32>} : memref<6656xi32, #tpu.memory_space<vmem>>, vector<16xi32>,
      %swap3A_222 = vector.shape_cast %swap3A_221 : vector<16xi32> to vector<16xi32>
      %swap3A_223 = vector.shape_cast %convert_element_type3A : vector<16xi32> to vector<16xi32>
      tpu.vector_store %arg18[%swap3A], %swap3A_223 {strides = array<i32>} : memref<6656xi32, #tpu.memory_space<vmem>>, vector<16xi32>,
      %scan3A_224 = arith.constant 0 : i32
      %scan3A_225 = arith.constant 1 : i32
      %scan3A_226 = arith.addi %scan3A_215, %scan3A_225 : i32
      %mul3A_227 = arith.constant 16 : i32
      %mul3A_228 = arith.muli %scan3A_226, %mul3A_227 : i32
      %get3A_229 = arith.index_cast %mul3A_228 : i32 to index
      %get3A_230 = tpu.vector_load %arg17[%get3A_229] {strides = array<i32>} : memref<6656xf32, #tpu.memory_space<vmem>>, vector<16xf32>,
      %get3A_231 = vector.shape_cast %get3A_230 : vector<16xf32> to vector<16xf32>
      %convert_element_type3A_232 = arith.fptosi %get3A_231 : vector<16xf32> to vector<16xi32>
      %swap3A_233 = arith.index_cast %mul3A_228 : i32 to index
      %swap3A_234 = tpu.vector_load %arg18[%swap3A_233] {strides = array<i32>} : memref<6656xi32, #tpu.memory_space<vmem>>, vector<16xi32>,
      %swap3A_235 = vector.shape_cast %swap3A_234 : vector<16xi32> to vector<16xi32>
      %swap3A_236 = vector.shape_cast %convert_element_type3A_232 : vector<16xi32> to vector<16xi32>
      tpu.vector_store %arg18[%swap3A_233], %swap3A_236 {strides = array<i32>} : memref<6656xi32, #tpu.memory_space<vmem>>, vector<16xi32>,
      %scan3A_237 = arith.constant 0 : i32
      %scan3A_238 = arith.constant 2 : i32
      %scan3A_239 = arith.addi %scan3A_215, %scan3A_238 : i32
      %mul3A_240 = arith.constant 16 : i32
      %mul3A_241 = arith.muli %scan3A_239, %mul3A_240 : i32
      %get3A_242 = arith.index_cast %mul3A_241 : i32 to index
      %get3A_243 = tpu.vector_load %arg17[%get3A_242] {strides = array<i32>} : memref<6656xf32, #tpu.memory_space<vmem>>, vector<16xf32>,
      %get3A_244 = vector.shape_cast %get3A_243 : vector<16xf32> to vector<16xf32>
      %convert_element_type3A_245 = arith.fptosi %get3A_244 : vector<16xf32> to vector<16xi32>
      %swap3A_246 = arith.index_cast %mul3A_241 : i32 to index
      %swap3A_247 = tpu.vector_load %arg18[%swap3A_246] {strides = array<i32>} : memref<6656xi32, #tpu.memory_space<vmem>>, vector<16xi32>,
      %swap3A_248 = vector.shape_cast %swap3A_247 : vector<16xi32> to vector<16xi32>
      %swap3A_249 = vector.shape_cast %convert_element_type3A_245 : vector<16xi32> to vector<16xi32>
      tpu.vector_store %arg18[%swap3A_246], %swap3A_249 {strides = array<i32>} : memref<6656xi32, #tpu.memory_space<vmem>>, vector<16xi32>,
      %scan3A_250 = arith.constant 0 : i32
      %scan3A_251 = arith.constant 3 : i32
      %scan3A_252 = arith.addi %scan3A_215, %scan3A_251 : i32
      %mul3A_253 = arith.constant 16 : i32
      %mul3A_254 = arith.muli %scan3A_252, %mul3A_253 : i32
      %get3A_255 = arith.index_cast %mul3A_254 : i32 to index
      %get3A_256 = tpu.vector_load %arg17[%get3A_255] {strides = array<i32>} : memref<6656xf32, #tpu.memory_space<vmem>>, vector<16xf32>,
      %get3A_257 = vector.shape_cast %get3A_256 : vector<16xf32> to vector<16xf32>
      %convert_element_type3A_258 = arith.fptosi %get3A_257 : vector<16xf32> to vector<16xi32>
      %swap3A_259 = arith.index_cast %mul3A_254 : i32 to index
      %swap3A_260 = tpu.vector_load %arg18[%swap3A_259] {strides = array<i32>} : memref<6656xi32, #tpu.memory_space<vmem>>, vector<16xi32>,
      %swap3A_261 = vector.shape_cast %swap3A_260 : vector<16xi32> to vector<16xi32>
      %swap3A_262 = vector.shape_cast %convert_element_type3A_258 : vector<16xi32> to vector<16xi32>
      tpu.vector_store %arg18[%swap3A_259], %swap3A_262 {strides = array<i32>} : memref<6656xi32, #tpu.memory_space<vmem>>, vector<16xi32>,
      %scan3A_263 = arith.constant 0 : i32
      scf.yield %scan3A_263 : i32
    }
    %scan3A_34 = arith.constant 416 : i32
    %dma_start3A = arith.constant 0 : i32
    %dma_start3A_35 = tpu.memref_slice %arg19[%dma_start3A] : memref<6656xf32, #tpu.memory_space<vmem>> -> memref<512xf32, #tpu.memory_space<vmem>>
    %dma_start3A_36 = arith.constant 0 : i32
    %dma_start3A_37 = tpu.memref_slice %arg18[%dma_start3A_36] : memref<6656xi32, #tpu.memory_space<vmem>> -> memref<512xi32, #tpu.memory_space<vmem>>
    %dma_start3A_38 = arith.constant 0 : i32
    %dma_start3A_39 = tpu.memref_slice %arg2[%dma_start3A_38] : memref<1000000xf32, #tpu.memory_space<hbm>> -> memref<1000000xf32, #tpu.memory_space<hbm>>
    tpu.enqueue_indirect_dma source(%dma_start3A_39 : memref<1000000xf32, #tpu.memory_space<hbm>>) target(%dma_start3A_35 : memref<512xf32, #tpu.memory_space<vmem>>) offsets(%dma_start3A_37 : memref<512xi32, #tpu.memory_space<vmem>>) semaphore(%arg20 : memref<!tpu.dma_semaphore, #tpu.memory_space<semaphore_mem>>)
    %dma_start3A_40 = arith.constant 512 : i32
    %dma_start3A_41 = tpu.memref_slice %arg19[%dma_start3A_40] : memref<6656xf32, #tpu.memory_space<vmem>> -> memref<512xf32, #tpu.memory_space<vmem>>
    %dma_start3A_42 = arith.constant 512 : i32
    %dma_start3A_43 = tpu.memref_slice %arg18[%dma_start3A_42] : memref<6656xi32, #tpu.memory_space<vmem>> -> memref<512xi32, #tpu.memory_space<vmem>>
    %dma_start3A_44 = arith.constant 0 : i32
    %dma_start3A_45 = tpu.memref_slice %arg3[%dma_start3A_44] : memref<1000000xf32, #tpu.memory_space<hbm>> -> memref<1000000xf32, #tpu.memory_space<hbm>>
    tpu.enqueue_indirect_dma source(%dma_start3A_45 : memref<1000000xf32, #tpu.memory_space<hbm>>) target(%dma_start3A_41 : memref<512xf32, #tpu.memory_space<vmem>>) offsets(%dma_start3A_43 : memref<512xi32, #tpu.memory_space<vmem>>) semaphore(%arg20 : memref<!tpu.dma_semaphore, #tpu.memory_space<semaphore_mem>>)
    %dma_start3A_46 = arith.constant 1024 : i32
    %dma_start3A_47 = tpu.memref_slice %arg19[%dma_start3A_46] : memref<6656xf32, #tpu.memory_space<vmem>> -> memref<512xf32, #tpu.memory_space<vmem>>
    %dma_start3A_48 = arith.constant 1024 : i32
    %dma_start3A_49 = tpu.memref_slice %arg18[%dma_start3A_48] : memref<6656xi32, #tpu.memory_space<vmem>> -> memref<512xi32, #tpu.memory_space<vmem>>
    %dma_start3A_50 = arith.constant 0 : i32
    %dma_start3A_51 = tpu.memref_slice %arg4[%dma_start3A_50] : memref<1000000xf32, #tpu.memory_space<hbm>> -> memref<1000000xf32, #tpu.memory_space<hbm>>
    tpu.enqueue_indirect_dma source(%dma_start3A_51 : memref<1000000xf32, #tpu.memory_space<hbm>>) target(%dma_start3A_47 : memref<512xf32, #tpu.memory_space<vmem>>) offsets(%dma_start3A_49 : memref<512xi32, #tpu.memory_space<vmem>>) semaphore(%arg20 : memref<!tpu.dma_semaphore, #tpu.memory_space<semaphore_mem>>)
    %dma_start3A_52 = arith.constant 1536 : i32
    %dma_start3A_53 = tpu.memref_slice %arg19[%dma_start3A_52] : memref<6656xf32, #tpu.memory_space<vmem>> -> memref<512xf32, #tpu.memory_space<vmem>>
    %dma_start3A_54 = arith.constant 1536 : i32
    %dma_start3A_55 = tpu.memref_slice %arg18[%dma_start3A_54] : memref<6656xi32, #tpu.memory_space<vmem>> -> memref<512xi32, #tpu.memory_space<vmem>>
    %dma_start3A_56 = arith.constant 0 : i32
    %dma_start3A_57 = tpu.memref_slice %arg5[%dma_start3A_56] : memref<1000000xf32, #tpu.memory_space<hbm>> -> memref<1000000xf32, #tpu.memory_space<hbm>>
    tpu.enqueue_indirect_dma source(%dma_start3A_57 : memref<1000000xf32, #tpu.memory_space<hbm>>) target(%dma_start3A_53 : memref<512xf32, #tpu.memory_space<vmem>>) offsets(%dma_start3A_55 : memref<512xi32, #tpu.memory_space<vmem>>) semaphore(%arg20 : memref<!tpu.dma_semaphore, #tpu.memory_space<semaphore_mem>>)
    %dma_start3A_58 = arith.constant 2048 : i32
    %dma_start3A_59 = tpu.memref_slice %arg19[%dma_start3A_58] : memref<6656xf32, #tpu.memory_space<vmem>> -> memref<512xf32, #tpu.memory_space<vmem>>
    %dma_start3A_60 = arith.constant 2048 : i32
    %dma_start3A_61 = tpu.memref_slice %arg18[%dma_start3A_60] : memref<6656xi32, #tpu.memory_space<vmem>> -> memref<512xi32, #tpu.memory_space<vmem>>
    %dma_start3A_62 = arith.constant 0 : i32
    %dma_start3A_63 = tpu.memref_slice %arg6[%dma_start3A_62] : memref<1000000xf32, #tpu.memory_space<hbm>> -> memref<1000000xf32, #tpu.memory_space<hbm>>
    tpu.enqueue_indirect_dma source(%dma_start3A_63 : memref<1000000xf32, #tpu.memory_space<hbm>>) target(%dma_start3A_59 : memref<512xf32, #tpu.memory_space<vmem>>) offsets(%dma_start3A_61 : memref<512xi32, #tpu.memory_space<vmem>>) semaphore(%arg20 : memref<!tpu.dma_semaphore, #tpu.memory_space<semaphore_mem>>)
    %dma_start3A_64 = arith.constant 2560 : i32
    %dma_start3A_65 = tpu.memref_slice %arg19[%dma_start3A_64] : memref<6656xf32, #tpu.memory_space<vmem>> -> memref<512xf32, #tpu.memory_space<vmem>>
    %dma_start3A_66 = arith.constant 2560 : i32
    %dma_start3A_67 = tpu.memref_slice %arg18[%dma_start3A_66] : memref<6656xi32, #tpu.memory_space<vmem>> -> memref<512xi32, #tpu.memory_space<vmem>>
    %dma_start3A_68 = arith.constant 0 : i32
    %dma_start3A_69 = tpu.memref_slice %arg7[%dma_start3A_68] : memref<1000000xf32, #tpu.memory_space<hbm>> -> memref<1000000xf32, #tpu.memory_space<hbm>>
    tpu.enqueue_indirect_dma source(%dma_start3A_69 : memref<1000000xf32, #tpu.memory_space<hbm>>) target(%dma_start3A_65 : memref<512xf32, #tpu.memory_space<vmem>>) offsets(%dma_start3A_67 : memref<512xi32, #tpu.memory_space<vmem>>) semaphore(%arg20 : memref<!tpu.dma_semaphore, #tpu.memory_space<semaphore_mem>>)
    %dma_start3A_70 = arith.constant 3072 : i32
    %dma_start3A_71 = tpu.memref_slice %arg19[%dma_start3A_70] : memref<6656xf32, #tpu.memory_space<vmem>> -> memref<512xf32, #tpu.memory_space<vmem>>
    %dma_start3A_72 = arith.constant 3072 : i32
    %dma_start3A_73 = tpu.memref_slice %arg18[%dma_start3A_72] : memref<6656xi32, #tpu.memory_space<vmem>> -> memref<512xi32, #tpu.memory_space<vmem>>
    %dma_start3A_74 = arith.constant 0 : i32
    %dma_start3A_75 = tpu.memref_slice %arg8[%dma_start3A_74] : memref<1000000xf32, #tpu.memory_space<hbm>> -> memref<1000000xf32, #tpu.memory_space<hbm>>
    tpu.enqueue_indirect_dma source(%dma_start3A_75 : memref<1000000xf32, #tpu.memory_space<hbm>>) target(%dma_start3A_71 : memref<512xf32, #tpu.memory_space<vmem>>) offsets(%dma_start3A_73 : memref<512xi32, #tpu.memory_space<vmem>>) semaphore(%arg20 : memref<!tpu.dma_semaphore, #tpu.memory_space<semaphore_mem>>)
    %dma_start3A_76 = arith.constant 3584 : i32
    %dma_start3A_77 = tpu.memref_slice %arg19[%dma_start3A_76] : memref<6656xf32, #tpu.memory_space<vmem>> -> memref<512xf32, #tpu.memory_space<vmem>>
    %dma_start3A_78 = arith.constant 3584 : i32
    %dma_start3A_79 = tpu.memref_slice %arg18[%dma_start3A_78] : memref<6656xi32, #tpu.memory_space<vmem>> -> memref<512xi32, #tpu.memory_space<vmem>>
    %dma_start3A_80 = arith.constant 0 : i32
    %dma_start3A_81 = tpu.memref_slice %arg9[%dma_start3A_80] : memref<1000000xf32, #tpu.memory_space<hbm>> -> memref<1000000xf32, #tpu.memory_space<hbm>>
    tpu.enqueue_indirect_dma source(%dma_start3A_81 : memref<1000000xf32, #tpu.memory_space<hbm>>) target(%dma_start3A_77 : memref<512xf32, #tpu.memory_space<vmem>>) offsets(%dma_start3A_79 : memref<512xi32, #tpu.memory_space<vmem>>) semaphore(%arg20 : memref<!tpu.dma_semaphore, #tpu.memory_space<semaphore_mem>>)
    %dma_start3A_82 = arith.constant 4096 : i32
    %dma_start3A_83 = tpu.memref_slice %arg19[%dma_start3A_82] : memref<6656xf32, #tpu.memory_space<vmem>> -> memref<512xf32, #tpu.memory_space<vmem>>
    %dma_start3A_84 = arith.constant 4096 : i32
    %dma_start3A_85 = tpu.memref_slice %arg18[%dma_start3A_84] : memref<6656xi32, #tpu.memory_space<vmem>> -> memref<512xi32, #tpu.memory_space<vmem>>
    %dma_start3A_86 = arith.constant 0 : i32
    %dma_start3A_87 = tpu.memref_slice %arg10[%dma_start3A_86] : memref<1000000xf32, #tpu.memory_space<hbm>> -> memref<1000000xf32, #tpu.memory_space<hbm>>
    tpu.enqueue_indirect_dma source(%dma_start3A_87 : memref<1000000xf32, #tpu.memory_space<hbm>>) target(%dma_start3A_83 : memref<512xf32, #tpu.memory_space<vmem>>) offsets(%dma_start3A_85 : memref<512xi32, #tpu.memory_space<vmem>>) semaphore(%arg20 : memref<!tpu.dma_semaphore, #tpu.memory_space<semaphore_mem>>)
    %dma_start3A_88 = arith.constant 4608 : i32
    %dma_start3A_89 = tpu.memref_slice %arg19[%dma_start3A_88] : memref<6656xf32, #tpu.memory_space<vmem>> -> memref<512xf32, #tpu.memory_space<vmem>>
    %dma_start3A_90 = arith.constant 4608 : i32
    %dma_start3A_91 = tpu.memref_slice %arg18[%dma_start3A_90] : memref<6656xi32, #tpu.memory_space<vmem>> -> memref<512xi32, #tpu.memory_space<vmem>>
    %dma_start3A_92 = arith.constant 0 : i32
    %dma_start3A_93 = tpu.memref_slice %arg11[%dma_start3A_92] : memref<1000000xf32, #tpu.memory_space<hbm>> -> memref<1000000xf32, #tpu.memory_space<hbm>>
    tpu.enqueue_indirect_dma source(%dma_start3A_93 : memref<1000000xf32, #tpu.memory_space<hbm>>) target(%dma_start3A_89 : memref<512xf32, #tpu.memory_space<vmem>>) offsets(%dma_start3A_91 : memref<512xi32, #tpu.memory_space<vmem>>) semaphore(%arg20 : memref<!tpu.dma_semaphore, #tpu.memory_space<semaphore_mem>>)
    %dma_start3A_94 = arith.constant 5120 : i32
    %dma_start3A_95 = tpu.memref_slice %arg19[%dma_start3A_94] : memref<6656xf32, #tpu.memory_space<vmem>> -> memref<512xf32, #tpu.memory_space<vmem>>
    %dma_start3A_96 = arith.constant 5120 : i32
    %dma_start3A_97 = tpu.memref_slice %arg18[%dma_start3A_96] : memref<6656xi32, #tpu.memory_space<vmem>> -> memref<512xi32, #tpu.memory_space<vmem>>
    %dma_start3A_98 = arith.constant 0 : i32
    %dma_start3A_99 = tpu.memref_slice %arg12[%dma_start3A_98] : memref<1000000xf32, #tpu.memory_space<hbm>> -> memref<1000000xf32, #tpu.memory_space<hbm>>
    tpu.enqueue_indirect_dma source(%dma_start3A_99 : memref<1000000xf32, #tpu.memory_space<hbm>>) target(%dma_start3A_95 : memref<512xf32, #tpu.memory_space<vmem>>) offsets(%dma_start3A_97 : memref<512xi32, #tpu.memory_space<vmem>>) semaphore(%arg20 : memref<!tpu.dma_semaphore, #tpu.memory_space<semaphore_mem>>)
    %dma_start3A_100 = arith.constant 5632 : i32
    %dma_start3A_101 = tpu.memref_slice %arg19[%dma_start3A_100] : memref<6656xf32, #tpu.memory_space<vmem>> -> memref<512xf32, #tpu.memory_space<vmem>>
    %dma_start3A_102 = arith.constant 5632 : i32
    %dma_start3A_103 = tpu.memref_slice %arg18[%dma_start3A_102] : memref<6656xi32, #tpu.memory_space<vmem>> -> memref<512xi32, #tpu.memory_space<vmem>>
    %dma_start3A_104 = arith.constant 0 : i32
    %dma_start3A_105 = tpu.memref_slice %arg13[%dma_start3A_104] : memref<1000000xf32, #tpu.memory_space<hbm>> -> memref<1000000xf32, #tpu.memory_space<hbm>>
    tpu.enqueue_indirect_dma source(%dma_start3A_105 : memref<1000000xf32, #tpu.memory_space<hbm>>) target(%dma_start3A_101 : memref<512xf32, #tpu.memory_space<vmem>>) offsets(%dma_start3A_103 : memref<512xi32, #tpu.memory_space<vmem>>) semaphore(%arg20 : memref<!tpu.dma_semaphore, #tpu.memory_space<semaphore_mem>>)
    %dma_start3A_106 = arith.constant 6144 : i32
    %dma_start3A_107 = tpu.memref_slice %arg19[%dma_start3A_106] : memref<6656xf32, #tpu.memory_space<vmem>> -> memref<512xf32, #tpu.memory_space<vmem>>
    %dma_start3A_108 = arith.constant 6144 : i32
    %dma_start3A_109 = tpu.memref_slice %arg18[%dma_start3A_108] : memref<6656xi32, #tpu.memory_space<vmem>> -> memref<512xi32, #tpu.memory_space<vmem>>
    %dma_start3A_110 = arith.constant 0 : i32
    %dma_start3A_111 = tpu.memref_slice %arg14[%dma_start3A_110] : memref<1000000xf32, #tpu.memory_space<hbm>> -> memref<1000000xf32, #tpu.memory_space<hbm>>
    tpu.enqueue_indirect_dma source(%dma_start3A_111 : memref<1000000xf32, #tpu.memory_space<hbm>>) target(%dma_start3A_107 : memref<512xf32, #tpu.memory_space<vmem>>) offsets(%dma_start3A_109 : memref<512xi32, #tpu.memory_space<vmem>>) semaphore(%arg20 : memref<!tpu.dma_semaphore, #tpu.memory_space<semaphore_mem>>)
    %dma_wait3A = arith.constant 0 : i32
    %dma_wait3A_112 = tpu.memref_slice %arg19[%dma_wait3A] : memref<6656xf32, #tpu.memory_space<vmem>> -> memref<512xf32, #tpu.memory_space<vmem>>
    %dma_wait3A_113 = arith.constant 0 : i32
    %dma_wait3A_114 = tpu.memref_slice %arg18[%dma_wait3A_113] : memref<6656xi32, #tpu.memory_space<vmem>> -> memref<512xi32, #tpu.memory_space<vmem>>
    %dma_wait3A_115 = arith.constant 0 : i32
    %dma_wait3A_116 = tpu.memref_slice %arg2[%dma_wait3A_115] : memref<1000000xf32, #tpu.memory_space<hbm>> -> memref<1000000xf32, #tpu.memory_space<hbm>>
    tpu.wait_indirect_dma semaphore(%arg20 : memref<!tpu.dma_semaphore, #tpu.memory_space<semaphore_mem>>) src(%dma_wait3A_116 : memref<1000000xf32, #tpu.memory_space<hbm>>) dst(%dma_wait3A_112 : memref<512xf32, #tpu.memory_space<vmem>>)
    %dma_wait3A_117 = arith.constant 512 : i32
    %dma_wait3A_118 = tpu.memref_slice %arg19[%dma_wait3A_117] : memref<6656xf32, #tpu.memory_space<vmem>> -> memref<512xf32, #tpu.memory_space<vmem>>
    %dma_wait3A_119 = arith.constant 512 : i32
    %dma_wait3A_120 = tpu.memref_slice %arg18[%dma_wait3A_119] : memref<6656xi32, #tpu.memory_space<vmem>> -> memref<512xi32, #tpu.memory_space<vmem>>
    %dma_wait3A_121 = arith.constant 0 : i32
    %dma_wait3A_122 = tpu.memref_slice %arg3[%dma_wait3A_121] : memref<1000000xf32, #tpu.memory_space<hbm>> -> memref<1000000xf32, #tpu.memory_space<hbm>>
    tpu.wait_indirect_dma semaphore(%arg20 : memref<!tpu.dma_semaphore, #tpu.memory_space<semaphore_mem>>) src(%dma_wait3A_122 : memref<1000000xf32, #tpu.memory_space<hbm>>) dst(%dma_wait3A_118 : memref<512xf32, #tpu.memory_space<vmem>>)
    %dma_wait3A_123 = arith.constant 1024 : i32
    %dma_wait3A_124 = tpu.memref_slice %arg19[%dma_wait3A_123] : memref<6656xf32, #tpu.memory_space<vmem>> -> memref<512xf32, #tpu.memory_space<vmem>>
    %dma_wait3A_125 = arith.constant 1024 : i32
    %dma_wait3A_126 = tpu.memref_slice %arg18[%dma_wait3A_125] : memref<6656xi32, #tpu.memory_space<vmem>> -> memref<512xi32, #tpu.memory_space<vmem>>
    %dma_wait3A_127 = arith.constant 0 : i32
    %dma_wait3A_128 = tpu.memref_slice %arg4[%dma_wait3A_127] : memref<1000000xf32, #tpu.memory_space<hbm>> -> memref<1000000xf32, #tpu.memory_space<hbm>>
    tpu.wait_indirect_dma semaphore(%arg20 : memref<!tpu.dma_semaphore, #tpu.memory_space<semaphore_mem>>) src(%dma_wait3A_128 : memref<1000000xf32, #tpu.memory_space<hbm>>) dst(%dma_wait3A_124 : memref<512xf32, #tpu.memory_space<vmem>>)
    %dma_wait3A_129 = arith.constant 1536 : i32
    %dma_wait3A_130 = tpu.memref_slice %arg19[%dma_wait3A_129] : memref<6656xf32, #tpu.memory_space<vmem>> -> memref<512xf32, #tpu.memory_space<vmem>>
    %dma_wait3A_131 = arith.constant 1536 : i32
    %dma_wait3A_132 = tpu.memref_slice %arg18[%dma_wait3A_131] : memref<6656xi32, #tpu.memory_space<vmem>> -> memref<512xi32, #tpu.memory_space<vmem>>
    %dma_wait3A_133 = arith.constant 0 : i32
    %dma_wait3A_134 = tpu.memref_slice %arg5[%dma_wait3A_133] : memref<1000000xf32, #tpu.memory_space<hbm>> -> memref<1000000xf32, #tpu.memory_space<hbm>>
    tpu.wait_indirect_dma semaphore(%arg20 : memref<!tpu.dma_semaphore, #tpu.memory_space<semaphore_mem>>) src(%dma_wait3A_134 : memref<1000000xf32, #tpu.memory_space<hbm>>) dst(%dma_wait3A_130 : memref<512xf32, #tpu.memory_space<vmem>>)
    %dma_wait3A_135 = arith.constant 2048 : i32
    %dma_wait3A_136 = tpu.memref_slice %arg19[%dma_wait3A_135] : memref<6656xf32, #tpu.memory_space<vmem>> -> memref<512xf32, #tpu.memory_space<vmem>>
    %dma_wait3A_137 = arith.constant 2048 : i32
    %dma_wait3A_138 = tpu.memref_slice %arg18[%dma_wait3A_137] : memref<6656xi32, #tpu.memory_space<vmem>> -> memref<512xi32, #tpu.memory_space<vmem>>
    %dma_wait3A_139 = arith.constant 0 : i32
    %dma_wait3A_140 = tpu.memref_slice %arg6[%dma_wait3A_139] : memref<1000000xf32, #tpu.memory_space<hbm>> -> memref<1000000xf32, #tpu.memory_space<hbm>>
    tpu.wait_indirect_dma semaphore(%arg20 : memref<!tpu.dma_semaphore, #tpu.memory_space<semaphore_mem>>) src(%dma_wait3A_140 : memref<1000000xf32, #tpu.memory_space<hbm>>) dst(%dma_wait3A_136 : memref<512xf32, #tpu.memory_space<vmem>>)
    %dma_wait3A_141 = arith.constant 2560 : i32
    %dma_wait3A_142 = tpu.memref_slice %arg19[%dma_wait3A_141] : memref<6656xf32, #tpu.memory_space<vmem>> -> memref<512xf32, #tpu.memory_space<vmem>>
    %dma_wait3A_143 = arith.constant 2560 : i32
    %dma_wait3A_144 = tpu.memref_slice %arg18[%dma_wait3A_143] : memref<6656xi32, #tpu.memory_space<vmem>> -> memref<512xi32, #tpu.memory_space<vmem>>
    %dma_wait3A_145 = arith.constant 0 : i32
    %dma_wait3A_146 = tpu.memref_slice %arg7[%dma_wait3A_145] : memref<1000000xf32, #tpu.memory_space<hbm>> -> memref<1000000xf32, #tpu.memory_space<hbm>>
    tpu.wait_indirect_dma semaphore(%arg20 : memref<!tpu.dma_semaphore, #tpu.memory_space<semaphore_mem>>) src(%dma_wait3A_146 : memref<1000000xf32, #tpu.memory_space<hbm>>) dst(%dma_wait3A_142 : memref<512xf32, #tpu.memory_space<vmem>>)
    %dma_wait3A_147 = arith.constant 3072 : i32
    %dma_wait3A_148 = tpu.memref_slice %arg19[%dma_wait3A_147] : memref<6656xf32, #tpu.memory_space<vmem>> -> memref<512xf32, #tpu.memory_space<vmem>>
    %dma_wait3A_149 = arith.constant 3072 : i32
    %dma_wait3A_150 = tpu.memref_slice %arg18[%dma_wait3A_149] : memref<6656xi32, #tpu.memory_space<vmem>> -> memref<512xi32, #tpu.memory_space<vmem>>
    %dma_wait3A_151 = arith.constant 0 : i32
    %dma_wait3A_152 = tpu.memref_slice %arg8[%dma_wait3A_151] : memref<1000000xf32, #tpu.memory_space<hbm>> -> memref<1000000xf32, #tpu.memory_space<hbm>>
    tpu.wait_indirect_dma semaphore(%arg20 : memref<!tpu.dma_semaphore, #tpu.memory_space<semaphore_mem>>) src(%dma_wait3A_152 : memref<1000000xf32, #tpu.memory_space<hbm>>) dst(%dma_wait3A_148 : memref<512xf32, #tpu.memory_space<vmem>>)
    %dma_wait3A_153 = arith.constant 3584 : i32
    %dma_wait3A_154 = tpu.memref_slice %arg19[%dma_wait3A_153] : memref<6656xf32, #tpu.memory_space<vmem>> -> memref<512xf32, #tpu.memory_space<vmem>>
    %dma_wait3A_155 = arith.constant 3584 : i32
    %dma_wait3A_156 = tpu.memref_slice %arg18[%dma_wait3A_155] : memref<6656xi32, #tpu.memory_space<vmem>> -> memref<512xi32, #tpu.memory_space<vmem>>
    %dma_wait3A_157 = arith.constant 0 : i32
    %dma_wait3A_158 = tpu.memref_slice %arg9[%dma_wait3A_157] : memref<1000000xf32, #tpu.memory_space<hbm>> -> memref<1000000xf32, #tpu.memory_space<hbm>>
    tpu.wait_indirect_dma semaphore(%arg20 : memref<!tpu.dma_semaphore, #tpu.memory_space<semaphore_mem>>) src(%dma_wait3A_158 : memref<1000000xf32, #tpu.memory_space<hbm>>) dst(%dma_wait3A_154 : memref<512xf32, #tpu.memory_space<vmem>>)
    %dma_wait3A_159 = arith.constant 4096 : i32
    %dma_wait3A_160 = tpu.memref_slice %arg19[%dma_wait3A_159] : memref<6656xf32, #tpu.memory_space<vmem>> -> memref<512xf32, #tpu.memory_space<vmem>>
    %dma_wait3A_161 = arith.constant 4096 : i32
    %dma_wait3A_162 = tpu.memref_slice %arg18[%dma_wait3A_161] : memref<6656xi32, #tpu.memory_space<vmem>> -> memref<512xi32, #tpu.memory_space<vmem>>
    %dma_wait3A_163 = arith.constant 0 : i32
    %dma_wait3A_164 = tpu.memref_slice %arg10[%dma_wait3A_163] : memref<1000000xf32, #tpu.memory_space<hbm>> -> memref<1000000xf32, #tpu.memory_space<hbm>>
    tpu.wait_indirect_dma semaphore(%arg20 : memref<!tpu.dma_semaphore, #tpu.memory_space<semaphore_mem>>) src(%dma_wait3A_164 : memref<1000000xf32, #tpu.memory_space<hbm>>) dst(%dma_wait3A_160 : memref<512xf32, #tpu.memory_space<vmem>>)
    %dma_wait3A_165 = arith.constant 4608 : i32
    %dma_wait3A_166 = tpu.memref_slice %arg19[%dma_wait3A_165] : memref<6656xf32, #tpu.memory_space<vmem>> -> memref<512xf32, #tpu.memory_space<vmem>>
    %dma_wait3A_167 = arith.constant 4608 : i32
    %dma_wait3A_168 = tpu.memref_slice %arg18[%dma_wait3A_167] : memref<6656xi32, #tpu.memory_space<vmem>> -> memref<512xi32, #tpu.memory_space<vmem>>
    %dma_wait3A_169 = arith.constant 0 : i32
    %dma_wait3A_170 = tpu.memref_slice %arg11[%dma_wait3A_169] : memref<1000000xf32, #tpu.memory_space<hbm>> -> memref<1000000xf32, #tpu.memory_space<hbm>>
    tpu.wait_indirect_dma semaphore(%arg20 : memref<!tpu.dma_semaphore, #tpu.memory_space<semaphore_mem>>) src(%dma_wait3A_170 : memref<1000000xf32, #tpu.memory_space<hbm>>) dst(%dma_wait3A_166 : memref<512xf32, #tpu.memory_space<vmem>>)
    %dma_wait3A_171 = arith.constant 5120 : i32
    %dma_wait3A_172 = tpu.memref_slice %arg19[%dma_wait3A_171] : memref<6656xf32, #tpu.memory_space<vmem>> -> memref<512xf32, #tpu.memory_space<vmem>>
    %dma_wait3A_173 = arith.constant 5120 : i32
    %dma_wait3A_174 = tpu.memref_slice %arg18[%dma_wait3A_173] : memref<6656xi32, #tpu.memory_space<vmem>> -> memref<512xi32, #tpu.memory_space<vmem>>
    %dma_wait3A_175 = arith.constant 0 : i32
    %dma_wait3A_176 = tpu.memref_slice %arg12[%dma_wait3A_175] : memref<1000000xf32, #tpu.memory_space<hbm>> -> memref<1000000xf32, #tpu.memory_space<hbm>>
    tpu.wait_indirect_dma semaphore(%arg20 : memref<!tpu.dma_semaphore, #tpu.memory_space<semaphore_mem>>) src(%dma_wait3A_176 : memref<1000000xf32, #tpu.memory_space<hbm>>) dst(%dma_wait3A_172 : memref<512xf32, #tpu.memory_space<vmem>>)
    %dma_wait3A_177 = arith.constant 5632 : i32
    %dma_wait3A_178 = tpu.memref_slice %arg19[%dma_wait3A_177] : memref<6656xf32, #tpu.memory_space<vmem>> -> memref<512xf32, #tpu.memory_space<vmem>>
    %dma_wait3A_179 = arith.constant 5632 : i32
    %dma_wait3A_180 = tpu.memref_slice %arg18[%dma_wait3A_179] : memref<6656xi32, #tpu.memory_space<vmem>> -> memref<512xi32, #tpu.memory_space<vmem>>
    %dma_wait3A_181 = arith.constant 0 : i32
    %dma_wait3A_182 = tpu.memref_slice %arg13[%dma_wait3A_181] : memref<1000000xf32, #tpu.memory_space<hbm>> -> memref<1000000xf32, #tpu.memory_space<hbm>>
    tpu.wait_indirect_dma semaphore(%arg20 : memref<!tpu.dma_semaphore, #tpu.memory_space<semaphore_mem>>) src(%dma_wait3A_182 : memref<1000000xf32, #tpu.memory_space<hbm>>) dst(%dma_wait3A_178 : memref<512xf32, #tpu.memory_space<vmem>>)
    %dma_wait3A_183 = arith.constant 6144 : i32
    %dma_wait3A_184 = tpu.memref_slice %arg19[%dma_wait3A_183] : memref<6656xf32, #tpu.memory_space<vmem>> -> memref<512xf32, #tpu.memory_space<vmem>>
    %dma_wait3A_185 = arith.constant 6144 : i32
    %dma_wait3A_186 = tpu.memref_slice %arg18[%dma_wait3A_185] : memref<6656xi32, #tpu.memory_space<vmem>> -> memref<512xi32, #tpu.memory_space<vmem>>
    %dma_wait3A_187 = arith.constant 0 : i32
    %dma_wait3A_188 = tpu.memref_slice %arg14[%dma_wait3A_187] : memref<1000000xf32, #tpu.memory_space<hbm>> -> memref<1000000xf32, #tpu.memory_space<hbm>>
    tpu.wait_indirect_dma semaphore(%arg20 : memref<!tpu.dma_semaphore, #tpu.memory_space<semaphore_mem>>) src(%dma_wait3A_188 : memref<1000000xf32, #tpu.memory_space<hbm>>) dst(%dma_wait3A_184 : memref<512xf32, #tpu.memory_space<vmem>>)
    %add3A_189 = arith.constant 0 : i32
    %add3A_190 = arith.addi %add3A_189, %mul3A_2 : i32
    "tpu.region"() ({
      %run_scoped3A = tpu.sem_alloc : memref<!tpu.dma_semaphore, #tpu.memory_space<semaphore_mem>>
      %dma_start3A_215 = arith.constant 0 : i32
      %dma_start3A_216 = tpu.memref_slice %arg19[%dma_start3A_215] : memref<6656xf32, #tpu.memory_space<vmem>> -> memref<512xf32, #tpu.memory_space<vmem>>
      %dma_start3A_217 = tpu.memref_slice %arg16[%add3A_190] : memref<212992xf32, #tpu.memory_space<hbm>> -> memref<512xf32, #tpu.memory_space<hbm>>
      %dma_start3A_218 = tpu.memref_slice %arg16[%add3A_190] : memref<212992xf32, #tpu.memory_space<hbm>> -> memref<512xf32, #tpu.memory_space<hbm>>
      %dma_start3A_219 = arith.constant 0 : i32
      %dma_start3A_220 = tpu.memref_slice %arg19[%dma_start3A_219] : memref<6656xf32, #tpu.memory_space<vmem>> -> memref<512xf32, #tpu.memory_space<vmem>>
      tpu.enqueue_dma source(%dma_start3A_220 : memref<512xf32, #tpu.memory_space<vmem>>) target(%dma_start3A_218 : memref<512xf32, #tpu.memory_space<hbm>>) target_semaphore(%run_scoped3A : memref<!tpu.dma_semaphore, #tpu.memory_space<semaphore_mem>>)
      %dma_wait3A_221 = arith.constant 0 : i32
      %dma_wait3A_222 = tpu.memref_slice %arg19[%dma_wait3A_221] : memref<6656xf32, #tpu.memory_space<vmem>> -> memref<512xf32, #tpu.memory_space<vmem>>
      %dma_wait3A_223 = tpu.memref_slice %arg16[%add3A_190] : memref<212992xf32, #tpu.memory_space<hbm>> -> memref<512xf32, #tpu.memory_space<hbm>>
      %dma_wait3A_224 = tpu.memref_slice %arg16[%add3A_190] : memref<212992xf32, #tpu.memory_space<hbm>> -> memref<512xf32, #tpu.memory_space<hbm>>
      %dma_wait3A_225 = arith.constant 0 : i32
      %dma_wait3A_226 = tpu.memref_slice %arg19[%dma_wait3A_225] : memref<6656xf32, #tpu.memory_space<vmem>> -> memref<512xf32, #tpu.memory_space<vmem>>
      tpu.wait_dma2 semaphore(%run_scoped3A : memref<!tpu.dma_semaphore, #tpu.memory_space<semaphore_mem>>) src(%dma_wait3A_226 : memref<512xf32, #tpu.memory_space<vmem>>) dst(%dma_wait3A_224 : memref<512xf32, #tpu.memory_space<hbm>>)
      tpu.yield
    }) : () -> ()
    %add3A_191 = arith.constant 16384 : i32
    %add3A_192 = arith.addi %add3A_191, %mul3A_2 : i32
    "tpu.region"() ({
      %run_scoped3A = tpu.sem_alloc : memref<!tpu.dma_semaphore, #tpu.memory_space<semaphore_mem>>
      %dma_start3A_215 = arith.constant 512 : i32
      %dma_start3A_216 = tpu.memref_slice %arg19[%dma_start3A_215] : memref<6656xf32, #tpu.memory_space<vmem>> -> memref<512xf32, #tpu.memory_space<vmem>>
      %dma_start3A_217 = tpu.memref_slice %arg16[%add3A_192] : memref<212992xf32, #tpu.memory_space<hbm>> -> memref<512xf32, #tpu.memory_space<hbm>>
      %dma_start3A_218 = tpu.memref_slice %arg16[%add3A_192] : memref<212992xf32, #tpu.memory_space<hbm>> -> memref<512xf32, #tpu.memory_space<hbm>>
      %dma_start3A_219 = arith.constant 512 : i32
      %dma_start3A_220 = tpu.memref_slice %arg19[%dma_start3A_219] : memref<6656xf32, #tpu.memory_space<vmem>> -> memref<512xf32, #tpu.memory_space<vmem>>
      tpu.enqueue_dma source(%dma_start3A_220 : memref<512xf32, #tpu.memory_space<vmem>>) target(%dma_start3A_218 : memref<512xf32, #tpu.memory_space<hbm>>) target_semaphore(%run_scoped3A : memref<!tpu.dma_semaphore, #tpu.memory_space<semaphore_mem>>)
      %dma_wait3A_221 = arith.constant 512 : i32
      %dma_wait3A_222 = tpu.memref_slice %arg19[%dma_wait3A_221] : memref<6656xf32, #tpu.memory_space<vmem>> -> memref<512xf32, #tpu.memory_space<vmem>>
      %dma_wait3A_223 = tpu.memref_slice %arg16[%add3A_192] : memref<212992xf32, #tpu.memory_space<hbm>> -> memref<512xf32, #tpu.memory_space<hbm>>
      %dma_wait3A_224 = tpu.memref_slice %arg16[%add3A_192] : memref<212992xf32, #tpu.memory_space<hbm>> -> memref<512xf32, #tpu.memory_space<hbm>>
      %dma_wait3A_225 = arith.constant 512 : i32
      %dma_wait3A_226 = tpu.memref_slice %arg19[%dma_wait3A_225] : memref<6656xf32, #tpu.memory_space<vmem>> -> memref<512xf32, #tpu.memory_space<vmem>>
      tpu.wait_dma2 semaphore(%run_scoped3A : memref<!tpu.dma_semaphore, #tpu.memory_space<semaphore_mem>>) src(%dma_wait3A_226 : memref<512xf32, #tpu.memory_space<vmem>>) dst(%dma_wait3A_224 : memref<512xf32, #tpu.memory_space<hbm>>)
      tpu.yield
    }) : () -> ()
    %add3A_193 = arith.constant 32768 : i32
    %add3A_194 = arith.addi %add3A_193, %mul3A_2 : i32
    "tpu.region"() ({
      %run_scoped3A = tpu.sem_alloc : memref<!tpu.dma_semaphore, #tpu.memory_space<semaphore_mem>>
      %dma_start3A_215 = arith.constant 1024 : i32
      %dma_start3A_216 = tpu.memref_slice %arg19[%dma_start3A_215] : memref<6656xf32, #tpu.memory_space<vmem>> -> memref<512xf32, #tpu.memory_space<vmem>>
      %dma_start3A_217 = tpu.memref_slice %arg16[%add3A_194] : memref<212992xf32, #tpu.memory_space<hbm>> -> memref<512xf32, #tpu.memory_space<hbm>>
      %dma_start3A_218 = tpu.memref_slice %arg16[%add3A_194] : memref<212992xf32, #tpu.memory_space<hbm>> -> memref<512xf32, #tpu.memory_space<hbm>>
      %dma_start3A_219 = arith.constant 1024 : i32
      %dma_start3A_220 = tpu.memref_slice %arg19[%dma_start3A_219] : memref<6656xf32, #tpu.memory_space<vmem>> -> memref<512xf32, #tpu.memory_space<vmem>>
      tpu.enqueue_dma source(%dma_start3A_220 : memref<512xf32, #tpu.memory_space<vmem>>) target(%dma_start3A_218 : memref<512xf32, #tpu.memory_space<hbm>>) target_semaphore(%run_scoped3A : memref<!tpu.dma_semaphore, #tpu.memory_space<semaphore_mem>>)
      %dma_wait3A_221 = arith.constant 1024 : i32
      %dma_wait3A_222 = tpu.memref_slice %arg19[%dma_wait3A_221] : memref<6656xf32, #tpu.memory_space<vmem>> -> memref<512xf32, #tpu.memory_space<vmem>>
      %dma_wait3A_223 = tpu.memref_slice %arg16[%add3A_194] : memref<212992xf32, #tpu.memory_space<hbm>> -> memref<512xf32, #tpu.memory_space<hbm>>
      %dma_wait3A_224 = tpu.memref_slice %arg16[%add3A_194] : memref<212992xf32, #tpu.memory_space<hbm>> -> memref<512xf32, #tpu.memory_space<hbm>>
      %dma_wait3A_225 = arith.constant 1024 : i32
      %dma_wait3A_226 = tpu.memref_slice %arg19[%dma_wait3A_225] : memref<6656xf32, #tpu.memory_space<vmem>> -> memref<512xf32, #tpu.memory_space<vmem>>
      tpu.wait_dma2 semaphore(%run_scoped3A : memref<!tpu.dma_semaphore, #tpu.memory_space<semaphore_mem>>) src(%dma_wait3A_226 : memref<512xf32, #tpu.memory_space<vmem>>) dst(%dma_wait3A_224 : memref<512xf32, #tpu.memory_space<hbm>>)
      tpu.yield
    }) : () -> ()
    %add3A_195 = arith.constant 49152 : i32
    %add3A_196 = arith.addi %add3A_195, %mul3A_2 : i32
    "tpu.region"() ({
      %run_scoped3A = tpu.sem_alloc : memref<!tpu.dma_semaphore, #tpu.memory_space<semaphore_mem>>
      %dma_start3A_215 = arith.constant 1536 : i32
      %dma_start3A_216 = tpu.memref_slice %arg19[%dma_start3A_215] : memref<6656xf32, #tpu.memory_space<vmem>> -> memref<512xf32, #tpu.memory_space<vmem>>
      %dma_start3A_217 = tpu.memref_slice %arg16[%add3A_196] : memref<212992xf32, #tpu.memory_space<hbm>> -> memref<512xf32, #tpu.memory_space<hbm>>
      %dma_start3A_218 = tpu.memref_slice %arg16[%add3A_196] : memref<212992xf32, #tpu.memory_space<hbm>> -> memref<512xf32, #tpu.memory_space<hbm>>
      %dma_start3A_219 = arith.constant 1536 : i32
      %dma_start3A_220 = tpu.memref_slice %arg19[%dma_start3A_219] : memref<6656xf32, #tpu.memory_space<vmem>> -> memref<512xf32, #tpu.memory_space<vmem>>
      tpu.enqueue_dma source(%dma_start3A_220 : memref<512xf32, #tpu.memory_space<vmem>>) target(%dma_start3A_218 : memref<512xf32, #tpu.memory_space<hbm>>) target_semaphore(%run_scoped3A : memref<!tpu.dma_semaphore, #tpu.memory_space<semaphore_mem>>)
      %dma_wait3A_221 = arith.constant 1536 : i32
      %dma_wait3A_222 = tpu.memref_slice %arg19[%dma_wait3A_221] : memref<6656xf32, #tpu.memory_space<vmem>> -> memref<512xf32, #tpu.memory_space<vmem>>
      %dma_wait3A_223 = tpu.memref_slice %arg16[%add3A_196] : memref<212992xf32, #tpu.memory_space<hbm>> -> memref<512xf32, #tpu.memory_space<hbm>>
      %dma_wait3A_224 = tpu.memref_slice %arg16[%add3A_196] : memref<212992xf32, #tpu.memory_space<hbm>> -> memref<512xf32, #tpu.memory_space<hbm>>
      %dma_wait3A_225 = arith.constant 1536 : i32
      %dma_wait3A_226 = tpu.memref_slice %arg19[%dma_wait3A_225] : memref<6656xf32, #tpu.memory_space<vmem>> -> memref<512xf32, #tpu.memory_space<vmem>>
      tpu.wait_dma2 semaphore(%run_scoped3A : memref<!tpu.dma_semaphore, #tpu.memory_space<semaphore_mem>>) src(%dma_wait3A_226 : memref<512xf32, #tpu.memory_space<vmem>>) dst(%dma_wait3A_224 : memref<512xf32, #tpu.memory_space<hbm>>)
      tpu.yield
    }) : () -> ()
    %add3A_197 = arith.constant 65536 : i32
    %add3A_198 = arith.addi %add3A_197, %mul3A_2 : i32
    "tpu.region"() ({
      %run_scoped3A = tpu.sem_alloc : memref<!tpu.dma_semaphore, #tpu.memory_space<semaphore_mem>>
      %dma_start3A_215 = arith.constant 2048 : i32
      %dma_start3A_216 = tpu.memref_slice %arg19[%dma_start3A_215] : memref<6656xf32, #tpu.memory_space<vmem>> -> memref<512xf32, #tpu.memory_space<vmem>>
      %dma_start3A_217 = tpu.memref_slice %arg16[%add3A_198] : memref<212992xf32, #tpu.memory_space<hbm>> -> memref<512xf32, #tpu.memory_space<hbm>>
      %dma_start3A_218 = tpu.memref_slice %arg16[%add3A_198] : memref<212992xf32, #tpu.memory_space<hbm>> -> memref<512xf32, #tpu.memory_space<hbm>>
      %dma_start3A_219 = arith.constant 2048 : i32
      %dma_start3A_220 = tpu.memref_slice %arg19[%dma_start3A_219] : memref<6656xf32, #tpu.memory_space<vmem>> -> memref<512xf32, #tpu.memory_space<vmem>>
      tpu.enqueue_dma source(%dma_start3A_220 : memref<512xf32, #tpu.memory_space<vmem>>) target(%dma_start3A_218 : memref<512xf32, #tpu.memory_space<hbm>>) target_semaphore(%run_scoped3A : memref<!tpu.dma_semaphore, #tpu.memory_space<semaphore_mem>>)
      %dma_wait3A_221 = arith.constant 2048 : i32
      %dma_wait3A_222 = tpu.memref_slice %arg19[%dma_wait3A_221] : memref<6656xf32, #tpu.memory_space<vmem>> -> memref<512xf32, #tpu.memory_space<vmem>>
      %dma_wait3A_223 = tpu.memref_slice %arg16[%add3A_198] : memref<212992xf32, #tpu.memory_space<hbm>> -> memref<512xf32, #tpu.memory_space<hbm>>
      %dma_wait3A_224 = tpu.memref_slice %arg16[%add3A_198] : memref<212992xf32, #tpu.memory_space<hbm>> -> memref<512xf32, #tpu.memory_space<hbm>>
      %dma_wait3A_225 = arith.constant 2048 : i32
      %dma_wait3A_226 = tpu.memref_slice %arg19[%dma_wait3A_225] : memref<6656xf32, #tpu.memory_space<vmem>> -> memref<512xf32, #tpu.memory_space<vmem>>
      tpu.wait_dma2 semaphore(%run_scoped3A : memref<!tpu.dma_semaphore, #tpu.memory_space<semaphore_mem>>) src(%dma_wait3A_226 : memref<512xf32, #tpu.memory_space<vmem>>) dst(%dma_wait3A_224 : memref<512xf32, #tpu.memory_space<hbm>>)
      tpu.yield
    }) : () -> ()
    %add3A_199 = arith.constant 81920 : i32
    %add3A_200 = arith.addi %add3A_199, %mul3A_2 : i32
    "tpu.region"() ({
      %run_scoped3A = tpu.sem_alloc : memref<!tpu.dma_semaphore, #tpu.memory_space<semaphore_mem>>
      %dma_start3A_215 = arith.constant 2560 : i32
      %dma_start3A_216 = tpu.memref_slice %arg19[%dma_start3A_215] : memref<6656xf32, #tpu.memory_space<vmem>> -> memref<512xf32, #tpu.memory_space<vmem>>
      %dma_start3A_217 = tpu.memref_slice %arg16[%add3A_200] : memref<212992xf32, #tpu.memory_space<hbm>> -> memref<512xf32, #tpu.memory_space<hbm>>
      %dma_start3A_218 = tpu.memref_slice %arg16[%add3A_200] : memref<212992xf32, #tpu.memory_space<hbm>> -> memref<512xf32, #tpu.memory_space<hbm>>
      %dma_start3A_219 = arith.constant 2560 : i32
      %dma_start3A_220 = tpu.memref_slice %arg19[%dma_start3A_219] : memref<6656xf32, #tpu.memory_space<vmem>> -> memref<512xf32, #tpu.memory_space<vmem>>
      tpu.enqueue_dma source(%dma_start3A_220 : memref<512xf32, #tpu.memory_space<vmem>>) target(%dma_start3A_218 : memref<512xf32, #tpu.memory_space<hbm>>) target_semaphore(%run_scoped3A : memref<!tpu.dma_semaphore, #tpu.memory_space<semaphore_mem>>)
      %dma_wait3A_221 = arith.constant 2560 : i32
      %dma_wait3A_222 = tpu.memref_slice %arg19[%dma_wait3A_221] : memref<6656xf32, #tpu.memory_space<vmem>> -> memref<512xf32, #tpu.memory_space<vmem>>
      %dma_wait3A_223 = tpu.memref_slice %arg16[%add3A_200] : memref<212992xf32, #tpu.memory_space<hbm>> -> memref<512xf32, #tpu.memory_space<hbm>>
      %dma_wait3A_224 = tpu.memref_slice %arg16[%add3A_200] : memref<212992xf32, #tpu.memory_space<hbm>> -> memref<512xf32, #tpu.memory_space<hbm>>
      %dma_wait3A_225 = arith.constant 2560 : i32
      %dma_wait3A_226 = tpu.memref_slice %arg19[%dma_wait3A_225] : memref<6656xf32, #tpu.memory_space<vmem>> -> memref<512xf32, #tpu.memory_space<vmem>>
      tpu.wait_dma2 semaphore(%run_scoped3A : memref<!tpu.dma_semaphore, #tpu.memory_space<semaphore_mem>>) src(%dma_wait3A_226 : memref<512xf32, #tpu.memory_space<vmem>>) dst(%dma_wait3A_224 : memref<512xf32, #tpu.memory_space<hbm>>)
      tpu.yield
    }) : () -> ()
    %add3A_201 = arith.constant 98304 : i32
    %add3A_202 = arith.addi %add3A_201, %mul3A_2 : i32
    "tpu.region"() ({
      %run_scoped3A = tpu.sem_alloc : memref<!tpu.dma_semaphore, #tpu.memory_space<semaphore_mem>>
      %dma_start3A_215 = arith.constant 3072 : i32
      %dma_start3A_216 = tpu.memref_slice %arg19[%dma_start3A_215] : memref<6656xf32, #tpu.memory_space<vmem>> -> memref<512xf32, #tpu.memory_space<vmem>>
      %dma_start3A_217 = tpu.memref_slice %arg16[%add3A_202] : memref<212992xf32, #tpu.memory_space<hbm>> -> memref<512xf32, #tpu.memory_space<hbm>>
      %dma_start3A_218 = tpu.memref_slice %arg16[%add3A_202] : memref<212992xf32, #tpu.memory_space<hbm>> -> memref<512xf32, #tpu.memory_space<hbm>>
      %dma_start3A_219 = arith.constant 3072 : i32
      %dma_start3A_220 = tpu.memref_slice %arg19[%dma_start3A_219] : memref<6656xf32, #tpu.memory_space<vmem>> -> memref<512xf32, #tpu.memory_space<vmem>>
      tpu.enqueue_dma source(%dma_start3A_220 : memref<512xf32, #tpu.memory_space<vmem>>) target(%dma_start3A_218 : memref<512xf32, #tpu.memory_space<hbm>>) target_semaphore(%run_scoped3A : memref<!tpu.dma_semaphore, #tpu.memory_space<semaphore_mem>>)
      %dma_wait3A_221 = arith.constant 3072 : i32
      %dma_wait3A_222 = tpu.memref_slice %arg19[%dma_wait3A_221] : memref<6656xf32, #tpu.memory_space<vmem>> -> memref<512xf32, #tpu.memory_space<vmem>>
      %dma_wait3A_223 = tpu.memref_slice %arg16[%add3A_202] : memref<212992xf32, #tpu.memory_space<hbm>> -> memref<512xf32, #tpu.memory_space<hbm>>
      %dma_wait3A_224 = tpu.memref_slice %arg16[%add3A_202] : memref<212992xf32, #tpu.memory_space<hbm>> -> memref<512xf32, #tpu.memory_space<hbm>>
      %dma_wait3A_225 = arith.constant 3072 : i32
      %dma_wait3A_226 = tpu.memref_slice %arg19[%dma_wait3A_225] : memref<6656xf32, #tpu.memory_space<vmem>> -> memref<512xf32, #tpu.memory_space<vmem>>
      tpu.wait_dma2 semaphore(%run_scoped3A : memref<!tpu.dma_semaphore, #tpu.memory_space<semaphore_mem>>) src(%dma_wait3A_226 : memref<512xf32, #tpu.memory_space<vmem>>) dst(%dma_wait3A_224 : memref<512xf32, #tpu.memory_space<hbm>>)
      tpu.yield
    }) : () -> ()
    %add3A_203 = arith.constant 114688 : i32
    %add3A_204 = arith.addi %add3A_203, %mul3A_2 : i32
    "tpu.region"() ({
      %run_scoped3A = tpu.sem_alloc : memref<!tpu.dma_semaphore, #tpu.memory_space<semaphore_mem>>
      %dma_start3A_215 = arith.constant 3584 : i32
      %dma_start3A_216 = tpu.memref_slice %arg19[%dma_start3A_215] : memref<6656xf32, #tpu.memory_space<vmem>> -> memref<512xf32, #tpu.memory_space<vmem>>
      %dma_start3A_217 = tpu.memref_slice %arg16[%add3A_204] : memref<212992xf32, #tpu.memory_space<hbm>> -> memref<512xf32, #tpu.memory_space<hbm>>
      %dma_start3A_218 = tpu.memref_slice %arg16[%add3A_204] : memref<212992xf32, #tpu.memory_space<hbm>> -> memref<512xf32, #tpu.memory_space<hbm>>
      %dma_start3A_219 = arith.constant 3584 : i32
      %dma_start3A_220 = tpu.memref_slice %arg19[%dma_start3A_219] : memref<6656xf32, #tpu.memory_space<vmem>> -> memref<512xf32, #tpu.memory_space<vmem>>
      tpu.enqueue_dma source(%dma_start3A_220 : memref<512xf32, #tpu.memory_space<vmem>>) target(%dma_start3A_218 : memref<512xf32, #tpu.memory_space<hbm>>) target_semaphore(%run_scoped3A : memref<!tpu.dma_semaphore, #tpu.memory_space<semaphore_mem>>)
      %dma_wait3A_221 = arith.constant 3584 : i32
      %dma_wait3A_222 = tpu.memref_slice %arg19[%dma_wait3A_221] : memref<6656xf32, #tpu.memory_space<vmem>> -> memref<512xf32, #tpu.memory_space<vmem>>
      %dma_wait3A_223 = tpu.memref_slice %arg16[%add3A_204] : memref<212992xf32, #tpu.memory_space<hbm>> -> memref<512xf32, #tpu.memory_space<hbm>>
      %dma_wait3A_224 = tpu.memref_slice %arg16[%add3A_204] : memref<212992xf32, #tpu.memory_space<hbm>> -> memref<512xf32, #tpu.memory_space<hbm>>
      %dma_wait3A_225 = arith.constant 3584 : i32
      %dma_wait3A_226 = tpu.memref_slice %arg19[%dma_wait3A_225] : memref<6656xf32, #tpu.memory_space<vmem>> -> memref<512xf32, #tpu.memory_space<vmem>>
      tpu.wait_dma2 semaphore(%run_scoped3A : memref<!tpu.dma_semaphore, #tpu.memory_space<semaphore_mem>>) src(%dma_wait3A_226 : memref<512xf32, #tpu.memory_space<vmem>>) dst(%dma_wait3A_224 : memref<512xf32, #tpu.memory_space<hbm>>)
      tpu.yield
    }) : () -> ()
    %add3A_205 = arith.constant 131072 : i32
    %add3A_206 = arith.addi %add3A_205, %mul3A_2 : i32
    "tpu.region"() ({
      %run_scoped3A = tpu.sem_alloc : memref<!tpu.dma_semaphore, #tpu.memory_space<semaphore_mem>>
      %dma_start3A_215 = arith.constant 4096 : i32
      %dma_start3A_216 = tpu.memref_slice %arg19[%dma_start3A_215] : memref<6656xf32, #tpu.memory_space<vmem>> -> memref<512xf32, #tpu.memory_space<vmem>>
      %dma_start3A_217 = tpu.memref_slice %arg16[%add3A_206] : memref<212992xf32, #tpu.memory_space<hbm>> -> memref<512xf32, #tpu.memory_space<hbm>>
      %dma_start3A_218 = tpu.memref_slice %arg16[%add3A_206] : memref<212992xf32, #tpu.memory_space<hbm>> -> memref<512xf32, #tpu.memory_space<hbm>>
      %dma_start3A_219 = arith.constant 4096 : i32
      %dma_start3A_220 = tpu.memref_slice %arg19[%dma_start3A_219] : memref<6656xf32, #tpu.memory_space<vmem>> -> memref<512xf32, #tpu.memory_space<vmem>>
      tpu.enqueue_dma source(%dma_start3A_220 : memref<512xf32, #tpu.memory_space<vmem>>) target(%dma_start3A_218 : memref<512xf32, #tpu.memory_space<hbm>>) target_semaphore(%run_scoped3A : memref<!tpu.dma_semaphore, #tpu.memory_space<semaphore_mem>>)
      %dma_wait3A_221 = arith.constant 4096 : i32
      %dma_wait3A_222 = tpu.memref_slice %arg19[%dma_wait3A_221] : memref<6656xf32, #tpu.memory_space<vmem>> -> memref<512xf32, #tpu.memory_space<vmem>>
      %dma_wait3A_223 = tpu.memref_slice %arg16[%add3A_206] : memref<212992xf32, #tpu.memory_space<hbm>> -> memref<512xf32, #tpu.memory_space<hbm>>
      %dma_wait3A_224 = tpu.memref_slice %arg16[%add3A_206] : memref<212992xf32, #tpu.memory_space<hbm>> -> memref<512xf32, #tpu.memory_space<hbm>>
      %dma_wait3A_225 = arith.constant 4096 : i32
      %dma_wait3A_226 = tpu.memref_slice %arg19[%dma_wait3A_225] : memref<6656xf32, #tpu.memory_space<vmem>> -> memref<512xf32, #tpu.memory_space<vmem>>
      tpu.wait_dma2 semaphore(%run_scoped3A : memref<!tpu.dma_semaphore, #tpu.memory_space<semaphore_mem>>) src(%dma_wait3A_226 : memref<512xf32, #tpu.memory_space<vmem>>) dst(%dma_wait3A_224 : memref<512xf32, #tpu.memory_space<hbm>>)
      tpu.yield
    }) : () -> ()
    %add3A_207 = arith.constant 147456 : i32
    %add3A_208 = arith.addi %add3A_207, %mul3A_2 : i32
    "tpu.region"() ({
      %run_scoped3A = tpu.sem_alloc : memref<!tpu.dma_semaphore, #tpu.memory_space<semaphore_mem>>
      %dma_start3A_215 = arith.constant 4608 : i32
      %dma_start3A_216 = tpu.memref_slice %arg19[%dma_start3A_215] : memref<6656xf32, #tpu.memory_space<vmem>> -> memref<512xf32, #tpu.memory_space<vmem>>
      %dma_start3A_217 = tpu.memref_slice %arg16[%add3A_208] : memref<212992xf32, #tpu.memory_space<hbm>> -> memref<512xf32, #tpu.memory_space<hbm>>
      %dma_start3A_218 = tpu.memref_slice %arg16[%add3A_208] : memref<212992xf32, #tpu.memory_space<hbm>> -> memref<512xf32, #tpu.memory_space<hbm>>
      %dma_start3A_219 = arith.constant 4608 : i32
      %dma_start3A_220 = tpu.memref_slice %arg19[%dma_start3A_219] : memref<6656xf32, #tpu.memory_space<vmem>> -> memref<512xf32, #tpu.memory_space<vmem>>
      tpu.enqueue_dma source(%dma_start3A_220 : memref<512xf32, #tpu.memory_space<vmem>>) target(%dma_start3A_218 : memref<512xf32, #tpu.memory_space<hbm>>) target_semaphore(%run_scoped3A : memref<!tpu.dma_semaphore, #tpu.memory_space<semaphore_mem>>)
      %dma_wait3A_221 = arith.constant 4608 : i32
      %dma_wait3A_222 = tpu.memref_slice %arg19[%dma_wait3A_221] : memref<6656xf32, #tpu.memory_space<vmem>> -> memref<512xf32, #tpu.memory_space<vmem>>
      %dma_wait3A_223 = tpu.memref_slice %arg16[%add3A_208] : memref<212992xf32, #tpu.memory_space<hbm>> -> memref<512xf32, #tpu.memory_space<hbm>>
      %dma_wait3A_224 = tpu.memref_slice %arg16[%add3A_208] : memref<212992xf32, #tpu.memory_space<hbm>> -> memref<512xf32, #tpu.memory_space<hbm>>
      %dma_wait3A_225 = arith.constant 4608 : i32
      %dma_wait3A_226 = tpu.memref_slice %arg19[%dma_wait3A_225] : memref<6656xf32, #tpu.memory_space<vmem>> -> memref<512xf32, #tpu.memory_space<vmem>>
      tpu.wait_dma2 semaphore(%run_scoped3A : memref<!tpu.dma_semaphore, #tpu.memory_space<semaphore_mem>>) src(%dma_wait3A_226 : memref<512xf32, #tpu.memory_space<vmem>>) dst(%dma_wait3A_224 : memref<512xf32, #tpu.memory_space<hbm>>)
      tpu.yield
    }) : () -> ()
    %add3A_209 = arith.constant 163840 : i32
    %add3A_210 = arith.addi %add3A_209, %mul3A_2 : i32
    "tpu.region"() ({
      %run_scoped3A = tpu.sem_alloc : memref<!tpu.dma_semaphore, #tpu.memory_space<semaphore_mem>>
      %dma_start3A_215 = arith.constant 5120 : i32
      %dma_start3A_216 = tpu.memref_slice %arg19[%dma_start3A_215] : memref<6656xf32, #tpu.memory_space<vmem>> -> memref<512xf32, #tpu.memory_space<vmem>>
      %dma_start3A_217 = tpu.memref_slice %arg16[%add3A_210] : memref<212992xf32, #tpu.memory_space<hbm>> -> memref<512xf32, #tpu.memory_space<hbm>>
      %dma_start3A_218 = tpu.memref_slice %arg16[%add3A_210] : memref<212992xf32, #tpu.memory_space<hbm>> -> memref<512xf32, #tpu.memory_space<hbm>>
      %dma_start3A_219 = arith.constant 5120 : i32
      %dma_start3A_220 = tpu.memref_slice %arg19[%dma_start3A_219] : memref<6656xf32, #tpu.memory_space<vmem>> -> memref<512xf32, #tpu.memory_space<vmem>>
      tpu.enqueue_dma source(%dma_start3A_220 : memref<512xf32, #tpu.memory_space<vmem>>) target(%dma_start3A_218 : memref<512xf32, #tpu.memory_space<hbm>>) target_semaphore(%run_scoped3A : memref<!tpu.dma_semaphore, #tpu.memory_space<semaphore_mem>>)
      %dma_wait3A_221 = arith.constant 5120 : i32
      %dma_wait3A_222 = tpu.memref_slice %arg19[%dma_wait3A_221] : memref<6656xf32, #tpu.memory_space<vmem>> -> memref<512xf32, #tpu.memory_space<vmem>>
      %dma_wait3A_223 = tpu.memref_slice %arg16[%add3A_210] : memref<212992xf32, #tpu.memory_space<hbm>> -> memref<512xf32, #tpu.memory_space<hbm>>
      %dma_wait3A_224 = tpu.memref_slice %arg16[%add3A_210] : memref<212992xf32, #tpu.memory_space<hbm>> -> memref<512xf32, #tpu.memory_space<hbm>>
      %dma_wait3A_225 = arith.constant 5120 : i32
      %dma_wait3A_226 = tpu.memref_slice %arg19[%dma_wait3A_225] : memref<6656xf32, #tpu.memory_space<vmem>> -> memref<512xf32, #tpu.memory_space<vmem>>
      tpu.wait_dma2 semaphore(%run_scoped3A : memref<!tpu.dma_semaphore, #tpu.memory_space<semaphore_mem>>) src(%dma_wait3A_226 : memref<512xf32, #tpu.memory_space<vmem>>) dst(%dma_wait3A_224 : memref<512xf32, #tpu.memory_space<hbm>>)
      tpu.yield
    }) : () -> ()
    %add3A_211 = arith.constant 180224 : i32
    %add3A_212 = arith.addi %add3A_211, %mul3A_2 : i32
    "tpu.region"() ({
      %run_scoped3A = tpu.sem_alloc : memref<!tpu.dma_semaphore, #tpu.memory_space<semaphore_mem>>
      %dma_start3A_215 = arith.constant 5632 : i32
      %dma_start3A_216 = tpu.memref_slice %arg19[%dma_start3A_215] : memref<6656xf32, #tpu.memory_space<vmem>> -> memref<512xf32, #tpu.memory_space<vmem>>
      %dma_start3A_217 = tpu.memref_slice %arg16[%add3A_212] : memref<212992xf32, #tpu.memory_space<hbm>> -> memref<512xf32, #tpu.memory_space<hbm>>
      %dma_start3A_218 = tpu.memref_slice %arg16[%add3A_212] : memref<212992xf32, #tpu.memory_space<hbm>> -> memref<512xf32, #tpu.memory_space<hbm>>
      %dma_start3A_219 = arith.constant 5632 : i32
      %dma_start3A_220 = tpu.memref_slice %arg19[%dma_start3A_219] : memref<6656xf32, #tpu.memory_space<vmem>> -> memref<512xf32, #tpu.memory_space<vmem>>
      tpu.enqueue_dma source(%dma_start3A_220 : memref<512xf32, #tpu.memory_space<vmem>>) target(%dma_start3A_218 : memref<512xf32, #tpu.memory_space<hbm>>) target_semaphore(%run_scoped3A : memref<!tpu.dma_semaphore, #tpu.memory_space<semaphore_mem>>)
      %dma_wait3A_221 = arith.constant 5632 : i32
      %dma_wait3A_222 = tpu.memref_slice %arg19[%dma_wait3A_221] : memref<6656xf32, #tpu.memory_space<vmem>> -> memref<512xf32, #tpu.memory_space<vmem>>
      %dma_wait3A_223 = tpu.memref_slice %arg16[%add3A_212] : memref<212992xf32, #tpu.memory_space<hbm>> -> memref<512xf32, #tpu.memory_space<hbm>>
      %dma_wait3A_224 = tpu.memref_slice %arg16[%add3A_212] : memref<212992xf32, #tpu.memory_space<hbm>> -> memref<512xf32, #tpu.memory_space<hbm>>
      %dma_wait3A_225 = arith.constant 5632 : i32
      %dma_wait3A_226 = tpu.memref_slice %arg19[%dma_wait3A_225] : memref<6656xf32, #tpu.memory_space<vmem>> -> memref<512xf32, #tpu.memory_space<vmem>>
      tpu.wait_dma2 semaphore(%run_scoped3A : memref<!tpu.dma_semaphore, #tpu.memory_space<semaphore_mem>>) src(%dma_wait3A_226 : memref<512xf32, #tpu.memory_space<vmem>>) dst(%dma_wait3A_224 : memref<512xf32, #tpu.memory_space<hbm>>)
      tpu.yield
    }) : () -> ()
    %add3A_213 = arith.constant 196608 : i32
    %add3A_214 = arith.addi %add3A_213, %mul3A_2 : i32
    "tpu.region"() ({
      %run_scoped3A = tpu.sem_alloc : memref<!tpu.dma_semaphore, #tpu.memory_space<semaphore_mem>>
      %dma_start3A_215 = arith.constant 6144 : i32
      %dma_start3A_216 = tpu.memref_slice %arg19[%dma_start3A_215] : memref<6656xf32, #tpu.memory_space<vmem>> -> memref<512xf32, #tpu.memory_space<vmem>>
      %dma_start3A_217 = tpu.memref_slice %arg16[%add3A_214] : memref<212992xf32, #tpu.memory_space<hbm>> -> memref<512xf32, #tpu.memory_space<hbm>>
      %dma_start3A_218 = tpu.memref_slice %arg16[%add3A_214] : memref<212992xf32, #tpu.memory_space<hbm>> -> memref<512xf32, #tpu.memory_space<hbm>>
      %dma_start3A_219 = arith.constant 6144 : i32
      %dma_start3A_220 = tpu.memref_slice %arg19[%dma_start3A_219] : memref<6656xf32, #tpu.memory_space<vmem>> -> memref<512xf32, #tpu.memory_space<vmem>>
      tpu.enqueue_dma source(%dma_start3A_220 : memref<512xf32, #tpu.memory_space<vmem>>) target(%dma_start3A_218 : memref<512xf32, #tpu.memory_space<hbm>>) target_semaphore(%run_scoped3A : memref<!tpu.dma_semaphore, #tpu.memory_space<semaphore_mem>>)
      %dma_wait3A_221 = arith.constant 6144 : i32
      %dma_wait3A_222 = tpu.memref_slice %arg19[%dma_wait3A_221] : memref<6656xf32, #tpu.memory_space<vmem>> -> memref<512xf32, #tpu.memory_space<vmem>>
      %dma_wait3A_223 = tpu.memref_slice %arg16[%add3A_214] : memref<212992xf32, #tpu.memory_space<hbm>> -> memref<512xf32, #tpu.memory_space<hbm>>
      %dma_wait3A_224 = tpu.memref_slice %arg16[%add3A_214] : memref<212992xf32, #tpu.memory_space<hbm>> -> memref<512xf32, #tpu.memory_space<hbm>>
      %dma_wait3A_225 = arith.constant 6144 : i32
      %dma_wait3A_226 = tpu.memref_slice %arg19[%dma_wait3A_225] : memref<6656xf32, #tpu.memory_space<vmem>> -> memref<512xf32, #tpu.memory_space<vmem>>
      tpu.wait_dma2 semaphore(%run_scoped3A : memref<!tpu.dma_semaphore, #tpu.memory_space<semaphore_mem>>) src(%dma_wait3A_226 : memref<512xf32, #tpu.memory_space<vmem>>) dst(%dma_wait3A_224 : memref<512xf32, #tpu.memory_space<hbm>>)
      tpu.yield
    }) : () -> ()
    return
  }
}

</mosaic_0001>

<sc_bundles>
// kernel: kernel.4.cloned.1.call-start
scs
__scs_entry_jumppad:
0x0: {  	(pc) =	sbr.rel $0x88, $3  }
0x1: {  	(tag) =	ssettag $0x0;
	lr =	simm.s32 $0x1  }
0x2: {  	[smem:$0x3F9F] =	sst lr;
	_ =	strace $0xD0000000  }
0x3: {  	_ = 	snop  }
0x4: {  	_ = 	snop  }
0x5: {  	_ = 	snop  }
0x6: {  	_ = 	snop  }
0x7: {  	_ = 	snop  }
__scs_overlays_trampoline_lowered:
0x8: {  	[smem:$0x3FAE] =	sst s0  }
0x9: {  	[smem:$0x3FAF] =	sst s1  }
0xa: {  	[smem:$0x3FB0] =	sst s2  }
0xb: {  	[smem:$0x3FB1] =	sst s3  }
0xc: {  	[smem:$0x3FB2] =	sst s4  }
0xd: {  	[smem:$0x3FB3] =	sst s5  }
0xe: {  	[smem:$0x3FB4] =	sst s6  }
0xf: {  	[smem:$0x3FB5] =	sst s7  }
0x10: {  	[smem:$0x3FB6] =	sst s8  }
0x11: {  	[smem:$0x3FB7] =	sst s9;
	s0 =	simm.s32 @!p0 $0x0  }
0x12: {  	s1 =	sld [smem:$0x3F9D];
	s0 =	simm.s32 @p0 $0x1  }
0x13: {  	[smem:$0x3FB8] =	sst s0;
	s0 =	simm.s32 @!p1 $0x0  }
0x14: {  	s2 =	sld [smem:$0x3F9C];
	s0 =	simm.s32 @p1 $0x1  }
0x15: {  	[smem:$0x3FB9] =	sst s0;
	s0 =	simm.s32 @!p2 $0x0  }
0x16: {  	s3 =	sld [smem:$0x3FDB];
	s0 =	simm.s32 @p2 $0x1  }
0x17: {  	s4 =	simm.s32 $0x1BF5;
	[smem:$0x3FBB] =	sst s0  }
0x18: {  	s0 =	sld [smem:$0x3F9E];
	_ =	swait.ge [sflag:s4], $0x0  }
0x19: {  	s7 =	sld [smem:$0x3F9F]  }
0x1a: {  	s8 =	sadd.s32 $0xFFFFE003, lr  }
0x1b: {  	s9 =	sadd.s32 $0xFFFFFEF7, lr;
	s5 =	simm.s32 $0xFFFFFFFF;
	p2 =	slt.u32 s8, $0xFFFFF086  }
0x1c: {  	p1 =	slt.u32 s9, $0xF7A;
	s5 =	simm.s32 @!p2 $0x0  }
0x1d: {  	s5 =	simm.s32 @p1 $0x1;
	p0 =	seq.s32 s7, s2  }
0x1e: {  	s7 =	smul.u32 @!p0 $0xF7A, s2;
	p2 =	seq.s32 @!p0 s5, $0x0  }
0x1f: {  	s9 =	smul.u32 $0xF7A, s1;
	s8 =	simm.s32 @!p0 $0x1BF5;
	p2 =	por !p2, p0  }
0x20: {  	[sflag:s8] =	ssyncset.s32 @!p0 $0xFFFFF086;
	s6 =	sadd.s32 @!p0 s3, s7;
	s7 =	simm.s32 @!p0 $0x108  }
0x21: {  	s3 =	sadd.s32 s3, s9;
	s6 =	sadd.s32 @!p0 $0x88, s6;
	s7 =	simm.s32 @p2 $0x1082  }
0x22: {  	[simem:s7], [sflag:s8] =	dma.local @!p0 [hbm:s6], $0xF7A  }
0x23: {  	s9 =	sor.u32 $0xD0000000, s2;
	s6 =	simm.s32 $0x108;
	_ =	swait.ge @!p0 [sflag:s8], $0x0  }
0x24: {  	s3 =	sadd.s32 $0x88, s3;
	s6 =	simm.s32 @!p1 $0x1082;
	[sflag:s4] =	ssyncset.s32 $0xFFFFF086  }
0x25: {  	[simem:s6], [sflag:s4] =	dma.local [hbm:s3], $0xF7A  }
0x26: {  	[smem:$0x3F9F] =	sst s1;
	(tag) =	ssettag s2;
	_ =	strace s9  }
0x27: {  	s1 =	sld [smem:$0x3FAF]  }
0x28: {  	s2 =	sld [smem:$0x3FB0]  }
0x29: {  	s4 =	sld [smem:$0x3FB2]  }
0x2a: {  	p0 =	seq.s32 s5, $0x0;
	s5 =	sld [smem:$0x3FB3]  }
0x2b: {  	s6 =	sld [smem:$0x3FB4]  }
0x2c: {  	s7 =	sld [smem:$0x3FB5]  }
0x2d: {  	s3 =	simm.s32 $0x108;
	s8 =	sld [smem:$0x3FB6]  }
0x2e: {  	s3 =	simm.s32 @!p0 $0x1082;
	s9 =	sld [smem:$0x3FB7]  }
0x2f: {  	lr =	sadd.s32 s0, s3;
	s0 =	sld [smem:$0x3FAE]  }
0x30: {  	s3 =	sld [smem:$0x3FB1]  }
0x31: {  	[smem:$0x3FBA] =	sst s10  }
0x32: {  	s10 =	sld [smem:$0x3FB8];
	_ =	sdelay $0x3  }
0x33: {  	p0 =	seq.s32 s10, $0x1;
	s10 =	sld [smem:$0x3FBA];
	_ =	sdelay $0x3  }
0x34: {  	[smem:$0x3FBA] =	sst s10  }
0x35: {  	s10 =	sld [smem:$0x3FB9];
	_ =	sdelay $0x3  }
0x36: {  	p1 =	seq.s32 s10, $0x1;
	s10 =	sld [smem:$0x3FBA];
	_ =	sdelay $0x3  }
0x37: {  	[smem:$0x3FBA] =	sst s10  }
0x38: {  	s10 =	sld [smem:$0x3FBB]  }
0x39: {  	_ = 	snop;
	(pc) =	sbr.ind lr, $3  }
0x3a: {  	_ = 	snop  }
0x3b: {  	_ = 	snop  }
0x3c: {  	p2 =	seq.s32 s10, $0x1;
	s10 =	sld [smem:$0x3FBA]  }
0x3d: {  	_ =	shalt  }
0x3e: {  	_ =	shalt  }
0x3f: {  	_ =	shalt  }
0x40: {  	_ =	shalt  }
0x41: {  	_ =	shalt  }
0x42: {  	_ =	shalt  }
0x43: {  	_ =	shalt  }
0x44: {  	_ =	shalt  }
0x45: {  	_ =	shalt  }
0x46: {  	_ =	shalt  }
0x47: {  	_ =	shalt  }
0x48: {  	_ =	shalt  }
0x49: {  	_ =	shalt  }
0x4a: {  	_ =	shalt  }
0x4b: {  	_ =	shalt  }
0x4c: {  	_ =	shalt  }
0x4d: {  	_ =	shalt  }
0x4e: {  	_ =	shalt  }
0x4f: {  	_ =	shalt  }
0x50: {  	_ =	shalt  }
0x51: {  	_ =	shalt  }
0x52: {  	_ =	shalt  }
0x53: {  	_ =	shalt  }
0x54: {  	_ =	shalt  }
0x55: {  	_ =	shalt  }
0x56: {  	_ =	shalt  }
0x57: {  	_ =	shalt  }
0x58: {  	_ =	shalt  }
0x59: {  	_ =	shalt  }
0x5a: {  	_ =	shalt  }
0x5b: {  	_ =	shalt  }
0x5c: {  	_ =	shalt  }
0x5d: {  	_ =	shalt  }
0x5e: {  	_ =	shalt  }
0x5f: {  	_ =	shalt  }
0x60: {  	_ =	shalt  }
0x61: {  	_ =	shalt  }
0x62: {  	_ =	shalt  }
0x63: {  	_ =	shalt  }
0x64: {  	_ =	shalt  }
0x65: {  	_ =	shalt  }
0x66: {  	_ =	shalt  }
0x67: {  	_ =	shalt  }
0x68: {  	_ =	shalt  }
0x69: {  	_ =	shalt  }
0x6a: {  	_ =	shalt  }
0x6b: {  	_ =	shalt  }
0x6c: {  	_ =	shalt  }
0x6d: {  	_ =	shalt  }
0x6e: {  	_ =	shalt  }
0x6f: {  	_ =	shalt  }
0x70: {  	_ =	shalt  }
0x71: {  	_ =	shalt  }
0x72: {  	_ =	shalt  }
0x73: {  	_ =	shalt  }
0x74: {  	_ =	shalt  }
0x75: {  	_ =	shalt  }
0x76: {  	_ =	shalt  }
0x77: {  	_ =	shalt  }
0x78: {  	_ =	shalt  }
0x79: {  	_ =	shalt  }
0x7a: {  	_ =	shalt  }
0x7b: {  	_ =	shalt  }
0x7c: {  	_ =	shalt  }
0x7d: {  	_ =	shalt  }
0x7e: {  	_ =	shalt  }
0x7f: {  	_ =	shalt  }
0x80: {  	_ =	shalt  }
0x81: {  	_ =	shalt  }
0x82: {  	_ =	shalt  }
0x83: {  	_ =	shalt  }
0x84: {  	_ =	shalt  }
0x85: {  	_ =	shalt  }
0x86: {  	_ =	shalt  }
0x87: {  	_ =	shalt  }
.Lfunc_end0:
.L_simem_size_0:
called_computation_lowered:
.L_overlay_start_0:
0x88: {  	s2 =	sld [smem:$0x3FD9]  }
0x89: {  	s3 =	sld [smem:$0x3FFE];
	_ =	sdelay $0x1  }
0x8a: {  	s1 =	srdreg.scid  }
0x8b: {  	s0 =	sand.u32 $0x1, s1  }
0x8c: {  	s17 =	sshll.u32 s0, $0xA;
	s2 =	sadd.s32 s3, s2  }
0x8d: {  	s2 =	sadd.s32 s2, s17  }
0x8e: {  	[smem:$0x3FC6] =	sst s2  }
0x8f: {  	_ = 	snop  }
0x90: {  	s18 =	sld [smem:$0x3FD0];
	(tm) =	ssettm $0x1  }
0x91: {  	s19 =	sld [smem:$0x3FFB];
	_ =	sdelay $0x3  }
0x92: {  	_ =	strace s19  }
0x93: {  	s2 =	sld [smem:$0x3FFC];
	_ =	sdelay $0x3  }
0x94: {  	_ =	strace s2  }
0x95: {  	s2 =	sld [smem:$0x3FFD];
	_ =	sdelay $0x3  }
0x96: {  	_ =	strace s2  }
0x97: {  	_ =	strace $0x8FFFFFFF  }
0x98: {  	s20 =	sld [smem:$0x3FDB];
	_ =	sdelay $0x1  }
0x99: {  	s4 =	simm.s32 $_scs_section_size  }
0x9a: {  	s5 =	simm.s32 $_size__tile_overlayer_lowered;
	s6 =	simm.s32 $_tile_overlayer_lowered  }
0x9b: {  	s7 =	simm.s32 $0x1BFF;
	s21 =	sshll.u32 s6, $0x1;
	s4 =	sadd.s32 s4, s20  }
0x9c: {  	s22 =	simm.s32 $0x0;
	s5 =	sshll.u32 s5, $0x1;
	s6 =	sadd.s32 s21, s4  }
0x9d: {  	[timem:s22], [sflag:s7] =	dma.local [hbm:s6], s5  }
0x9e: {  	_ =	swait.ge [sflag:s7], s5  }
0x9f: {  	s5 =	ssub.s32 $0x0, s5;
	[sflag:s7] =	ssyncset.done $0x0  }
0xa0: {  	[sflag:s7] =	ssyncadd.s32 s5;
	_ =	sdelay $0x1  }
0xa1: {  	s23 =	simm.s32 $0x1B8B  }
0xa2: {  	_ =	swait.ge [sflag:s23], $0x1  }
0xa3: {  	[sflag:s23] =	ssyncset.done $0x0  }
0xa4: {  	[sflag:s23] =	ssyncadd.s32 $0xFFFFFFFF  }
0xa5: {  	s5 =	sld [smem:$0x0]  }
0xa6: {  	s6 =	sand.u32 $0xFFFFFFFE, s1  }
0xa7: {  	p0 =	sne.s32 s1, s6  }
0xa8: {  	s6 =	sshll.u32 @p0 s6, $0xE  }
0xa9: {  	s6 =	sadd.s32 @p0 $0x11B8D, s6;
	s7 =	sshll.u32 @p0 s5, $0x11  }
0xaa: {  	s6 =	sor.u32 @p0 s7, s6  }
0xab: {  	[sflag:s6] =	ssyncadd.remote.s32 @p0 $0x1;
	_ =	sdelay $0x1  }
0xac: {  	s6 =	simm.s32 @p0 $0x1B8D  }
0xad: {  	_ =	swait.eq @p0 [sflag:s6], $0x1  }
0xae: {  	[sflag:s6] =	ssyncadd.s32 @p0 $0xFFFFFFFF  }
0xaf: {  	s7 =	sshll.u32 @!p0 s1, $0xE  }
0xb0: {  	s7 =	sor.u32 @!p0 $0x4000, s7;
	s6 =	simm.s32 @!p0 $0x1B8D  }
0xb1: {  	s5 =	sshll.u32 @!p0 s5, $0x11;
	s7 =	sadd.s32 @!p0 $0x11B8D, s7;
	_ =	swait.eq @!p0 [sflag:s6], $0x1  }
0xb2: {  	s5 =	sor.u32 @!p0 s5, s7;
	[sflag:s6] =	ssyncadd.s32 @!p0 $0xFFFFFFFF  }
0xb3: {  	s25 =	simm.s32 $0x1B8E;
	s24 =	sld [smem:$0x3FFE];
	[sflag:s5] =	ssyncadd.remote.s32 @!p0 $0x1  }
0xb4: {  	s26 =	simm.s32 $execute0_lowered;
	[smem:$0x3FD2] =	sst s25  }
0xb5: {  	s6 =	sshll.u32 s26, $0x1;
	_ =	strace $0x80000049;
	[dreg:$0x1] =	wrdreg $0xFFFFFFFF  }
0xb6: {  	s28 =	simm.s32 $_size_execute0_lowered;
	s4 =	sadd.s32 s4, s6;
	[dreg:$0x0] =	wrdreg $0x0  }
0xb7: {  	s6 =	sshll.u32 s28, $0x1;
	[dreg:$0x2] =	wrdreg s4  }
0xb8: {  	[dreg:$0x3] =	wrdreg s6  }
0xb9: {  	[dreg:$0x4] =	wrdreg $0xC0  }
0xba: {  	_ =	task [dreg:s22], $0x5FFFF  }
0xbb: {  	[dreg:$0x1] =	wrdreg $0xFFFFFFFF  }
0xbc: {  	[dreg:$0x0] =	wrdreg $0x60  }
0xbd: {  	[dreg:$0x2] =	wrdreg s24  }
0xbe: {  	[dreg:$0x3] =	wrdreg s18  }
0xbf: {  	[dreg:$0x4] =	wrdreg $0x9  }
0xc0: {  	_ =	task.clear_ibuf [dreg:s22], $0x5FFFF;
	_ =	strace $0x90000049  }
0xc1: {  	s29 =	simm.s32 $0x9;
	_ =	strace $0x8000004B  }
0xc2: {  	_ =	swait.ge [sflag:s29], $0x1  }
0xc3: {  	[sflag:s29] =	ssyncadd.s32 $0xFFFFFFFF  }
0xc4: {  	_ =	strace $0x9000004B  }
0xc5: {  	_ =	sfence  }
0xc6: {  	s30 =	sld [smem:$0x0];
	_ =	sdelay $0x2  }
0xc7: {  	s31 =	sshll.u32 s1, $0xD;
	s1 =	sshrl.u32 s1, $0x2  }
0xc8: {  	s4 =	sand.u32 $0x4000, s31;
	s1 =	sadd.s32 s1, s30  }
0xc9: {  	s0 =	sor.u32 s4, s0;
	s1 =	sshll.u32 s1, $0x11  }
0xca: {  	s0 =	sor.u32 s1, s0  }
0xcb: {  	s0 =	sadd.s32 $0x8F2B, s0  }
0xcc: {  	[sflag:s0] =	ssyncadd.remote.s32 $0x1  }
0xcd: {  	_ =	sfence.sel $0xFFFF  }
0xce: {  	[dreg:$0x0] =	wrdreg $0xFFFFFFFF;
	(pc) =	sbr.abs _section_cstart, $3  }
0xcf: {  	[dreg:$0x1] =	wrdreg $0xFFFFFFFF  }
0xd0: {  	_ =	task.clear_ibuf [dreg:s22], $0x2FFFF;
	_ =	strace $0x9FFFFFFF  }
0xd1: {  	(tm) =	ssettm $0x7FFFFFFF  }
tec
execute0_lowered:
.L_overlay_start_1:
0x0: {  	(tag) =	ssettag $0x1  }
0x1: {  	s11 =	rddreg [dreg:$0x0]  }
0x2: {  	s0 =	rddreg [dreg:$0x1];
	s1 =	simm.s32 $0x0;
	s2 =	srdreg.scid  }
0x3: {  	s5 =	stileid.u32;
	[smem:$0x7FF] =	sst s1;
	s2 =	sand.u32 $0x1, s2  }
0x4: {  	s5 =	sshll.u32 s5, $0x7;
	s3 =	ssub.s32 $0x2, s2;
	s2 =	sshll.u32 s2, $0x6  }
0x5: {  	_ =	strace $0x8000004A;
	s4 =	sshrl.u32 s3, $0x1;
	s2 =	sor.u32 s2, s5  }
0x6: {  	s12 =	ssub.s32 s3, s4;
	s16 =	sadd.s32 s0, s2;
	s3 =	sor.u32 $0x800, s2  }
0x7: {  	s4 =	sor.u32 $0x1000, s2;
	[dreg:$0x3] =	wrdreg s16;
	s17 =	sadd.s32 s0, s3  }
0x8: {  	s19 =	sor.u32 $0x1800, s2;
	s18 =	sadd.s32 s0, s4;
	[dreg:$0x4] =	wrdreg s17  }
0x9: {  	s20 =	sor.u32 $0x2000, s2;
	s6 =	sadd.s32 s0, s19;
	[dreg:$0x5] =	wrdreg s18  }
0xa: {  	s7 =	sor.u32 $0x2800, s2;
	s8 =	sadd.s32 s0, s20;
	[dreg:$0x6] =	wrdreg s6  }
0xb: {  	s22 =	sor.u32 $0x3000, s2;
	s21 =	sadd.s32 s0, s7;
	[dreg:$0x7] =	wrdreg s8  }
0xc: {  	s23 =	sor.u32 $0x3800, s2;
	s10 =	sadd.s32 s0, s22;
	[dreg:$0x8] =	wrdreg s21  }
0xd: {  	s13 =	sor.u32 $0x4000, s2;
	s14 =	sadd.s32 s0, s23;
	[dreg:$0x9] =	wrdreg s10  }
0xe: {  	s25 =	sor.u32 $0x4800, s2;
	s24 =	sadd.s32 s0, s13;
	[dreg:$0xa] =	wrdreg s14  }
0xf: {  	s9 =	sadd.s32 $0x322C00, s11;
	s15 =	sadd.s32 s0, s25;
	[dreg:$0xb] =	wrdreg s24  }
0x10: {  	s3 =	sadd.s32 s9, s3;
	[dreg:$0xc] =	wrdreg s15  }
0x11: {  	s28 =	simm.s32 $0x4C00;
	s4 =	sadd.s32 s9, s4;
	[dreg:$0x11] =	wrdreg s3  }
0x12: {  	s29 =	simm.s32 $0x1;
	s5 =	sadd.s32 s9, s19;
	[dreg:$0x12] =	wrdreg s4  }
0x13: {  	s30 =	simm.s32 $0x0;
	s7 =	sadd.s32 s9, s7;
	[dreg:$0x13] =	wrdreg s5  }
0x14: {  	s26 =	sor.u32 $0x5000, s2;
	s19 =	sadd.s32 s9, s13;
	[dreg:$0x15] =	wrdreg s7  }
0x15: {  	s16 =	sor.u32 $0x5800, s2;
	s17 =	sadd.s32 s0, s26;
	[dreg:$0x18] =	wrdreg s19  }
0x16: {  	s12 =	smax.u32 s12, $0x1;
	s31 =	sadd.s32 s0, s16;
	[dreg:$0xd] =	wrdreg s17  }
0x17: {  	s13 =	simm.s32 $0x2;
	s6 =	sadd.s32 s9, s20;
	[dreg:$0xe] =	wrdreg s31  }
0x18: {  	s8 =	sadd.s32 s9, s22;
	s18 =	sadd.s32 s9, s23;
	[dreg:$0x14] =	wrdreg s6  }
0x19: {  	s20 =	sadd.s32 $0x24C600, s11;
	s21 =	sadd.s32 $0x22DC00, s11;
	[dreg:$0x16] =	wrdreg s8  }
0x1a: {  	s22 =	sadd.s32 s9, s25;
	s23 =	sadd.s32 $0x304200, s11;
	[dreg:$0x17] =	wrdreg s18  }
0x1b: {  	s24 =	sadd.s32 $0x2E5800, s11;
	s25 =	sadd.s32 s9, s26;
	[dreg:$0x19] =	wrdreg s20  }
0x1c: {  	s26 =	sadd.s32 $0x2C6E00, s11;
	s3 =	sadd.s32 s9, s16;
	[dreg:$0x1a] =	wrdreg s21  }
0x1d: {  	s4 =	sadd.s32 $0x289A00, s11;
	s5 =	sadd.s32 $0x26B000, s11;
	[dreg:$0x1b] =	wrdreg s22  }
0x1e: {  	s7 =	sadd.s32 $0x7A800, s11;
	s10 =	sadd.s32 $0x150E00, s11;
	[dreg:$0x1c] =	wrdreg s23  }
0x1f: {  	s14 =	simm.s32 $0x200;
	s15 =	simm.s32 $0x3400;
	[dreg:$0x1d] =	wrdreg s24  }
0x20: {  	s16 =	simm.s32 $0x3600;
	s19 =	simm.s32 $0x3C00;
	[dreg:$0x1e] =	wrdreg s25  }
0x21: {  	s17 =	sor.u32 $0x6000, s2;
	s2 =	sadd.s32 s9, s2;
	[dreg:$0x1f] =	wrdreg s26  }
0x22: {  	s31 =	sadd.s32 $0x2A8400, s11;
	s6 =	sadd.s32 $0x99200, s11;
	s8 =	sadd.s32 $0x5BE00, s11  }
0x23: {  	s11 =	sadd.s32 $0x208A00, s11;
	s18 =	simm.s32 $0x3A00;
	s20 =	simm.s32 $0x3E00  }
0x24: {  	s21 =	simm.s32 $0x4000;
	s22 =	simm.s32 $0x4200;
	s23 =	simm.s32 $0x4400  }
0x25: {  	s24 =	simm.s32 $0x4600;
	s25 =	simm.s32 $0x4800;
	[dreg:$0x10] =	wrdreg s2  }
0x26: {  	s26 =	simm.s32 $0x4A00;
	s0 =	sadd.s32 s0, s17;
	[smem:$0x7FD] =	sst s31  }
0x27: {  	s9 =	sadd.s32 s9, s17;
	s17 =	simm.s32 $0x3800;
	[dreg:$0xf] =	wrdreg s0  }
.LBB2_1:
0x28: {  	s0 =	rddreg [dreg:$0x3]  }
0x29: {  	[tilespmem:s1], [sflag:$0x2] =	stream.linear.gather [hbm4b:s0+s1], $0x200, $0x38;
	[tilespmem:$0x4E00] =	vst v63  }
0x2a: {  	_ =	swait.ge [sflag:s13], $0x200  }
0x2b: {  	[sflag:s13] =	ssyncset.done $0x0  }
0x2c: {  	s2 =	rddreg [dreg:$0x4];
	[sflag:s13] =	ssyncadd.s32 $0xFFFFFE00  }
0x2d: {  	[tilespmem:s14], [sflag:$0x2] =	stream.linear.gather [hbm4b:s2+s1], $0x200, $0x38;
	[tilespmem:$0x4E00] =	vst v63  }
0x2e: {  	_ =	swait.ge [sflag:s13], $0x200  }
0x2f: {  	[sflag:s13] =	ssyncset.done $0x0  }
0x30: {  	s2 =	simm.s32 $0x400;
	s0 =	rddreg [dreg:$0x5];
	[sflag:s13] =	ssyncadd.s32 $0xFFFFFE00  }
0x31: {  	[tilespmem:s2], [sflag:$0x2] =	stream.linear.gather [hbm4b:s0+s1], $0x200, $0x38;
	[tilespmem:$0x4E00] =	vst v63  }
0x32: {  	_ =	swait.ge [sflag:s13], $0x200  }
0x33: {  	[sflag:s13] =	ssyncset.done $0x0  }
0x34: {  	s2 =	simm.s32 $0x600;
	s0 =	rddreg [dreg:$0x6];
	[sflag:s13] =	ssyncadd.s32 $0xFFFFFE00  }
0x35: {  	[tilespmem:s2], [sflag:$0x2] =	stream.linear.gather [hbm4b:s0+s1], $0x200, $0x38;
	[tilespmem:$0x4E00] =	vst v63  }
0x36: {  	_ =	swait.ge [sflag:s13], $0x200  }
0x37: {  	[sflag:s13] =	ssyncset.done $0x0  }
0x38: {  	s2 =	simm.s32 $0x800;
	s0 =	rddreg [dreg:$0x7];
	[sflag:s13] =	ssyncadd.s32 $0xFFFFFE00  }
0x39: {  	[tilespmem:s2], [sflag:$0x2] =	stream.linear.gather [hbm4b:s0+s1], $0x200, $0x38;
	[tilespmem:$0x4E00] =	vst v63  }
0x3a: {  	_ =	swait.ge [sflag:s13], $0x200  }
0x3b: {  	[sflag:s13] =	ssyncset.done $0x0  }
0x3c: {  	s2 =	simm.s32 $0xA00;
	s0 =	rddreg [dreg:$0x8];
	[sflag:s13] =	ssyncadd.s32 $0xFFFFFE00  }
0x3d: {  	[tilespmem:s2], [sflag:$0x2] =	stream.linear.gather [hbm4b:s0+s1], $0x200, $0x38;
	[tilespmem:$0x4E00] =	vst v63  }
0x3e: {  	_ =	swait.ge [sflag:s13], $0x200  }
0x3f: {  	[sflag:s13] =	ssyncset.done $0x0  }
0x40: {  	s2 =	simm.s32 $0xC00;
	s0 =	rddreg [dreg:$0x9];
	[sflag:s13] =	ssyncadd.s32 $0xFFFFFE00  }
0x41: {  	[tilespmem:s2], [sflag:$0x2] =	stream.linear.gather [hbm4b:s0+s1], $0x200, $0x38;
	[tilespmem:$0x4E00] =	vst v63  }
0x42: {  	_ =	swait.ge [sflag:s13], $0x200  }
0x43: {  	[sflag:s13] =	ssyncset.done $0x0  }
0x44: {  	s2 =	simm.s32 $0xE00;
	s0 =	rddreg [dreg:$0xa];
	[sflag:s13] =	ssyncadd.s32 $0xFFFFFE00  }
0x45: {  	[tilespmem:s2], [sflag:$0x2] =	stream.linear.gather [hbm4b:s0+s1], $0x200, $0x38;
	[tilespmem:$0x4E00] =	vst v63  }
0x46: {  	_ =	swait.ge [sflag:s13], $0x200  }
0x47: {  	[sflag:s13] =	ssyncset.done $0x0  }
0x48: {  	s2 =	simm.s32 $0x1000;
	s0 =	rddreg [dreg:$0xb];
	[sflag:s13] =	ssyncadd.s32 $0xFFFFFE00  }
0x49: {  	[tilespmem:s2], [sflag:$0x2] =	stream.linear.gather [hbm4b:s0+s1], $0x200, $0x38;
	[tilespmem:$0x4E00] =	vst v63  }
0x4a: {  	_ =	swait.ge [sflag:s13], $0x200  }
0x4b: {  	[sflag:s13] =	ssyncset.done $0x0  }
0x4c: {  	s2 =	simm.s32 $0x1200;
	s0 =	rddreg [dreg:$0xc];
	[sflag:s13] =	ssyncadd.s32 $0xFFFFFE00  }
0x4d: {  	[tilespmem:s2], [sflag:$0x2] =	stream.linear.gather [hbm4b:s0+s1], $0x200, $0x38;
	[tilespmem:$0x4E00] =	vst v63  }
0x4e: {  	_ =	swait.ge [sflag:s13], $0x200  }
0x4f: {  	[sflag:s13] =	ssyncset.done $0x0  }
0x50: {  	s2 =	simm.s32 $0x1400;
	s0 =	rddreg [dreg:$0xd];
	[sflag:s13] =	ssyncadd.s32 $0xFFFFFE00  }
0x51: {  	[tilespmem:s2], [sflag:$0x2] =	stream.linear.gather [hbm4b:s0+s1], $0x200, $0x38;
	[tilespmem:$0x4E00] =	vst v63  }
0x52: {  	_ =	swait.ge [sflag:s13], $0x200  }
0x53: {  	[sflag:s13] =	ssyncset.done $0x0  }
0x54: {  	s2 =	simm.s32 $0x1600;
	s0 =	rddreg [dreg:$0xe];
	[sflag:s13] =	ssyncadd.s32 $0xFFFFFE00  }
0x55: {  	[tilespmem:s2], [sflag:$0x2] =	stream.linear.gather [hbm4b:s0+s1], $0x200, $0x38;
	[tilespmem:$0x4E00] =	vst v63  }
0x56: {  	_ =	swait.ge [sflag:s13], $0x200  }
0x57: {  	[sflag:s13] =	ssyncset.done $0x0  }
0x58: {  	s2 =	simm.s32 $0x1800;
	s0 =	rddreg [dreg:$0xf];
	[sflag:s13] =	ssyncadd.s32 $0xFFFFFE00  }
0x59: {  	[tilespmem:s2], [sflag:$0x2] =	stream.linear.gather [hbm4b:s0+s1], $0x200, $0x38;
	[tilespmem:$0x4E00] =	vst v63  }
0x5a: {  	_ =	swait.ge [sflag:s13], $0x200  }
0x5b: {  	[sflag:s13] =	ssyncset.done $0x0  }
0x5c: {  	s2 =	simm.s32 $0x20;
	[sflag:s13] =	ssyncadd.s32 $0xFFFFFE00  }
0x5d: {  	v0 =	vld [tilespmem:s2+$0xFFFFFFE0];
	_ =	sdelay $0x4  }
0x5e: {  	v0 =	vtrunc.f32 v0  }
0x5f: {  	v0 =	vcvt.f32.s32 v0  }
0x60: {  	s31 =	simm.s32 $0x1A20  }
0x61: {  	[tilespmem:s31+$0xFFFFFFE0] =	vst v0  }
0x62: {  	v0 =	vld [tilespmem:s2+$0xFFFFFFF0];
	_ =	sdelay $0x4  }
0x63: {  	v0 =	vtrunc.f32 v0  }
0x64: {  	v0 =	vcvt.f32.s32 v0;
	_ =	sdelay $0x1  }
0x65: {  	[tilespmem:s31+$0xFFFFFFF0] =	vst v0  }
0x66: {  	v0 =	vld [tilespmem:s2+$0x0];
	_ =	sdelay $0x4  }
0x67: {  	v0 =	vtrunc.f32 v0  }
0x68: {  	v0 =	vcvt.f32.s32 v0;
	_ =	sdelay $0x1  }
0x69: {  	[tilespmem:s31+$0x0] =	vst v0  }
0x6a: {  	v0 =	vld [tilespmem:s2+$0x10];
	_ =	sdelay $0x4  }
0x6b: {  	v0 =	vtrunc.f32 v0  }
0x6c: {  	v0 =	vcvt.f32.s32 v0;
	_ =	sdelay $0x1  }
0x6d: {  	s0 =	simm.s32 $0x0;
	s2 =	simm.s32 $0x60;
	[tilespmem:s31+$0x10] =	vst v0  }
.LBB2_2:
0x6e: {  	v0 =	vld [tilespmem:s2+$0xFFFFFFE0];
	s0 =	sadd.s32 $0x4, s0  }
0x6f: {  	p0 =	slt.u32 s0, $0x19C;
	_ =	sdelay $0x3  }
0x70: {  	v0 =	vtrunc.f32 v0  }
0x71: {  	v0 =	vcvt.f32.s32 v0  }
0x72: {  	s31 =	sadd.s32 $0x40, s31  }
0x73: {  	[tilespmem:s31+$0xFFFFFFE0] =	vst v0  }
0x74: {  	v0 =	vld [tilespmem:s2+$0xFFFFFFF0];
	_ =	sdelay $0x4  }
0x75: {  	v0 =	vtrunc.f32 v0  }
0x76: {  	v0 =	vcvt.f32.s32 v0;
	_ =	sdelay $0x1  }
0x77: {  	[tilespmem:s31+$0xFFFFFFF0] =	vst v0  }
0x78: {  	v0 =	vld [tilespmem:s2+$0x0];
	_ =	sdelay $0x4  }
0x79: {  	v0 =	vtrunc.f32 v0  }
0x7a: {  	v0 =	vcvt.f32.s32 v0;
	_ =	sdelay $0x1  }
0x7b: {  	[tilespmem:s31+$0x0] =	vst v0  }
0x7c: {  	v0 =	vld [tilespmem:s2+$0x10];
	_ =	sdelay $0x3  }
.Ltmp0:
0x7d: {  	(pc) =	sbr.rel @p0 .LBB2_2-.Ltmp0, $3  }
0x7e: {  	v0 =	vtrunc.f32 v0  }
0x7f: {  	v0 =	vcvt.f32.s32 v0;
	_ =	sdelay $0x1  }
0x80: {  	s2 =	sadd.s32 $0x40, s2;
	[tilespmem:s31+$0x10] =	vst v0  }
0x81: {  	s0 =	rddreg [dreg:$0x19];
	s2 =	simm.s32 $0x1A00  }
0x82: {  	[tilespmem:s15], [sflag:$0x1] =	stream.indirect.gather [hbm4b:s0+s14], $0x1, s2, s14, $0xb8;
	[tilespmem:$0x4E00] =	vst v63  }
0x83: {  	s31 =	simm.s32 $0x1C00;
	s2 =	rddreg [dreg:$0x1a]  }
0x84: {  	[tilespmem:s16], [sflag:$0x1] =	stream.indirect.gather [hbm4b:s2+s14], $0x1, s31, s14, $0xb8;
	[tilespmem:$0x4E00] =	vst v63  }
0x85: {  	s2 =	rddreg [dreg:$0x1c];
	s31 =	simm.s32 $0x1E00  }
0x86: {  	[tilespmem:s17], [sflag:$0x1] =	stream.indirect.gather [hbm4b:s2+s14], $0x1, s31, s14, $0xb8;
	[tilespmem:$0x4E00] =	vst v63  }
0x87: {  	s2 =	rddreg [dreg:$0x1d];
	s31 =	simm.s32 $0x2000  }
0x88: {  	[tilespmem:s18], [sflag:$0x1] =	stream.indirect.gather [hbm4b:s2+s14], $0x1, s31, s14, $0xb8;
	[tilespmem:$0x4E00] =	vst v63  }
0x89: {  	s2 =	rddreg [dreg:$0x1f];
	s31 =	simm.s32 $0x2200  }
0x8a: {  	[tilespmem:s19], [sflag:$0x1] =	stream.indirect.gather [hbm4b:s2+s14], $0x1, s31, s14, $0xb8;
	[tilespmem:$0x4E00] =	vst v63  }
0x8b: {  	s2 =	sld [smem:$0x7FD];
	_ =	sdelay $0x1  }
0x8c: {  	s31 =	simm.s32 $0x2400  }
0x8d: {  	[tilespmem:s20], [sflag:$0x1] =	stream.indirect.gather [hbm4b:s2+s14], $0x1, s31, s14, $0xb8;
	[tilespmem:$0x4E00] =	vst v63  }
0x8e: {  	s2 =	simm.s32 $0x2600  }
0x8f: {  	[tilespmem:s21], [sflag:$0x1] =	stream.indirect.gather [hbm4b:s4+s14], $0x1, s2, s14, $0xb8;
	[tilespmem:$0x4E00] =	vst v63  }
0x90: {  	s31 =	simm.s32 $0x2800  }
0x91: {  	[tilespmem:s22], [sflag:$0x1] =	stream.indirect.gather [hbm4b:s5+s14], $0x1, s31, s14, $0xb8;
	[tilespmem:$0x4E00] =	vst v63  }
0x92: {  	s2 =	simm.s32 $0x2A00  }
0x93: {  	[tilespmem:s23], [sflag:$0x1] =	stream.indirect.gather [hbm4b:s6+s14], $0x1, s2, s14, $0xb8;
	[tilespmem:$0x4E00] =	vst v63  }
0x94: {  	s31 =	simm.s32 $0x2C00  }
0x95: {  	[tilespmem:s24], [sflag:$0x1] =	stream.indirect.gather [hbm4b:s7+s14], $0x1, s31, s14, $0xb8;
	[tilespmem:$0x4E00] =	vst v63  }
0x96: {  	s2 =	simm.s32 $0x2E00  }
0x97: {  	[tilespmem:s25], [sflag:$0x1] =	stream.indirect.gather [hbm4b:s8+s14], $0x1, s2, s14, $0xb8;
	[tilespmem:$0x4E00] =	vst v63  }
0x98: {  	s31 =	simm.s32 $0x3000  }
0x99: {  	[tilespmem:s26], [sflag:$0x1] =	stream.indirect.gather [hbm4b:s10+s14], $0x1, s31, s14, $0xb8;
	[tilespmem:$0x4E00] =	vst v63  }
0x9a: {  	s2 =	simm.s32 $0x3200  }
0x9b: {  	[tilespmem:s28], [sflag:$0x1] =	stream.indirect.gather [hbm4b:s11+s14], $0x1, s2, s14, $0xb8;
	[tilespmem:$0x4E00] =	vst v63  }
0x9c: {  	_ =	swait.ge [sflag:s29], $0x200  }
0x9d: {  	[sflag:s29] =	ssyncset.done $0x0  }
0x9e: {  	[sflag:s29] =	ssyncadd.s32 $0xFFFFFE00  }
0x9f: {  	_ =	swait.ge [sflag:s29], $0x200  }
0xa0: {  	[sflag:s29] =	ssyncset.done $0x0  }
0xa1: {  	[sflag:s29] =	ssyncadd.s32 $0xFFFFFE00  }
0xa2: {  	_ =	swait.ge [sflag:s29], $0x200  }
0xa3: {  	[sflag:s29] =	ssyncset.done $0x0  }
0xa4: {  	[sflag:s29] =	ssyncadd.s32 $0xFFFFFE00  }
0xa5: {  	_ =	swait.ge [sflag:s29], $0x200  }
0xa6: {  	[sflag:s29] =	ssyncset.done $0x0  }
0xa7: {  	[sflag:s29] =	ssyncadd.s32 $0xFFFFFE00  }
0xa8: {  	_ =	swait.ge [sflag:s29], $0x200  }
0xa9: {  	[sflag:s29] =	ssyncset.done $0x0  }
0xaa: {  	[sflag:s29] =	ssyncadd.s32 $0xFFFFFE00  }
0xab: {  	_ =	swait.ge [sflag:s29], $0x200  }
0xac: {  	[sflag:s29] =	ssyncset.done $0x0  }
0xad: {  	[sflag:s29] =	ssyncadd.s32 $0xFFFFFE00  }
0xae: {  	_ =	swait.ge [sflag:s29], $0x200  }
0xaf: {  	[sflag:s29] =	ssyncset.done $0x0  }
0xb0: {  	[sflag:s29] =	ssyncadd.s32 $0xFFFFFE00  }
0xb1: {  	_ =	swait.ge [sflag:s29], $0x200  }
0xb2: {  	[sflag:s29] =	ssyncset.done $0x0  }
0xb3: {  	[sflag:s29] =	ssyncadd.s32 $0xFFFFFE00  }
0xb4: {  	_ =	swait.ge [sflag:s29], $0x200  }
0xb5: {  	[sflag:s29] =	ssyncset.done $0x0  }
0xb6: {  	[sflag:s29] =	ssyncadd.s32 $0xFFFFFE00  }
0xb7: {  	_ =	swait.ge [sflag:s29], $0x200  }
0xb8: {  	[sflag:s29] =	ssyncset.done $0x0  }
0xb9: {  	[sflag:s29] =	ssyncadd.s32 $0xFFFFFE00  }
0xba: {  	_ =	swait.ge [sflag:s29], $0x200  }
0xbb: {  	[sflag:s29] =	ssyncset.done $0x0  }
0xbc: {  	[sflag:s29] =	ssyncadd.s32 $0xFFFFFE00  }
0xbd: {  	_ =	swait.ge [sflag:s29], $0x200  }
0xbe: {  	[sflag:s29] =	ssyncset.done $0x0  }
0xbf: {  	[sflag:s29] =	ssyncadd.s32 $0xFFFFFE00  }
0xc0: {  	_ =	swait.ge [sflag:s29], $0x200  }
0xc1: {  	[sflag:s29] =	ssyncset.done $0x0  }
0xc2: {  	s31 =	rddreg [dreg:$0x10];
	[sflag:s29] =	ssyncadd.s32 $0xFFFFFE00  }
0xc3: {  	[hbm4b:s31+s1] =	stream.linear.scatter [tilespmem:s15], [sflag:$0x2], $0x200, $0x38;
	[tilespmem:$0x4E00] =	vst v63  }
0xc4: {  	_ =	swait.ge [sflag:s13], $0x200  }
0xc5: {  	[sflag:s13] =	ssyncset.done $0x0  }
0xc6: {  	s2 =	rddreg [dreg:$0x11];
	[sflag:s13] =	ssyncadd.s32 $0xFFFFFE00  }
0xc7: {  	[hbm4b:s2+s1] =	stream.linear.scatter [tilespmem:s16], [sflag:$0x2], $0x200, $0x38;
	[tilespmem:$0x4E00] =	vst v63  }
0xc8: {  	_ =	swait.ge [sflag:s13], $0x200  }
0xc9: {  	[sflag:s13] =	ssyncset.done $0x0  }
0xca: {  	s31 =	rddreg [dreg:$0x12];
	[sflag:s13] =	ssyncadd.s32 $0xFFFFFE00  }
0xcb: {  	[hbm4b:s31+s1] =	stream.linear.scatter [tilespmem:s17], [sflag:$0x2], $0x200, $0x38;
	[tilespmem:$0x4E00] =	vst v63  }
0xcc: {  	_ =	swait.ge [sflag:s13], $0x200  }
0xcd: {  	[sflag:s13] =	ssyncset.done $0x0  }
0xce: {  	s2 =	rddreg [dreg:$0x13];
	[sflag:s13] =	ssyncadd.s32 $0xFFFFFE00  }
0xcf: {  	[hbm4b:s2+s1] =	stream.linear.scatter [tilespmem:s18], [sflag:$0x2], $0x200, $0x38;
	[tilespmem:$0x4E00] =	vst v63  }
0xd0: {  	_ =	swait.ge [sflag:s13], $0x200  }
0xd1: {  	[sflag:s13] =	ssyncset.done $0x0  }
0xd2: {  	s31 =	rddreg [dreg:$0x14];
	[sflag:s13] =	ssyncadd.s32 $0xFFFFFE00  }
0xd3: {  	[hbm4b:s31+s1] =	stream.linear.scatter [tilespmem:s19], [sflag:$0x2], $0x200, $0x38;
	[tilespmem:$0x4E00] =	vst v63  }
0xd4: {  	_ =	swait.ge [sflag:s13], $0x200  }
0xd5: {  	[sflag:s13] =	ssyncset.done $0x0  }
0xd6: {  	s2 =	rddreg [dreg:$0x15];
	[sflag:s13] =	ssyncadd.s32 $0xFFFFFE00  }
0xd7: {  	[hbm4b:s2+s1] =	stream.linear.scatter [tilespmem:s20], [sflag:$0x2], $0x200, $0x38;
	[tilespmem:$0x4E00] =	vst v63  }
0xd8: {  	_ =	swait.ge [sflag:s13], $0x200  }
0xd9: {  	[sflag:s13] =	ssyncset.done $0x0  }
0xda: {  	s31 =	rddreg [dreg:$0x16];
	[sflag:s13] =	ssyncadd.s32 $0xFFFFFE00  }
0xdb: {  	[hbm4b:s31+s1] =	stream.linear.scatter [tilespmem:s21], [sflag:$0x2], $0x200, $0x38;
	[tilespmem:$0x4E00] =	vst v63  }
0xdc: {  	_ =	swait.ge [sflag:s13], $0x200  }
0xdd: {  	[sflag:s13] =	ssyncset.done $0x0  }
0xde: {  	s2 =	rddreg [dreg:$0x17];
	[sflag:s13] =	ssyncadd.s32 $0xFFFFFE00  }
0xdf: {  	[hbm4b:s2+s1] =	stream.linear.scatter [tilespmem:s22], [sflag:$0x2], $0x200, $0x38;
	[tilespmem:$0x4E00] =	vst v63  }
0xe0: {  	_ =	swait.ge [sflag:s13], $0x200  }
0xe1: {  	[sflag:s13] =	ssyncset.done $0x0  }
0xe2: {  	s31 =	rddreg [dreg:$0x18];
	[sflag:s13] =	ssyncadd.s32 $0xFFFFFE00  }
0xe3: {  	[hbm4b:s31+s1] =	stream.linear.scatter [tilespmem:s23], [sflag:$0x2], $0x200, $0x38;
	[tilespmem:$0x4E00] =	vst v63  }
0xe4: {  	_ =	swait.ge [sflag:s13], $0x200  }
0xe5: {  	[sflag:s13] =	ssyncset.done $0x0  }
0xe6: {  	s2 =	rddreg [dreg:$0x1b];
	[sflag:s13] =	ssyncadd.s32 $0xFFFFFE00  }
0xe7: {  	[hbm4b:s2+s1] =	stream.linear.scatter [tilespmem:s24], [sflag:$0x2], $0x200, $0x38;
	[tilespmem:$0x4E00] =	vst v63  }
0xe8: {  	_ =	swait.ge [sflag:s13], $0x200  }
0xe9: {  	[sflag:s13] =	ssyncset.done $0x0  }
0xea: {  	s31 =	rddreg [dreg:$0x1e];
	[sflag:s13] =	ssyncadd.s32 $0xFFFFFE00  }
0xeb: {  	[hbm4b:s31+s1] =	stream.linear.scatter [tilespmem:s25], [sflag:$0x2], $0x200, $0x38;
	[tilespmem:$0x4E00] =	vst v63  }
0xec: {  	_ =	swait.ge [sflag:s13], $0x200  }
0xed: {  	[sflag:s13] =	ssyncset.done $0x0  }
0xee: {  	[sflag:s13] =	ssyncadd.s32 $0xFFFFFE00  }
0xef: {  	[hbm4b:s3+s1] =	stream.linear.scatter [tilespmem:s26], [sflag:$0x2], $0x200, $0x38;
	[tilespmem:$0x4E00] =	vst v63  }
0xf0: {  	s30 =	sadd.s32 $0x1, s30;
	_ =	swait.ge [sflag:s13], $0x200  }
0xf1: {  	p0 =	sne.s32 s30, s12;
	[sflag:s13] =	ssyncset.done $0x0  }
.Ltmp1:
0xf2: {  	[sflag:s13] =	ssyncadd.s32 $0xFFFFFE00;
	(pc) =	sbr.rel @p0 .LBB2_1-.Ltmp1, $4  }
0xf3: {  	[hbm4b:s9+s1] =	stream.linear.scatter [tilespmem:s28], [sflag:$0x2], $0x200, $0x38;
	[tilespmem:$0x4E00] =	vst v63  }
0xf4: {  	_ =	swait.ge [sflag:s13], $0x200  }
0xf5: {  	[sflag:s13] =	ssyncset.done $0x0  }
0xf6: {  	[sflag:s13] =	ssyncadd.s32 $0xFFFFFE00  }
0xf7: {  	_ =	sfence.sel $0x180000  }
0xf8: {  	[bflag:$0x0] =	sbarrier.arrive $0xFFFF  }
0xf9: {  	_ =	strace $0x9000004A  }
0xfa: {  	s0 =	stileid.u32;
	[bflag:$0x2] =	sbarrier.arrive $0xFFFF  }
0xfb: {  	p0 =	sne.s32 s0, $0x0;
	s0 =	rddreg [dreg:$0x2]  }
0xfc: {  	s0 =	sadd.s32 @!p0 $0x100000, s0  }
0xfd: {  	[sflag:s0] =	ssyncadd.tile.s32 @!p0 $0x1;
	_ =	shalt  }
.Lfunc_end2:
_tile_overlayer_lowered:
.L_overlay_start_2:
0xfe: {  	(tag) =	ssettag $0x2  }
0xff: {  	s0 =	rddreg [dreg:$0x0];
	s2 =	stileid.u32  }
0x100: {  	s1 =	rddreg [dreg:$0x1];
	p0 =	sne.s32 s2, $0x0  }
0x101: {  	s3 =	rddreg [dreg:$0x2];
	[bflag:$0x3] =	sbarrier.arrive $0xFFFF;
	s2 =	simm.s32 @!p0 $0x1C02  }
0x102: {  	[timem:s3], [sflag:s2] =	dma.local @!p0 [hbm:s0], s1  }
0x103: {  	s0 =	simm.s32 @!p0 $0x2  }
0x104: {  	_ =	swait.ge @!p0 [sflag:s0], s1  }
0x105: {  	s1 =	ssub.s32 @!p0 $0x0, s1;
	[sflag:s0] =	ssyncset.done @!p0 $0x0  }
0x106: {  	[sflag:s0] =	ssyncadd.s32 @!p0 s1  }
0x107: {  	[bflag:$0x3] =	sbarrier.arrive $0xFFFF  }
0x108: {  	_ =	shalt  }

// kernel: kernel.7.cloned.1.call-start
scs
__scs_entry_jumppad:
0x0: {  	(pc) =	sbr.rel $0x88, $3  }
0x1: {  	(tag) =	ssettag $0x0;
	lr =	simm.s32 $0x1  }
0x2: {  	[smem:$0x3F9F] =	sst lr;
	_ =	strace $0xD0000000  }
0x3: {  	_ = 	snop  }
0x4: {  	_ = 	snop  }
0x5: {  	_ = 	snop  }
0x6: {  	_ = 	snop  }
0x7: {  	_ = 	snop  }
__scs_overlays_trampoline_lowered:
0x8: {  	[smem:$0x3FAE] =	sst s0  }
0x9: {  	[smem:$0x3FAF] =	sst s1  }
0xa: {  	[smem:$0x3FB0] =	sst s2  }
0xb: {  	[smem:$0x3FB1] =	sst s3  }
0xc: {  	[smem:$0x3FB2] =	sst s4  }
0xd: {  	[smem:$0x3FB3] =	sst s5  }
0xe: {  	[smem:$0x3FB4] =	sst s6  }
0xf: {  	[smem:$0x3FB5] =	sst s7  }
0x10: {  	[smem:$0x3FB6] =	sst s8  }
0x11: {  	[smem:$0x3FB7] =	sst s9;
	s0 =	simm.s32 @!p0 $0x0  }
0x12: {  	s1 =	sld [smem:$0x3F9D];
	s0 =	simm.s32 @p0 $0x1  }
0x13: {  	[smem:$0x3FB8] =	sst s0;
	s0 =	simm.s32 @!p1 $0x0  }
0x14: {  	s2 =	sld [smem:$0x3F9C];
	s0 =	simm.s32 @p1 $0x1  }
0x15: {  	[smem:$0x3FB9] =	sst s0;
	s0 =	simm.s32 @!p2 $0x0  }
0x16: {  	s3 =	sld [smem:$0x3FDB];
	s0 =	simm.s32 @p2 $0x1  }
0x17: {  	s4 =	simm.s32 $0x1BF5;
	[smem:$0x3FBB] =	sst s0  }
0x18: {  	s0 =	sld [smem:$0x3F9E];
	_ =	swait.ge [sflag:s4], $0x0  }
0x19: {  	s7 =	sld [smem:$0x3F9F]  }
0x1a: {  	s8 =	sadd.s32 $0xFFFFE003, lr  }
0x1b: {  	s9 =	sadd.s32 $0xFFFFFEF7, lr;
	s5 =	simm.s32 $0xFFFFFFFF;
	p2 =	slt.u32 s8, $0xFFFFF086  }
0x1c: {  	p1 =	slt.u32 s9, $0xF7A;
	s5 =	simm.s32 @!p2 $0x0  }
0x1d: {  	s5 =	simm.s32 @p1 $0x1;
	p0 =	seq.s32 s7, s2  }
0x1e: {  	s7 =	smul.u32 @!p0 $0xF7A, s2;
	p2 =	seq.s32 @!p0 s5, $0x0  }
0x1f: {  	s9 =	smul.u32 $0xF7A, s1;
	s8 =	simm.s32 @!p0 $0x1BF5;
	p2 =	por !p2, p0  }
0x20: {  	[sflag:s8] =	ssyncset.s32 @!p0 $0xFFFFF086;
	s6 =	sadd.s32 @!p0 s3, s7;
	s7 =	simm.s32 @!p0 $0x108  }
0x21: {  	s3 =	sadd.s32 s3, s9;
	s6 =	sadd.s32 @!p0 $0x88, s6;
	s7 =	simm.s32 @p2 $0x1082  }
0x22: {  	[simem:s7], [sflag:s8] =	dma.local @!p0 [hbm:s6], $0xF7A  }
0x23: {  	s9 =	sor.u32 $0xD0000000, s2;
	s6 =	simm.s32 $0x108;
	_ =	swait.ge @!p0 [sflag:s8], $0x0  }
0x24: {  	s3 =	sadd.s32 $0x88, s3;
	s6 =	simm.s32 @!p1 $0x1082;
	[sflag:s4] =	ssyncset.s32 $0xFFFFF086  }
0x25: {  	[simem:s6], [sflag:s4] =	dma.local [hbm:s3], $0xF7A  }
0x26: {  	[smem:$0x3F9F] =	sst s1;
	(tag) =	ssettag s2;
	_ =	strace s9  }
0x27: {  	s1 =	sld [smem:$0x3FAF]  }
0x28: {  	s2 =	sld [smem:$0x3FB0]  }
0x29: {  	s4 =	sld [smem:$0x3FB2]  }
0x2a: {  	p0 =	seq.s32 s5, $0x0;
	s5 =	sld [smem:$0x3FB3]  }
0x2b: {  	s6 =	sld [smem:$0x3FB4]  }
0x2c: {  	s7 =	sld [smem:$0x3FB5]  }
0x2d: {  	s3 =	simm.s32 $0x108;
	s8 =	sld [smem:$0x3FB6]  }
0x2e: {  	s3 =	simm.s32 @!p0 $0x1082;
	s9 =	sld [smem:$0x3FB7]  }
0x2f: {  	lr =	sadd.s32 s0, s3;
	s0 =	sld [smem:$0x3FAE]  }
0x30: {  	s3 =	sld [smem:$0x3FB1]  }
0x31: {  	[smem:$0x3FBA] =	sst s10  }
0x32: {  	s10 =	sld [smem:$0x3FB8];
	_ =	sdelay $0x3  }
0x33: {  	p0 =	seq.s32 s10, $0x1;
	s10 =	sld [smem:$0x3FBA];
	_ =	sdelay $0x3  }
0x34: {  	[smem:$0x3FBA] =	sst s10  }
0x35: {  	s10 =	sld [smem:$0x3FB9];
	_ =	sdelay $0x3  }
0x36: {  	p1 =	seq.s32 s10, $0x1;
	s10 =	sld [smem:$0x3FBA];
	_ =	sdelay $0x3  }
0x37: {  	[smem:$0x3FBA] =	sst s10  }
0x38: {  	s10 =	sld [smem:$0x3FBB]  }
0x39: {  	_ = 	snop;
	(pc) =	sbr.ind lr, $3  }
0x3a: {  	_ = 	snop  }
0x3b: {  	_ = 	snop  }
0x3c: {  	p2 =	seq.s32 s10, $0x1;
	s10 =	sld [smem:$0x3FBA]  }
0x3d: {  	_ =	shalt  }
0x3e: {  	_ =	shalt  }
0x3f: {  	_ =	shalt  }
0x40: {  	_ =	shalt  }
0x41: {  	_ =	shalt  }
0x42: {  	_ =	shalt  }
0x43: {  	_ =	shalt  }
0x44: {  	_ =	shalt  }
0x45: {  	_ =	shalt  }
0x46: {  	_ =	shalt  }
0x47: {  	_ =	shalt  }
0x48: {  	_ =	shalt  }
0x49: {  	_ =	shalt  }
0x4a: {  	_ =	shalt  }
0x4b: {  	_ =	shalt  }
0x4c: {  	_ =	shalt  }
0x4d: {  	_ =	shalt  }
0x4e: {  	_ =	shalt  }
0x4f: {  	_ =	shalt  }
0x50: {  	_ =	shalt  }
0x51: {  	_ =	shalt  }
0x52: {  	_ =	shalt  }
0x53: {  	_ =	shalt  }
0x54: {  	_ =	shalt  }
0x55: {  	_ =	shalt  }
0x56: {  	_ =	shalt  }
0x57: {  	_ =	shalt  }
0x58: {  	_ =	shalt  }
0x59: {  	_ =	shalt  }
0x5a: {  	_ =	shalt  }
0x5b: {  	_ =	shalt  }
0x5c: {  	_ =	shalt  }
0x5d: {  	_ =	shalt  }
0x5e: {  	_ =	shalt  }
0x5f: {  	_ =	shalt  }
0x60: {  	_ =	shalt  }
0x61: {  	_ =	shalt  }
0x62: {  	_ =	shalt  }
0x63: {  	_ =	shalt  }
0x64: {  	_ =	shalt  }
0x65: {  	_ =	shalt  }
0x66: {  	_ =	shalt  }
0x67: {  	_ =	shalt  }
0x68: {  	_ =	shalt  }
0x69: {  	_ =	shalt  }
0x6a: {  	_ =	shalt  }
0x6b: {  	_ =	shalt  }
0x6c: {  	_ =	shalt  }
0x6d: {  	_ =	shalt  }
0x6e: {  	_ =	shalt  }
0x6f: {  	_ =	shalt  }
0x70: {  	_ =	shalt  }
0x71: {  	_ =	shalt  }
0x72: {  	_ =	shalt  }
0x73: {  	_ =	shalt  }
0x74: {  	_ =	shalt  }
0x75: {  	_ =	shalt  }
0x76: {  	_ =	shalt  }
0x77: {  	_ =	shalt  }
0x78: {  	_ =	shalt  }
0x79: {  	_ =	shalt  }
0x7a: {  	_ =	shalt  }
0x7b: {  	_ =	shalt  }
0x7c: {  	_ =	shalt  }
0x7d: {  	_ =	shalt  }
0x7e: {  	_ =	shalt  }
0x7f: {  	_ =	shalt  }
0x80: {  	_ =	shalt  }
0x81: {  	_ =	shalt  }
0x82: {  	_ =	shalt  }
0x83: {  	_ =	shalt  }
0x84: {  	_ =	shalt  }
0x85: {  	_ =	shalt  }
0x86: {  	_ =	shalt  }
0x87: {  	_ =	shalt  }
.Lfunc_end0:
.L_simem_size_0:
called_computation.1_lowered:
.L_overlay_start_0:
0x88: {  	s2 =	sld [smem:$0x3FD9]  }
0x89: {  	s3 =	sld [smem:$0x3FFE];
	_ =	sdelay $0x1  }
0x8a: {  	s1 =	srdreg.scid  }
0x8b: {  	s0 =	sand.u32 $0x1, s1  }
0x8c: {  	s17 =	sshll.u32 s0, $0xA;
	s2 =	sadd.s32 s3, s2  }
0x8d: {  	s2 =	sadd.s32 s2, s17  }
0x8e: {  	[smem:$0x3FC6] =	sst s2  }
0x8f: {  	_ = 	snop  }
0x90: {  	s2 =	sld [smem:$0x3FD0];
	(tm) =	ssettm $0x1  }
0x91: {  	s18 =	sld [smem:$0x3FFB];
	_ =	sdelay $0x3  }
0x92: {  	_ =	strace s18  }
0x93: {  	s3 =	sld [smem:$0x3FFC];
	_ =	sdelay $0x3  }
0x94: {  	_ =	strace s3  }
0x95: {  	s3 =	sld [smem:$0x3FFD];
	_ =	sdelay $0x3  }
0x96: {  	_ =	strace s3  }
0x97: {  	_ =	strace $0x8FFFFFFF  }
0x98: {  	s19 =	sld [smem:$0x3FDB];
	_ =	sdelay $0x1  }
0x99: {  	s4 =	simm.s32 $_scs_section_size  }
0x9a: {  	s5 =	simm.s32 $_size__tile_overlayer_lowered;
	s6 =	simm.s32 $_tile_overlayer_lowered  }
0x9b: {  	s22 =	simm.s32 $0x1BFF;
	s21 =	sshll.u32 s6, $0x1;
	s3 =	sadd.s32 s4, s19  }
0x9c: {  	s7 =	simm.s32 $0x0;
	s20 =	sshll.u32 s5, $0x1;
	s5 =	sadd.s32 s21, s3  }
0x9d: {  	[timem:s7], [sflag:s22] =	dma.local [hbm:s5], s20  }
0x9e: {  	_ =	swait.ge [sflag:s22], s20  }
0x9f: {  	s4 =	ssub.s32 $0x0, s20;
	[sflag:s22] =	ssyncset.done $0x0  }
0xa0: {  	[sflag:s22] =	ssyncadd.s32 s4;
	_ =	sdelay $0x1  }
0xa1: {  	s23 =	simm.s32 $0x1B8B  }
0xa2: {  	_ =	swait.ge [sflag:s23], $0x1  }
0xa3: {  	[sflag:s23] =	ssyncset.done $0x0  }
0xa4: {  	s25 =	simm.s32 $0x1B8E;
	s24 =	sld [smem:$0x3FFE];
	[sflag:s23] =	ssyncadd.s32 $0xFFFFFFFF  }
0xa5: {  	s26 =	simm.s32 $execute0_lowered;
	[smem:$0x3FD2] =	sst s25  }
0xa6: {  	s5 =	sshll.u32 s26, $0x1;
	_ =	strace $0x80000046;
	[dreg:$0x1] =	wrdreg $0xFFFFFFFF  }
0xa7: {  	s28 =	simm.s32 $_size_execute0_lowered;
	s3 =	sadd.s32 s3, s5;
	[dreg:$0x0] =	wrdreg $0x0  }
0xa8: {  	s5 =	sshll.u32 s28, $0x1;
	[dreg:$0x2] =	wrdreg s3  }
0xa9: {  	[dreg:$0x3] =	wrdreg s5  }
0xaa: {  	[dreg:$0x4] =	wrdreg $0xC0  }
0xab: {  	_ =	task [dreg:s7], $0x5FFFF  }
0xac: {  	[dreg:$0x1] =	wrdreg $0xFFFFFFFF  }
0xad: {  	[dreg:$0x0] =	wrdreg $0x60  }
0xae: {  	[dreg:$0x2] =	wrdreg s24  }
0xaf: {  	[dreg:$0x3] =	wrdreg s2  }
0xb0: {  	[dreg:$0x4] =	wrdreg $0xA  }
0xb1: {  	_ =	task.clear_ibuf [dreg:s7], $0x5FFFF;
	_ =	strace $0x90000046  }
0xb2: {  	s29 =	simm.s32 $0xA;
	_ =	strace $0x80000048  }
0xb3: {  	_ =	swait.ge [sflag:s29], $0x1  }
0xb4: {  	[sflag:s29] =	ssyncadd.s32 $0xFFFFFFFF  }
0xb5: {  	_ =	strace $0x90000048  }
0xb6: {  	_ =	sfence  }
0xb7: {  	s30 =	sld [smem:$0x0];
	_ =	sdelay $0x2  }
0xb8: {  	s31 =	sshll.u32 s1, $0xD;
	s1 =	sshrl.u32 s1, $0x2  }
0xb9: {  	s3 =	sand.u32 $0x4000, s31;
	s1 =	sadd.s32 s1, s30  }
0xba: {  	s0 =	sor.u32 s3, s0;
	s1 =	sshll.u32 s1, $0x11  }
0xbb: {  	s0 =	sor.u32 s1, s0  }
0xbc: {  	s0 =	sadd.s32 $0x8F2B, s0  }
0xbd: {  	[sflag:s0] =	ssyncadd.remote.s32 $0x1  }
0xbe: {  	_ =	sfence.sel $0xFFFF  }
0xbf: {  	[dreg:$0x0] =	wrdreg $0xFFFFFFFF;
	(pc) =	sbr.abs _section_cstart, $3  }
0xc0: {  	[dreg:$0x1] =	wrdreg $0xFFFFFFFF  }
0xc1: {  	_ =	task.clear_ibuf [dreg:s7], $0x2FFFF;
	_ =	strace $0x9FFFFFFF  }
0xc2: {  	(tm) =	ssettm $0x7FFFFFFF  }
0xc3: {  	_ =	shalt  }
tec
execute0_lowered:
.L_overlay_start_1:
0x0: {  	(tag) =	ssettag $0x1  }
0x1: {  	s1 =	srdreg.scid  }
0x2: {  	s2 =	stileid.u32;
	s1 =	sand.u32 $0x1, s1  }
0x3: {  	s2 =	sshll.u32 s2, $0x7;
	s4 =	sshll.u32 s1, $0x6  }
0x4: {  	s0 =	rddreg [dreg:$0x1];
	s2 =	sor.u32 s4, s2  }
0x5: {  	s12 =	rddreg [dreg:$0x0];
	s3 =	simm.s32 $0x0;
	s0 =	sadd.s32 s2, s0  }
0x6: {  	[smem:$0x7FF] =	sst s3;
	s20 =	sadd.s32 $0x6800, s0  }
0x7: {  	_ =	strace $0x80000047;
	s21 =	sadd.s32 $0x7000, s0;
	[dreg:$0x3] =	wrdreg s20  }
0x8: {  	s22 =	sadd.s32 $0x7800, s0;
	[dreg:$0x4] =	wrdreg s21  }
0x9: {  	s23 =	sadd.s32 $0x8000, s0;
	[dreg:$0x5] =	wrdreg s22  }
0xa: {  	s24 =	sadd.s32 $0x8800, s0;
	[dreg:$0x6] =	wrdreg s23  }
0xb: {  	s25 =	sadd.s32 $0x9000, s0;
	[dreg:$0x7] =	wrdreg s24  }
0xc: {  	s26 =	sadd.s32 $0x9800, s0;
	[dreg:$0x8] =	wrdreg s25  }
0xd: {  	s31 =	sadd.s32 $0xA000, s0;
	[dreg:$0x9] =	wrdreg s26  }
0xe: {  	s5 =	sadd.s32 $0xA800, s0;
	[dreg:$0xa] =	wrdreg s31  }
0xf: {  	s6 =	sadd.s32 $0xB000, s0;
	[dreg:$0xb] =	wrdreg s5  }
0x10: {  	s7 =	sadd.s32 $0xB800, s0;
	[dreg:$0xc] =	wrdreg s6  }
0x11: {  	s8 =	sadd.s32 $0xC000, s0;
	[dreg:$0xd] =	wrdreg s7  }
0x12: {  	s2 =	sadd.s32 s2, s12;
	s0 =	sadd.s32 $0xC800, s0;
	[dreg:$0xe] =	wrdreg s8  }
0x13: {  	s9 =	sadd.s32 $0x227400, s2;
	[dreg:$0xf] =	wrdreg s0  }
0x14: {  	s10 =	sadd.s32 $0x227C00, s2;
	[dreg:$0x10] =	wrdreg s9  }
0x15: {  	s11 =	sadd.s32 $0x228400, s2;
	[dreg:$0x11] =	wrdreg s10  }
0x16: {  	s28 =	simm.s32 $0x4C00;
	s13 =	sadd.s32 $0x228C00, s2;
	[dreg:$0x12] =	wrdreg s11  }
0x17: {  	s29 =	simm.s32 $0x1;
	s14 =	sadd.s32 $0x229400, s2;
	[dreg:$0x13] =	wrdreg s13  }
0x18: {  	s30 =	simm.s32 $0x0;
	s15 =	sadd.s32 $0x229C00, s2;
	[dreg:$0x14] =	wrdreg s14  }
0x19: {  	s17 =	ssub.s32 $0x2, s1;
	s16 =	sadd.s32 $0x22A400, s2;
	[dreg:$0x15] =	wrdreg s15  }
0x1a: {  	s4 =	sadd.s32 $0xF5000, s12;
	s18 =	sadd.s32 $0x22AC00, s2;
	[dreg:$0x16] =	wrdreg s16  }
0x1b: {  	s19 =	sadd.s32 $0x22B400, s2;
	[dreg:$0x17] =	wrdreg s18;
	s21 =	sadd.s32 $0x22BC00, s2  }
0x1c: {  	[dreg:$0x18] =	wrdreg s19;
	s22 =	sadd.s32 $0x22C400, s2;
	s23 =	sadd.s32 $0x22CC00, s2  }
0x1d: {  	s24 =	sadd.s32 $0x22D400, s2;
	s25 =	sadd.s32 $0x3D400, s12;
	s26 =	sadd.s32 $0x1EA00, s12  }
0x1e: {  	s20 =	sshrl.u32 s17, $0x1;
	s31 =	sadd.s32 $0x132400, s12;
	s2 =	sadd.s32 $0x113A00, s12  }
0x1f: {  	s5 =	sadd.s32 $0xD6600, s12;
	s6 =	sadd.s32 $0xB7C00, s12;
	[dreg:$0x19] =	wrdreg s21  }
0x20: {  	s7 =	sadd.s32 $0x1EA000, s12;
	s8 =	sadd.s32 $0x1CB600, s12;
	[dreg:$0x1a] =	wrdreg s22  }
0x21: {  	s10 =	sadd.s32 $0x1ACC00, s12;
	s11 =	sadd.s32 $0x18E200, s12;
	[dreg:$0x1b] =	wrdreg s23  }
0x22: {  	s12 =	sadd.s32 $0x16F800, s12;
	s13 =	simm.s32 $0x2;
	[dreg:$0x1c] =	wrdreg s24  }
0x23: {  	s14 =	simm.s32 $0x200;
	s15 =	simm.s32 $0x3400;
	[dreg:$0x1d] =	wrdreg s25  }
0x24: {  	s16 =	simm.s32 $0x3600;
	s18 =	simm.s32 $0x3A00;
	[dreg:$0x1e] =	wrdreg s26  }
0x25: {  	s19 =	simm.s32 $0x3C00;
	s0 =	ssub.s32 s17, s20;
	[dreg:$0x1f] =	wrdreg s31  }
0x26: {  	s17 =	simm.s32 $0x3800;
	s20 =	simm.s32 $0x3E00;
	s21 =	simm.s32 $0x4000  }
0x27: {  	s22 =	simm.s32 $0x4200;
	s23 =	simm.s32 $0x4400;
	s24 =	simm.s32 $0x4600  }
0x28: {  	s25 =	simm.s32 $0x4800;
	s26 =	simm.s32 $0x4A00;
	s9 =	smax.u32 s0, $0x1  }
.LBB2_1:
0x29: {  	s0 =	rddreg [dreg:$0x3]  }
0x2a: {  	[tilespmem:s3], [sflag:$0x2] =	stream.linear.gather [hbm4b:s0+s3], $0x200, $0x38;
	[tilespmem:$0x4E00] =	vst v63  }
0x2b: {  	_ =	swait.ge [sflag:s13], $0x200  }
0x2c: {  	[sflag:s13] =	ssyncset.done $0x0  }
0x2d: {  	s1 =	rddreg [dreg:$0x4];
	[sflag:s13] =	ssyncadd.s32 $0xFFFFFE00  }
0x2e: {  	[tilespmem:s14], [sflag:$0x2] =	stream.linear.gather [hbm4b:s1+s3], $0x200, $0x38;
	[tilespmem:$0x4E00] =	vst v63  }
0x2f: {  	_ =	swait.ge [sflag:s13], $0x200  }
0x30: {  	[sflag:s13] =	ssyncset.done $0x0  }
0x31: {  	s1 =	simm.s32 $0x400;
	s0 =	rddreg [dreg:$0x5];
	[sflag:s13] =	ssyncadd.s32 $0xFFFFFE00  }
0x32: {  	[tilespmem:s1], [sflag:$0x2] =	stream.linear.gather [hbm4b:s0+s3], $0x200, $0x38;
	[tilespmem:$0x4E00] =	vst v63  }
0x33: {  	_ =	swait.ge [sflag:s13], $0x200  }
0x34: {  	[sflag:s13] =	ssyncset.done $0x0  }
0x35: {  	s1 =	simm.s32 $0x600;
	s0 =	rddreg [dreg:$0x6];
	[sflag:s13] =	ssyncadd.s32 $0xFFFFFE00  }
0x36: {  	[tilespmem:s1], [sflag:$0x2] =	stream.linear.gather [hbm4b:s0+s3], $0x200, $0x38;
	[tilespmem:$0x4E00] =	vst v63  }
0x37: {  	_ =	swait.ge [sflag:s13], $0x200  }
0x38: {  	[sflag:s13] =	ssyncset.done $0x0  }
0x39: {  	s1 =	simm.s32 $0x800;
	s0 =	rddreg [dreg:$0x7];
	[sflag:s13] =	ssyncadd.s32 $0xFFFFFE00  }
0x3a: {  	[tilespmem:s1], [sflag:$0x2] =	stream.linear.gather [hbm4b:s0+s3], $0x200, $0x38;
	[tilespmem:$0x4E00] =	vst v63  }
0x3b: {  	_ =	swait.ge [sflag:s13], $0x200  }
0x3c: {  	[sflag:s13] =	ssyncset.done $0x0  }
0x3d: {  	s1 =	simm.s32 $0xA00;
	s0 =	rddreg [dreg:$0x8];
	[sflag:s13] =	ssyncadd.s32 $0xFFFFFE00  }
0x3e: {  	[tilespmem:s1], [sflag:$0x2] =	stream.linear.gather [hbm4b:s0+s3], $0x200, $0x38;
	[tilespmem:$0x4E00] =	vst v63  }
0x3f: {  	_ =	swait.ge [sflag:s13], $0x200  }
0x40: {  	[sflag:s13] =	ssyncset.done $0x0  }
0x41: {  	s1 =	simm.s32 $0xC00;
	s0 =	rddreg [dreg:$0x9];
	[sflag:s13] =	ssyncadd.s32 $0xFFFFFE00  }
0x42: {  	[tilespmem:s1], [sflag:$0x2] =	stream.linear.gather [hbm4b:s0+s3], $0x200, $0x38;
	[tilespmem:$0x4E00] =	vst v63  }
0x43: {  	_ =	swait.ge [sflag:s13], $0x200  }
0x44: {  	[sflag:s13] =	ssyncset.done $0x0  }
0x45: {  	s1 =	simm.s32 $0xE00;
	s0 =	rddreg [dreg:$0xa];
	[sflag:s13] =	ssyncadd.s32 $0xFFFFFE00  }
0x46: {  	[tilespmem:s1], [sflag:$0x2] =	stream.linear.gather [hbm4b:s0+s3], $0x200, $0x38;
	[tilespmem:$0x4E00] =	vst v63  }
0x47: {  	_ =	swait.ge [sflag:s13], $0x200  }
0x48: {  	[sflag:s13] =	ssyncset.done $0x0  }
0x49: {  	s1 =	simm.s32 $0x1000;
	s0 =	rddreg [dreg:$0xb];
	[sflag:s13] =	ssyncadd.s32 $0xFFFFFE00  }
0x4a: {  	[tilespmem:s1], [sflag:$0x2] =	stream.linear.gather [hbm4b:s0+s3], $0x200, $0x38;
	[tilespmem:$0x4E00] =	vst v63  }
0x4b: {  	_ =	swait.ge [sflag:s13], $0x200  }
0x4c: {  	[sflag:s13] =	ssyncset.done $0x0  }
0x4d: {  	s1 =	simm.s32 $0x1200;
	s0 =	rddreg [dreg:$0xc];
	[sflag:s13] =	ssyncadd.s32 $0xFFFFFE00  }
0x4e: {  	[tilespmem:s1], [sflag:$0x2] =	stream.linear.gather [hbm4b:s0+s3], $0x200, $0x38;
	[tilespmem:$0x4E00] =	vst v63  }
0x4f: {  	_ =	swait.ge [sflag:s13], $0x200  }
0x50: {  	[sflag:s13] =	ssyncset.done $0x0  }
0x51: {  	s1 =	simm.s32 $0x1400;
	s0 =	rddreg [dreg:$0xd];
	[sflag:s13] =	ssyncadd.s32 $0xFFFFFE00  }
0x52: {  	[tilespmem:s1], [sflag:$0x2] =	stream.linear.gather [hbm4b:s0+s3], $0x200, $0x38;
	[tilespmem:$0x4E00] =	vst v63  }
0x53: {  	_ =	swait.ge [sflag:s13], $0x200  }
0x54: {  	[sflag:s13] =	ssyncset.done $0x0  }
0x55: {  	s1 =	simm.s32 $0x1600;
	s0 =	rddreg [dreg:$0xe];
	[sflag:s13] =	ssyncadd.s32 $0xFFFFFE00  }
0x56: {  	[tilespmem:s1], [sflag:$0x2] =	stream.linear.gather [hbm4b:s0+s3], $0x200, $0x38;
	[tilespmem:$0x4E00] =	vst v63  }
0x57: {  	_ =	swait.ge [sflag:s13], $0x200  }
0x58: {  	[sflag:s13] =	ssyncset.done $0x0  }
0x59: {  	s1 =	simm.s32 $0x1800;
	s0 =	rddreg [dreg:$0xf];
	[sflag:s13] =	ssyncadd.s32 $0xFFFFFE00  }
0x5a: {  	[tilespmem:s1], [sflag:$0x2] =	stream.linear.gather [hbm4b:s0+s3], $0x200, $0x38;
	[tilespmem:$0x4E00] =	vst v63  }
0x5b: {  	_ =	swait.ge [sflag:s13], $0x200  }
0x5c: {  	[sflag:s13] =	ssyncset.done $0x0  }
0x5d: {  	s1 =	simm.s32 $0x20;
	[sflag:s13] =	ssyncadd.s32 $0xFFFFFE00  }
0x5e: {  	v0 =	vld [tilespmem:s1+$0xFFFFFFE0];
	_ =	sdelay $0x4  }
0x5f: {  	v0 =	vtrunc.f32 v0  }
0x60: {  	v0 =	vcvt.f32.s32 v0  }
0x61: {  	s31 =	simm.s32 $0x1A20  }
0x62: {  	[tilespmem:s31+$0xFFFFFFE0] =	vst v0  }
0x63: {  	v0 =	vld [tilespmem:s1+$0xFFFFFFF0];
	_ =	sdelay $0x4  }
0x64: {  	v0 =	vtrunc.f32 v0  }
0x65: {  	v0 =	vcvt.f32.s32 v0;
	_ =	sdelay $0x1  }
0x66: {  	[tilespmem:s31+$0xFFFFFFF0] =	vst v0  }
0x67: {  	v0 =	vld [tilespmem:s1+$0x0];
	_ =	sdelay $0x4  }
0x68: {  	v0 =	vtrunc.f32 v0  }
0x69: {  	v0 =	vcvt.f32.s32 v0;
	_ =	sdelay $0x1  }
0x6a: {  	[tilespmem:s31+$0x0] =	vst v0  }
0x6b: {  	v0 =	vld [tilespmem:s1+$0x10];
	_ =	sdelay $0x4  }
0x6c: {  	v0 =	vtrunc.f32 v0  }
0x6d: {  	v0 =	vcvt.f32.s32 v0;
	_ =	sdelay $0x1  }
0x6e: {  	s0 =	simm.s32 $0x0;
	s1 =	simm.s32 $0x60;
	[tilespmem:s31+$0x10] =	vst v0  }
.LBB2_2:
0x6f: {  	v0 =	vld [tilespmem:s1+$0xFFFFFFE0];
	s0 =	sadd.s32 $0x4, s0  }
0x70: {  	p0 =	slt.u32 s0, $0x19C;
	_ =	sdelay $0x3  }
0x71: {  	v0 =	vtrunc.f32 v0  }
0x72: {  	v0 =	vcvt.f32.s32 v0  }
0x73: {  	s31 =	sadd.s32 $0x40, s31  }
0x74: {  	[tilespmem:s31+$0xFFFFFFE0] =	vst v0  }
0x75: {  	v0 =	vld [tilespmem:s1+$0xFFFFFFF0];
	_ =	sdelay $0x4  }
0x76: {  	v0 =	vtrunc.f32 v0  }
0x77: {  	v0 =	vcvt.f32.s32 v0;
	_ =	sdelay $0x1  }
0x78: {  	[tilespmem:s31+$0xFFFFFFF0] =	vst v0  }
0x79: {  	v0 =	vld [tilespmem:s1+$0x0];
	_ =	sdelay $0x4  }
0x7a: {  	v0 =	vtrunc.f32 v0  }
0x7b: {  	v0 =	vcvt.f32.s32 v0;
	_ =	sdelay $0x1  }
0x7c: {  	[tilespmem:s31+$0x0] =	vst v0  }
0x7d: {  	v0 =	vld [tilespmem:s1+$0x10];
	_ =	sdelay $0x3  }
.Ltmp0:
0x7e: {  	(pc) =	sbr.rel @p0 .LBB2_2-.Ltmp0, $3  }
0x7f: {  	v0 =	vtrunc.f32 v0  }
0x80: {  	v0 =	vcvt.f32.s32 v0;
	_ =	sdelay $0x1  }
0x81: {  	s1 =	sadd.s32 $0x40, s1;
	[tilespmem:s31+$0x10] =	vst v0  }
0x82: {  	s0 =	rddreg [dreg:$0x1d];
	s1 =	simm.s32 $0x1A00  }
0x83: {  	[tilespmem:s15], [sflag:$0x1] =	stream.indirect.gather [hbm4b:s0+s14], $0x1, s1, s14, $0xb8;
	[tilespmem:$0x4E00] =	vst v63  }
0x84: {  	s31 =	simm.s32 $0x1C00;
	s1 =	rddreg [dreg:$0x1e]  }
0x85: {  	[tilespmem:s16], [sflag:$0x1] =	stream.indirect.gather [hbm4b:s1+s14], $0x1, s31, s14, $0xb8;
	[tilespmem:$0x4E00] =	vst v63  }
0x86: {  	s1 =	rddreg [dreg:$0x0];
	s31 =	simm.s32 $0x1E00  }
0x87: {  	[tilespmem:s17], [sflag:$0x1] =	stream.indirect.gather [hbm4b:s1+s14], $0x1, s31, s14, $0xb8;
	[tilespmem:$0x4E00] =	vst v63  }
0x88: {  	s1 =	rddreg [dreg:$0x1f];
	s31 =	simm.s32 $0x2000  }
0x89: {  	[tilespmem:s18], [sflag:$0x1] =	stream.indirect.gather [hbm4b:s1+s14], $0x1, s31, s14, $0xb8;
	[tilespmem:$0x4E00] =	vst v63  }
0x8a: {  	s1 =	simm.s32 $0x2200  }
0x8b: {  	[tilespmem:s19], [sflag:$0x1] =	stream.indirect.gather [hbm4b:s2+s14], $0x1, s1, s14, $0xb8;
	[tilespmem:$0x4E00] =	vst v63  }
0x8c: {  	s31 =	simm.s32 $0x2400  }
0x8d: {  	[tilespmem:s20], [sflag:$0x1] =	stream.indirect.gather [hbm4b:s4+s14], $0x1, s31, s14, $0xb8;
	[tilespmem:$0x4E00] =	vst v63  }
0x8e: {  	s1 =	simm.s32 $0x2600  }
0x8f: {  	[tilespmem:s21], [sflag:$0x1] =	stream.indirect.gather [hbm4b:s5+s14], $0x1, s1, s14, $0xb8;
	[tilespmem:$0x4E00] =	vst v63  }
0x90: {  	s31 =	simm.s32 $0x2800  }
0x91: {  	[tilespmem:s22], [sflag:$0x1] =	stream.indirect.gather [hbm4b:s6+s14], $0x1, s31, s14, $0xb8;
	[tilespmem:$0x4E00] =	vst v63  }
0x92: {  	s1 =	simm.s32 $0x2A00  }
0x93: {  	[tilespmem:s23], [sflag:$0x1] =	stream.indirect.gather [hbm4b:s7+s14], $0x1, s1, s14, $0xb8;
	[tilespmem:$0x4E00] =	vst v63  }
0x94: {  	s31 =	simm.s32 $0x2C00  }
0x95: {  	[tilespmem:s24], [sflag:$0x1] =	stream.indirect.gather [hbm4b:s8+s14], $0x1, s31, s14, $0xb8;
	[tilespmem:$0x4E00] =	vst v63  }
0x96: {  	s1 =	simm.s32 $0x2E00  }
0x97: {  	[tilespmem:s25], [sflag:$0x1] =	stream.indirect.gather [hbm4b:s10+s14], $0x1, s1, s14, $0xb8;
	[tilespmem:$0x4E00] =	vst v63  }
0x98: {  	s31 =	simm.s32 $0x3000  }
0x99: {  	[tilespmem:s26], [sflag:$0x1] =	stream.indirect.gather [hbm4b:s11+s14], $0x1, s31, s14, $0xb8;
	[tilespmem:$0x4E00] =	vst v63  }
0x9a: {  	s1 =	simm.s32 $0x3200  }
0x9b: {  	[tilespmem:s28], [sflag:$0x1] =	stream.indirect.gather [hbm4b:s12+s14], $0x1, s1, s14, $0xb8;
	[tilespmem:$0x4E00] =	vst v63  }
0x9c: {  	_ =	swait.ge [sflag:s29], $0x200  }
0x9d: {  	[sflag:s29] =	ssyncset.done $0x0  }
0x9e: {  	[sflag:s29] =	ssyncadd.s32 $0xFFFFFE00  }
0x9f: {  	_ =	swait.ge [sflag:s29], $0x200  }
0xa0: {  	[sflag:s29] =	ssyncset.done $0x0  }
0xa1: {  	[sflag:s29] =	ssyncadd.s32 $0xFFFFFE00  }
0xa2: {  	_ =	swait.ge [sflag:s29], $0x200  }
0xa3: {  	[sflag:s29] =	ssyncset.done $0x0  }
0xa4: {  	[sflag:s29] =	ssyncadd.s32 $0xFFFFFE00  }
0xa5: {  	_ =	swait.ge [sflag:s29], $0x200  }
0xa6: {  	[sflag:s29] =	ssyncset.done $0x0  }
0xa7: {  	[sflag:s29] =	ssyncadd.s32 $0xFFFFFE00  }
0xa8: {  	_ =	swait.ge [sflag:s29], $0x200  }
0xa9: {  	[sflag:s29] =	ssyncset.done $0x0  }
0xaa: {  	[sflag:s29] =	ssyncadd.s32 $0xFFFFFE00  }
0xab: {  	_ =	swait.ge [sflag:s29], $0x200  }
0xac: {  	[sflag:s29] =	ssyncset.done $0x0  }
0xad: {  	[sflag:s29] =	ssyncadd.s32 $0xFFFFFE00  }
0xae: {  	_ =	swait.ge [sflag:s29], $0x200  }
0xaf: {  	[sflag:s29] =	ssyncset.done $0x0  }
0xb0: {  	[sflag:s29] =	ssyncadd.s32 $0xFFFFFE00  }
0xb1: {  	_ =	swait.ge [sflag:s29], $0x200  }
0xb2: {  	[sflag:s29] =	ssyncset.done $0x0  }
0xb3: {  	[sflag:s29] =	ssyncadd.s32 $0xFFFFFE00  }
0xb4: {  	_ =	swait.ge [sflag:s29], $0x200  }
0xb5: {  	[sflag:s29] =	ssyncset.done $0x0  }
0xb6: {  	[sflag:s29] =	ssyncadd.s32 $0xFFFFFE00  }
0xb7: {  	_ =	swait.ge [sflag:s29], $0x200  }
0xb8: {  	[sflag:s29] =	ssyncset.done $0x0  }
0xb9: {  	[sflag:s29] =	ssyncadd.s32 $0xFFFFFE00  }
0xba: {  	_ =	swait.ge [sflag:s29], $0x200  }
0xbb: {  	[sflag:s29] =	ssyncset.done $0x0  }
0xbc: {  	[sflag:s29] =	ssyncadd.s32 $0xFFFFFE00  }
0xbd: {  	_ =	swait.ge [sflag:s29], $0x200  }
0xbe: {  	[sflag:s29] =	ssyncset.done $0x0  }
0xbf: {  	[sflag:s29] =	ssyncadd.s32 $0xFFFFFE00  }
0xc0: {  	_ =	swait.ge [sflag:s29], $0x200  }
0xc1: {  	[sflag:s29] =	ssyncset.done $0x0  }
0xc2: {  	s31 =	rddreg [dreg:$0x10];
	[sflag:s29] =	ssyncadd.s32 $0xFFFFFE00  }
0xc3: {  	[hbm4b:s31+s3] =	stream.linear.scatter [tilespmem:s15], [sflag:$0x2], $0x200, $0x38;
	[tilespmem:$0x4E00] =	vst v63  }
0xc4: {  	_ =	swait.ge [sflag:s13], $0x200  }
0xc5: {  	[sflag:s13] =	ssyncset.done $0x0  }
0xc6: {  	s1 =	rddreg [dreg:$0x11];
	[sflag:s13] =	ssyncadd.s32 $0xFFFFFE00  }
0xc7: {  	[hbm4b:s1+s3] =	stream.linear.scatter [tilespmem:s16], [sflag:$0x2], $0x200, $0x38;
	[tilespmem:$0x4E00] =	vst v63  }
0xc8: {  	_ =	swait.ge [sflag:s13], $0x200  }
0xc9: {  	[sflag:s13] =	ssyncset.done $0x0  }
0xca: {  	s31 =	rddreg [dreg:$0x12];
	[sflag:s13] =	ssyncadd.s32 $0xFFFFFE00  }
0xcb: {  	[hbm4b:s31+s3] =	stream.linear.scatter [tilespmem:s17], [sflag:$0x2], $0x200, $0x38;
	[tilespmem:$0x4E00] =	vst v63  }
0xcc: {  	_ =	swait.ge [sflag:s13], $0x200  }
0xcd: {  	[sflag:s13] =	ssyncset.done $0x0  }
0xce: {  	s1 =	rddreg [dreg:$0x13];
	[sflag:s13] =	ssyncadd.s32 $0xFFFFFE00  }
0xcf: {  	[hbm4b:s1+s3] =	stream.linear.scatter [tilespmem:s18], [sflag:$0x2], $0x200, $0x38;
	[tilespmem:$0x4E00] =	vst v63  }
0xd0: {  	_ =	swait.ge [sflag:s13], $0x200  }
0xd1: {  	[sflag:s13] =	ssyncset.done $0x0  }
0xd2: {  	s31 =	rddreg [dreg:$0x14];
	[sflag:s13] =	ssyncadd.s32 $0xFFFFFE00  }
0xd3: {  	[hbm4b:s31+s3] =	stream.linear.scatter [tilespmem:s19], [sflag:$0x2], $0x200, $0x38;
	[tilespmem:$0x4E00] =	vst v63  }
0xd4: {  	_ =	swait.ge [sflag:s13], $0x200  }
0xd5: {  	[sflag:s13] =	ssyncset.done $0x0  }
0xd6: {  	s1 =	rddreg [dreg:$0x15];
	[sflag:s13] =	ssyncadd.s32 $0xFFFFFE00  }
0xd7: {  	[hbm4b:s1+s3] =	stream.linear.scatter [tilespmem:s20], [sflag:$0x2], $0x200, $0x38;
	[tilespmem:$0x4E00] =	vst v63  }
0xd8: {  	_ =	swait.ge [sflag:s13], $0x200  }
0xd9: {  	[sflag:s13] =	ssyncset.done $0x0  }
0xda: {  	s31 =	rddreg [dreg:$0x16];
	[sflag:s13] =	ssyncadd.s32 $0xFFFFFE00  }
0xdb: {  	[hbm4b:s31+s3] =	stream.linear.scatter [tilespmem:s21], [sflag:$0x2], $0x200, $0x38;
	[tilespmem:$0x4E00] =	vst v63  }
0xdc: {  	_ =	swait.ge [sflag:s13], $0x200  }
0xdd: {  	[sflag:s13] =	ssyncset.done $0x0  }
0xde: {  	s1 =	rddreg [dreg:$0x17];
	[sflag:s13] =	ssyncadd.s32 $0xFFFFFE00  }
0xdf: {  	[hbm4b:s1+s3] =	stream.linear.scatter [tilespmem:s22], [sflag:$0x2], $0x200, $0x38;
	[tilespmem:$0x4E00] =	vst v63  }
0xe0: {  	_ =	swait.ge [sflag:s13], $0x200  }
0xe1: {  	[sflag:s13] =	ssyncset.done $0x0  }
0xe2: {  	s31 =	rddreg [dreg:$0x18];
	[sflag:s13] =	ssyncadd.s32 $0xFFFFFE00  }
0xe3: {  	[hbm4b:s31+s3] =	stream.linear.scatter [tilespmem:s23], [sflag:$0x2], $0x200, $0x38;
	[tilespmem:$0x4E00] =	vst v63  }
0xe4: {  	_ =	swait.ge [sflag:s13], $0x200  }
0xe5: {  	[sflag:s13] =	ssyncset.done $0x0  }
0xe6: {  	s1 =	rddreg [dreg:$0x19];
	[sflag:s13] =	ssyncadd.s32 $0xFFFFFE00  }
0xe7: {  	[hbm4b:s1+s3] =	stream.linear.scatter [tilespmem:s24], [sflag:$0x2], $0x200, $0x38;
	[tilespmem:$0x4E00] =	vst v63  }
0xe8: {  	_ =	swait.ge [sflag:s13], $0x200  }
0xe9: {  	[sflag:s13] =	ssyncset.done $0x0  }
0xea: {  	s31 =	rddreg [dreg:$0x1a];
	[sflag:s13] =	ssyncadd.s32 $0xFFFFFE00  }
0xeb: {  	[hbm4b:s31+s3] =	stream.linear.scatter [tilespmem:s25], [sflag:$0x2], $0x200, $0x38;
	[tilespmem:$0x4E00] =	vst v63  }
0xec: {  	_ =	swait.ge [sflag:s13], $0x200  }
0xed: {  	[sflag:s13] =	ssyncset.done $0x0  }
0xee: {  	s1 =	rddreg [dreg:$0x1b];
	[sflag:s13] =	ssyncadd.s32 $0xFFFFFE00  }
0xef: {  	[hbm4b:s1+s3] =	stream.linear.scatter [tilespmem:s26], [sflag:$0x2], $0x200, $0x38;
	[tilespmem:$0x4E00] =	vst v63  }
0xf0: {  	s30 =	sadd.s32 $0x1, s30;
	_ =	swait.ge [sflag:s13], $0x200  }
0xf1: {  	p0 =	sne.s32 s30, s9;
	[sflag:s13] =	ssyncset.done $0x0  }
.Ltmp1:
0xf2: {  	s31 =	rddreg [dreg:$0x1c];
	[sflag:s13] =	ssyncadd.s32 $0xFFFFFE00;
	(pc) =	sbr.rel @p0 .LBB2_1-.Ltmp1, $4  }
0xf3: {  	[hbm4b:s31+s3] =	stream.linear.scatter [tilespmem:s28], [sflag:$0x2], $0x200, $0x38;
	[tilespmem:$0x4E00] =	vst v63  }
0xf4: {  	_ =	swait.ge [sflag:s13], $0x200  }
0xf5: {  	[sflag:s13] =	ssyncset.done $0x0  }
0xf6: {  	[sflag:s13] =	ssyncadd.s32 $0xFFFFFE00  }
0xf7: {  	_ =	sfence.sel $0x180000  }
0xf8: {  	[bflag:$0x0] =	sbarrier.arrive $0xFFFF  }
0xf9: {  	_ =	strace $0x90000047  }
0xfa: {  	s0 =	stileid.u32;
	[bflag:$0x2] =	sbarrier.arrive $0xFFFF  }
0xfb: {  	p0 =	sne.s32 s0, $0x0;
	s0 =	rddreg [dreg:$0x2]  }
0xfc: {  	s0 =	sadd.s32 @!p0 $0x100000, s0  }
0xfd: {  	[sflag:s0] =	ssyncadd.tile.s32 @!p0 $0x1;
	_ =	shalt  }
.Lfunc_end2:
_tile_overlayer_lowered:
.L_overlay_start_2:
0xfe: {  	(tag) =	ssettag $0x2  }
0xff: {  	s0 =	rddreg [dreg:$0x0];
	s2 =	stileid.u32  }
0x100: {  	s1 =	rddreg [dreg:$0x1];
	p0 =	sne.s32 s2, $0x0  }
0x101: {  	s3 =	rddreg [dreg:$0x2];
	[bflag:$0x3] =	sbarrier.arrive $0xFFFF;
	s2 =	simm.s32 @!p0 $0x1C02  }
0x102: {  	[timem:s3], [sflag:s2] =	dma.local @!p0 [hbm:s0], s1  }
0x103: {  	s0 =	simm.s32 @!p0 $0x2  }
0x104: {  	_ =	swait.ge @!p0 [sflag:s0], s1  }
0x105: {  	s1 =	ssub.s32 @!p0 $0x0, s1;
	[sflag:s0] =	ssyncset.done @!p0 $0x0  }
0x106: {  	[sflag:s0] =	ssyncadd.s32 @!p0 s1  }
0x107: {  	[bflag:$0x3] =	sbarrier.arrive $0xFFFF  }
0x108: {  	_ =	shalt  }

</sc_bundles>
